<compile_context>
chip_gen: v7x
topology: tpu7x:2x2x1
jax: 0.10.2.dev20260603
libtpu: 0.0.44.dev20260713+nightly
codegen_flags: <defaults>
</compile_context>

<pallas_src>
import functools

import jax
import jax.numpy as jnp
from jax import lax
from jax.experimental import pallas as pl
from jax.experimental.pallas import tpu as pltpu
from jax.experimental.pallas import tpu_sc as plsc

DIM = 1024
BINS = 1024
TOK_TILE = 1024
NB = 2


def _first_step():
    return jnp.logical_and(pl.program_id(0) == 0, pl.program_id(1) == 0)


def _codes_from(r, cb_ref, cn_ref):
    @pl.when(_first_step())
    def _():
        cb = cb_ref[0]
        cn_ref[...] = jnp.sum(cb * cb, axis=1, keepdims=True)

    s = lax.dot_general(cb_ref[0], r, (((1,), (0,)), ((), ())),
                        preferred_element_type=jnp.float32)
    rn = jnp.sum(r * r, axis=0, keepdims=True)
    d = (rn - 2.0 * s) + cn_ref[...]
    m = jnp.min(d, axis=0, keepdims=True)
    iota = lax.broadcasted_iota(jnp.int32, d.shape, 0)
    cand = jnp.where(d == m, iota, BINS)
    return jnp.min(cand, axis=0, keepdims=True)


def _stage_a_body(x_ref, cb_ref, codes_ref, cn_ref):
    codes_ref[...] = _codes_from(x_ref[0], cb_ref, cn_ref).reshape(1, 1, TOK_TILE)


def _stage_b_body(x_ref, q0_ref, cb_ref, codes_ref, cn_ref):
    r = x_ref[0] - q0_ref[...].T
    codes_ref[...] = _codes_from(r, cb_ref, cn_ref).reshape(1, 1, TOK_TILE)


def _stage_c_body(x_ref, q0_ref, q1_ref, quant_ref, res2_ref, l0_ref, l1_ref):
    xt = x_ref[0]
    r1 = xt - q0_ref[...].T
    r2 = r1 - q1_ref[...].T
    res2_ref[0] = r2
    quant_ref[0] = xt - r2

    @pl.when(_first_step())
    def _():
        l0_ref[...] = jnp.zeros_like(l0_ref)
        l1_ref[...] = jnp.zeros_like(l1_ref)

    l0_ref[...] += jnp.sum(r1 * r1).reshape(1, 1)
    l1_ref[...] += jnp.sum(r2 * r2).reshape(1, 1)


def _x_spec(boff):
    return pl.BlockSpec((1, DIM, TOK_TILE), lambda b, t: (b + boff, 0, t))


def _q_spec(nt):
    return pl.BlockSpec((TOK_TILE, DIM), lambda b, t: (b * nt + t, 0))


def _cb_spec(q):
    return pl.BlockSpec((1, BINS, DIM), lambda b, t: (q, 0, 0))


def _codes_spec(nt):
    return pl.BlockSpec((1, 1, TOK_TILE), lambda b, t: (b * nt + t, 0, 0))


def _loss_spec():
    return pl.BlockSpec((1, 1), lambda b, t: (0, 0))


def _stage_a(x, cbs, boff):
    tt = x.shape[2]
    nt = tt // TOK_TILE
    return pl.pallas_call(
        _stage_a_body,
        grid=(NB, nt),
        in_specs=[_x_spec(boff), _cb_spec(0)],
        out_specs=_codes_spec(nt),
        out_shape=jax.ShapeDtypeStruct((NB * nt, 1, TOK_TILE), jnp.int32),
        scratch_shapes=[pltpu.VMEM((BINS, 1), jnp.float32)],
    )(x, cbs)


def _stage_b(x, q0, cbs, boff):
    tt = x.shape[2]
    nt = tt // TOK_TILE
    return pl.pallas_call(
        _stage_b_body,
        grid=(NB, nt),
        in_specs=[_x_spec(boff), _q_spec(nt), _cb_spec(1)],
        out_specs=_codes_spec(nt),
        out_shape=jax.ShapeDtypeStruct((NB * nt, 1, TOK_TILE), jnp.int32),
        scratch_shapes=[pltpu.VMEM((BINS, 1), jnp.float32)],
    )(x, q0, cbs)


C_TILE = 1024


def _stage_c(x, q0, q1, boff, prev=None):
    bb, d, tt = x.shape
    nt = tt // C_TILE
    xs = pl.BlockSpec((1, DIM, C_TILE), lambda b, t: (b + boff, 0, t))
    qs = pl.BlockSpec((C_TILE, DIM), lambda b, t: (b * nt + t, 0))
    in_specs = [xs, qs, qs]
    operands = [x, q0, q1]
    aliases = {}
    if prev is not None:
        any_spec = pl.BlockSpec(memory_space=pl.ANY)
        in_specs += [any_spec, any_spec]
        operands += [prev[0], prev[1]]
        aliases = {3: 0, 4: 1}

    def body(*refs):
        if prev is not None:
            x_ref, q0_ref, q1_ref, _, _, quant_ref, res2_ref, l0_ref, l1_ref = refs
        else:
            x_ref, q0_ref, q1_ref, quant_ref, res2_ref, l0_ref, l1_ref = refs
        _stage_c_body(x_ref, q0_ref, q1_ref, quant_ref, res2_ref, l0_ref, l1_ref)

    return pl.pallas_call(
        body,
        grid=(NB, nt),
        in_specs=in_specs,
        out_specs=[xs, xs, _loss_spec(), _loss_spec()],
        out_shape=[
            jax.ShapeDtypeStruct((bb, d, tt), jnp.float32),
            jax.ShapeDtypeStruct((bb, d, tt), jnp.float32),
            jax.ShapeDtypeStruct((1, 1), jnp.float32),
            jax.ShapeDtypeStruct((1, 1), jnp.float32),
        ],
        input_output_aliases=aliases,
    )(*operands)


def _sc_gather(cbs, q, idx):
    n = idx.shape[0]
    info = plsc.get_sparse_core_info()
    nw = info.num_cores * info.num_subcores
    b_per_w = n // nw
    nch = 4
    ch = b_per_w // nch

    mesh = plsc.VectorSubcoreMesh(core_axis_name="c", subcore_axis_name="s")

    @functools.partial(
        pl.kernel,
        mesh=mesh,
        out_type=jax.ShapeDtypeStruct((n, DIM), jnp.float32),
    scratch_types=[
            pltpu.VMEM((b_per_w,), jnp.int32),
            pltpu.VMEM((nch, ch, DIM), jnp.float32),
            pltpu.SemaphoreType.DMA,
            pltpu.SemaphoreType.DMA,
        ],
    )
    def k(cbs_hbm, idx_hbm, out_hbm, idx_v, rows_v, gsem, wsem):
        wid = lax.axis_index("s") * info.num_cores + lax.axis_index("c")
        base = wid * b_per_w
        table = cbs_hbm.at[q]
        pltpu.sync_copy(idx_hbm.at[pl.ds(base, b_per_w)], idx_v)
        gh = [
            pltpu.async_copy(
                table.at[idx_v.at[pl.ds(c * ch, ch)]], rows_v.at[c], gsem
            )
            for c in range(nch)
        ]
        wh = []
        for c in range(nch):
            gh[c].wait()
            wh.append(
                pltpu.async_copy(
                    rows_v.at[c], out_hbm.at[pl.ds(base + c * ch, ch)], wsem
                )
            )
        for h in wh:
            h.wait()

    return k(cbs, idx)


def kernel(x, codebooks):
    bb, d, tt = x.shape
    n = bb * tt
    nh = NB * tt

    c0a = _stage_a(x, codebooks, 0)
    c0b = _stage_a(x, codebooks, NB)
    q0a = _sc_gather(codebooks, 0, c0a.reshape(nh))
    q0b = _sc_gather(codebooks, 0, c0b.reshape(nh))
    c1a = _stage_b(x, q0a, codebooks, 0)
    c1b = _stage_b(x, q0b, codebooks, NB)
    q1a = _sc_gather(codebooks, 1, c1a.reshape(nh))
    q1b = _sc_gather(codebooks, 1, c1b.reshape(nh))
    quant_a, res_a, l0a, l1a = _stage_c(x, q0a, q1a, 0)
    quantized, residual_out, l0b, l1b = _stage_c(
        x, q0b, q1b, NB, prev=(quant_a, res_a))

    commit_loss = (l0a[0, 0] + l0b[0, 0] + l1a[0, 0] + l1b[0, 0]) / (2.0 * n * d)
    codes = jnp.stack([
        jnp.concatenate([c0a.reshape(NB, tt), c0b.reshape(NB, tt)]),
        jnp.concatenate([c1a.reshape(NB, tt), c1b.reshape(NB, tt)]),
    ])
    return quantized, residual_out, commit_loss, codes

# --- scband reference (transcript-rebuilt; emitter-appended) ---
"""Pipeline reference for scband-stripping-layer-75608604278817 (READ-ONLY COPY).

The authoritative reference and input builder live on the scoring server;
editing this copy changes nothing except your own understanding.
"""

import jax, jax.numpy as jnp
import numpy as np

DIM = 1024
BINS = 1024
N_Q = 2
B = 4
T = 1024


def setup_inputs(seed: int = 0) -> dict:
    key = jax.random.key(seed)
    k1, k2 = jax.random.split(key)
    x = jax.random.normal(k1, (B, DIM, T), dtype=jnp.float32)
    # learned RVQ codebooks: one (BINS, DIM) euclidean codebook per quantizer stage
    codebooks = jax.random.normal(k2, (N_Q, BINS, DIM), dtype=jnp.float32)
    return {"x": x, "codebooks": codebooks}


def _quantize_once(flat, codebook):
    # flat: (N, D), codebook: (bins, D) -> nearest-neighbor euclidean quantization
    dists = (jnp.sum(flat * flat, axis=1, keepdims=True)
             - 2.0 * (flat @ codebook.T)
             + jnp.sum(codebook * codebook, axis=1)[None, :])
    codes = jnp.argmin(dists, axis=1)
    quant = jnp.take(codebook, codes, axis=0)
    return quant, codes


def reference(x, codebooks):
    # Faithful port of StrippingLayer.forward: ResidualVectorQuantizer over (B, D, T)
    Bb, D, Tt = x.shape
    flat_x = jnp.transpose(x, (0, 2, 1)).reshape(Bb * Tt, D)
    residual = flat_x
    quantized_out = jnp.zeros_like(flat_x)
    all_codes = []
    all_losses = []
    for q in range(codebooks.shape[0]):
        quant, codes = _quantize_once(residual, codebooks[q])
        # straight-through estimator: quantized = residual + sg(quant - residual)
        quant_st = residual + jax.lax.stop_gradient(quant - residual)
        # commitment loss: mse(sg(quant), residual_in)
        loss = jnp.mean((jax.lax.stop_gradient(quant) - residual) ** 2)
        residual = residual - quant_st
        quantized_out = quantized_out + quant_st
        all_codes.append(codes.reshape(Bb, Tt))
        all_losses.append(loss)
    quantized = jnp.transpose(quantized_out.reshape(Bb, Tt, D), (0, 2, 1))
    commit_loss = jnp.mean(jnp.stack(all_losses))
    codes = jnp.stack(all_codes)  # (n_q, B, T)
    # StrippingLayer: residual = x - quantized.detach()
    residual_out = x - jax.lax.stop_gradient(quantized)
    return quantized, residual_out, commit_loss, codes

if __name__ == "__main__":
    import jax
    _d = setup_inputs()
    print(jax.jit(kernel)(*tuple(_d.values())))

</pallas_src>

<mosaic_0001>
#map = affine_map<(d0, d1) -> (0, 0, 0)>
#map1 = affine_map<(d0, d1) -> (0)>
#map2 = affine_map<(d0, d1) -> (0, 0)>
module attributes {stable_mosaic.version = 14 : i64} {
  func.func @k(%arg0: i32, %arg1: i32, %arg2: memref<2x1024x1024xf32, #tpu.memory_space<hbm>>, %arg3: memref<2048xi32, #tpu.memory_space<hbm>>, %arg4: memref<2048x1024xf32, #tpu.memory_space<hbm>>, %arg5: memref<64xi32, #tpu.memory_space<vmem>>, %arg6: memref<4x16x1024xf32, #tpu.memory_space<vmem>>, %arg7: memref<!tpu.dma_semaphore, #tpu.memory_space<semaphore_mem>>, %arg8: memref<!tpu.dma_semaphore, #tpu.memory_space<semaphore_mem>>) attributes {dimension_semantics = [#tpu.dimension_semantics<core_parallel>, #tpu.dimension_semantics<subcore_parallel>], iteration_bounds = array<i64: 2, 16>, scalar_prefetch = 0 : i64, scratch_operands = 4 : i64, tpu.core_type = #tpu.core_type<sc_vector_subcore>, window_params = [{transform_indices = #map}, {transform_indices = #map1}, {transform_indices = #map2}]} {
    %mul3A = arith.constant 2 : i32
    %mul3A_0 = arith.muli %arg1, %mul3A : i32
    %add3A = arith.addi %mul3A_0, %arg0 : i32
    %mul3A_1 = arith.constant 64 : i32
    %mul3A_2 = arith.muli %add3A, %mul3A_1 : i32
    "tpu.region"() ({
      %run_scoped3A = tpu.sem_alloc : memref<!tpu.dma_semaphore, #tpu.memory_space<semaphore_mem>>
      %dma_start3A_233 = tpu.memref_slice %arg3[%mul3A_2] : memref<2048xi32, #tpu.memory_space<hbm>> -> memref<64xi32, #tpu.memory_space<hbm>>
      %dma_start3A_234 = tpu.memref_slice %arg3[%mul3A_2] : memref<2048xi32, #tpu.memory_space<hbm>> -> memref<64xi32, #tpu.memory_space<hbm>>
      tpu.enqueue_dma source(%dma_start3A_234 : memref<64xi32, #tpu.memory_space<hbm>>) target(%arg5 : memref<64xi32, #tpu.memory_space<vmem>>) target_semaphore(%run_scoped3A : memref<!tpu.dma_semaphore, #tpu.memory_space<semaphore_mem>>)
      %dma_wait3A_235 = tpu.memref_slice %arg3[%mul3A_2] : memref<2048xi32, #tpu.memory_space<hbm>> -> memref<64xi32, #tpu.memory_space<hbm>>
      %dma_wait3A_236 = tpu.memref_slice %arg3[%mul3A_2] : memref<2048xi32, #tpu.memory_space<hbm>> -> memref<64xi32, #tpu.memory_space<hbm>>
      tpu.wait_dma2 semaphore(%run_scoped3A : memref<!tpu.dma_semaphore, #tpu.memory_space<semaphore_mem>>) src(%dma_wait3A_236 : memref<64xi32, #tpu.memory_space<hbm>>) dst(%arg5 : memref<64xi32, #tpu.memory_space<vmem>>)
      tpu.yield
    }) : () -> ()
    %dma_start3A = arith.constant 0 : i32
    %dma_start3A_3 = arith.constant 0 : i32
    %dma_start3A_4 = arith.constant 0 : i32
    %dma_start3A_5 = arith.constant 0 : i32
    %dma_start3A_6 = tpu.memref_slice %arg6[%dma_start3A_3, %dma_start3A_4, %dma_start3A_5] : memref<4x16x1024xf32, #tpu.memory_space<vmem>> -> memref<1x16x1024xf32, #tpu.memory_space<vmem>>
    %dma_start3A_7 = tpu.memref_squeeze %dma_start3A_6 : memref<1x16x1024xf32, #tpu.memory_space<vmem>> -> memref<16x1024xf32, #tpu.memory_space<vmem>>
    %dma_start3A_8 = arith.constant 0 : i32
    %dma_start3A_9 = tpu.memref_slice %arg5[%dma_start3A_8] : memref<64xi32, #tpu.memory_space<vmem>> -> memref<16xi32, #tpu.memory_space<vmem>>
    %dma_start3A_10 = arith.constant 0 : i32
    %dma_start3A_11 = arith.constant 0 : i32
    %dma_start3A_12 = tpu.memref_slice %arg2[%dma_start3A, %dma_start3A_10, %dma_start3A_11] : memref<2x1024x1024xf32, #tpu.memory_space<hbm>> -> memref<1x1024x1024xf32, #tpu.memory_space<hbm>>
    %dma_start3A_13 = tpu.memref_squeeze %dma_start3A_12 : memref<1x1024x1024xf32, #tpu.memory_space<hbm>> -> memref<1024x1024xf32, #tpu.memory_space<hbm>>
    %dma_start3A_14 = arith.constant 0 : i32
    %dma_start3A_15 = arith.constant 0 : i32
    %dma_start3A_16 = tpu.memref_slice %dma_start3A_13[%dma_start3A_14, %dma_start3A_15] : memref<1024x1024xf32, #tpu.memory_space<hbm>> -> memref<1024x1024xf32, #tpu.memory_space<hbm>>
    tpu.enqueue_indirect_dma source(%dma_start3A_16 : memref<1024x1024xf32, #tpu.memory_space<hbm>>) target(%dma_start3A_7 : memref<16x1024xf32, #tpu.memory_space<vmem>>) offsets(%dma_start3A_9 : memref<16xi32, #tpu.memory_space<vmem>>) semaphore(%arg7 : memref<!tpu.dma_semaphore, #tpu.memory_space<semaphore_mem>>)
    %dma_start3A_17 = arith.constant 0 : i32
    %dma_start3A_18 = arith.constant 1 : i32
    %dma_start3A_19 = arith.constant 0 : i32
    %dma_start3A_20 = arith.constant 0 : i32
    %dma_start3A_21 = tpu.memref_slice %arg6[%dma_start3A_18, %dma_start3A_19, %dma_start3A_20] : memref<4x16x1024xf32, #tpu.memory_space<vmem>> -> memref<1x16x1024xf32, #tpu.memory_space<vmem>>
    %dma_start3A_22 = tpu.memref_squeeze %dma_start3A_21 : memref<1x16x1024xf32, #tpu.memory_space<vmem>> -> memref<16x1024xf32, #tpu.memory_space<vmem>>
    %dma_start3A_23 = arith.constant 16 : i32
    %dma_start3A_24 = tpu.memref_slice %arg5[%dma_start3A_23] : memref<64xi32, #tpu.memory_space<vmem>> -> memref<16xi32, #tpu.memory_space<vmem>>
    %dma_start3A_25 = arith.constant 0 : i32
    %dma_start3A_26 = arith.constant 0 : i32
    %dma_start3A_27 = tpu.memref_slice %arg2[%dma_start3A_17, %dma_start3A_25, %dma_start3A_26] : memref<2x1024x1024xf32, #tpu.memory_space<hbm>> -> memref<1x1024x1024xf32, #tpu.memory_space<hbm>>
    %dma_start3A_28 = tpu.memref_squeeze %dma_start3A_27 : memref<1x1024x1024xf32, #tpu.memory_space<hbm>> -> memref<1024x1024xf32, #tpu.memory_space<hbm>>
    %dma_start3A_29 = arith.constant 0 : i32
    %dma_start3A_30 = arith.constant 0 : i32
    %dma_start3A_31 = tpu.memref_slice %dma_start3A_28[%dma_start3A_29, %dma_start3A_30] : memref<1024x1024xf32, #tpu.memory_space<hbm>> -> memref<1024x1024xf32, #tpu.memory_space<hbm>>
    tpu.enqueue_indirect_dma source(%dma_start3A_31 : memref<1024x1024xf32, #tpu.memory_space<hbm>>) target(%dma_start3A_22 : memref<16x1024xf32, #tpu.memory_space<vmem>>) offsets(%dma_start3A_24 : memref<16xi32, #tpu.memory_space<vmem>>) semaphore(%arg7 : memref<!tpu.dma_semaphore, #tpu.memory_space<semaphore_mem>>)
    %dma_start3A_32 = arith.constant 0 : i32
    %dma_start3A_33 = arith.constant 2 : i32
    %dma_start3A_34 = arith.constant 0 : i32
    %dma_start3A_35 = arith.constant 0 : i32
    %dma_start3A_36 = tpu.memref_slice %arg6[%dma_start3A_33, %dma_start3A_34, %dma_start3A_35] : memref<4x16x1024xf32, #tpu.memory_space<vmem>> -> memref<1x16x1024xf32, #tpu.memory_space<vmem>>
    %dma_start3A_37 = tpu.memref_squeeze %dma_start3A_36 : memref<1x16x1024xf32, #tpu.memory_space<vmem>> -> memref<16x1024xf32, #tpu.memory_space<vmem>>
    %dma_start3A_38 = arith.constant 32 : i32
    %dma_start3A_39 = tpu.memref_slice %arg5[%dma_start3A_38] : memref<64xi32, #tpu.memory_space<vmem>> -> memref<16xi32, #tpu.memory_space<vmem>>
    %dma_start3A_40 = arith.constant 0 : i32
    %dma_start3A_41 = arith.constant 0 : i32
    %dma_start3A_42 = tpu.memref_slice %arg2[%dma_start3A_32, %dma_start3A_40, %dma_start3A_41] : memref<2x1024x1024xf32, #tpu.memory_space<hbm>> -> memref<1x1024x1024xf32, #tpu.memory_space<hbm>>
    %dma_start3A_43 = tpu.memref_squeeze %dma_start3A_42 : memref<1x1024x1024xf32, #tpu.memory_space<hbm>> -> memref<1024x1024xf32, #tpu.memory_space<hbm>>
    %dma_start3A_44 = arith.constant 0 : i32
    %dma_start3A_45 = arith.constant 0 : i32
    %dma_start3A_46 = tpu.memref_slice %dma_start3A_43[%dma_start3A_44, %dma_start3A_45] : memref<1024x1024xf32, #tpu.memory_space<hbm>> -> memref<1024x1024xf32, #tpu.memory_space<hbm>>
    tpu.enqueue_indirect_dma source(%dma_start3A_46 : memref<1024x1024xf32, #tpu.memory_space<hbm>>) target(%dma_start3A_37 : memref<16x1024xf32, #tpu.memory_space<vmem>>) offsets(%dma_start3A_39 : memref<16xi32, #tpu.memory_space<vmem>>) semaphore(%arg7 : memref<!tpu.dma_semaphore, #tpu.memory_space<semaphore_mem>>)
    %dma_start3A_47 = arith.constant 0 : i32
    %dma_start3A_48 = arith.constant 3 : i32
    %dma_start3A_49 = arith.constant 0 : i32
    %dma_start3A_50 = arith.constant 0 : i32
    %dma_start3A_51 = tpu.memref_slice %arg6[%dma_start3A_48, %dma_start3A_49, %dma_start3A_50] : memref<4x16x1024xf32, #tpu.memory_space<vmem>> -> memref<1x16x1024xf32, #tpu.memory_space<vmem>>
    %dma_start3A_52 = tpu.memref_squeeze %dma_start3A_51 : memref<1x16x1024xf32, #tpu.memory_space<vmem>> -> memref<16x1024xf32, #tpu.memory_space<vmem>>
    %dma_start3A_53 = arith.constant 48 : i32
    %dma_start3A_54 = tpu.memref_slice %arg5[%dma_start3A_53] : memref<64xi32, #tpu.memory_space<vmem>> -> memref<16xi32, #tpu.memory_space<vmem>>
    %dma_start3A_55 = arith.constant 0 : i32
    %dma_start3A_56 = arith.constant 0 : i32
    %dma_start3A_57 = tpu.memref_slice %arg2[%dma_start3A_47, %dma_start3A_55, %dma_start3A_56] : memref<2x1024x1024xf32, #tpu.memory_space<hbm>> -> memref<1x1024x1024xf32, #tpu.memory_space<hbm>>
    %dma_start3A_58 = tpu.memref_squeeze %dma_start3A_57 : memref<1x1024x1024xf32, #tpu.memory_space<hbm>> -> memref<1024x1024xf32, #tpu.memory_space<hbm>>
    %dma_start3A_59 = arith.constant 0 : i32
    %dma_start3A_60 = arith.constant 0 : i32
    %dma_start3A_61 = tpu.memref_slice %dma_start3A_58[%dma_start3A_59, %dma_start3A_60] : memref<1024x1024xf32, #tpu.memory_space<hbm>> -> memref<1024x1024xf32, #tpu.memory_space<hbm>>
    tpu.enqueue_indirect_dma source(%dma_start3A_61 : memref<1024x1024xf32, #tpu.memory_space<hbm>>) target(%dma_start3A_52 : memref<16x1024xf32, #tpu.memory_space<vmem>>) offsets(%dma_start3A_54 : memref<16xi32, #tpu.memory_space<vmem>>) semaphore(%arg7 : memref<!tpu.dma_semaphore, #tpu.memory_space<semaphore_mem>>)
    %dma_wait3A = arith.constant 0 : i32
    %dma_wait3A_62 = arith.constant 0 : i32
    %dma_wait3A_63 = arith.constant 0 : i32
    %dma_wait3A_64 = arith.constant 0 : i32
    %dma_wait3A_65 = tpu.memref_slice %arg6[%dma_wait3A_62, %dma_wait3A_63, %dma_wait3A_64] : memref<4x16x1024xf32, #tpu.memory_space<vmem>> -> memref<1x16x1024xf32, #tpu.memory_space<vmem>>
    %dma_wait3A_66 = tpu.memref_squeeze %dma_wait3A_65 : memref<1x16x1024xf32, #tpu.memory_space<vmem>> -> memref<16x1024xf32, #tpu.memory_space<vmem>>
    %dma_wait3A_67 = arith.constant 0 : i32
    %dma_wait3A_68 = tpu.memref_slice %arg5[%dma_wait3A_67] : memref<64xi32, #tpu.memory_space<vmem>> -> memref<16xi32, #tpu.memory_space<vmem>>
    %dma_wait3A_69 = arith.constant 0 : i32
    %dma_wait3A_70 = arith.constant 0 : i32
    %dma_wait3A_71 = tpu.memref_slice %arg2[%dma_wait3A, %dma_wait3A_69, %dma_wait3A_70] : memref<2x1024x1024xf32, #tpu.memory_space<hbm>> -> memref<1x1024x1024xf32, #tpu.memory_space<hbm>>
    %dma_wait3A_72 = tpu.memref_squeeze %dma_wait3A_71 : memref<1x1024x1024xf32, #tpu.memory_space<hbm>> -> memref<1024x1024xf32, #tpu.memory_space<hbm>>
    %dma_wait3A_73 = arith.constant 0 : i32
    %dma_wait3A_74 = arith.constant 0 : i32
    %dma_wait3A_75 = tpu.memref_slice %dma_wait3A_72[%dma_wait3A_73, %dma_wait3A_74] : memref<1024x1024xf32, #tpu.memory_space<hbm>> -> memref<1024x1024xf32, #tpu.memory_space<hbm>>
    tpu.wait_indirect_dma semaphore(%arg7 : memref<!tpu.dma_semaphore, #tpu.memory_space<semaphore_mem>>) src(%dma_wait3A_75 : memref<1024x1024xf32, #tpu.memory_space<hbm>>) dst(%dma_wait3A_66 : memref<16x1024xf32, #tpu.memory_space<vmem>>)
    %add3A_76 = arith.constant 0 : i32
    %add3A_77 = arith.addi %mul3A_2, %add3A_76 : i32
    %dma_start3A_78 = arith.constant 0 : i32
    %dma_start3A_79 = arith.constant 0 : i32
    %dma_start3A_80 = arith.constant 0 : i32
    %dma_start3A_81 = tpu.memref_slice %arg6[%dma_start3A_78, %dma_start3A_79, %dma_start3A_80] : memref<4x16x1024xf32, #tpu.memory_space<vmem>> -> memref<1x16x1024xf32, #tpu.memory_space<vmem>>
    %dma_start3A_82 = tpu.memref_squeeze %dma_start3A_81 : memref<1x16x1024xf32, #tpu.memory_space<vmem>> -> memref<16x1024xf32, #tpu.memory_space<vmem>>
    %dma_start3A_83 = arith.constant 0 : i32
    %dma_start3A_84 = tpu.memref_slice %arg4[%add3A_77, %dma_start3A_83] : memref<2048x1024xf32, #tpu.memory_space<hbm>> -> memref<16x1024xf32, #tpu.memory_space<hbm>>
    %dma_start3A_85 = arith.constant 0 : i32
    %dma_start3A_86 = tpu.memref_slice %arg4[%add3A_77, %dma_start3A_85] : memref<2048x1024xf32, #tpu.memory_space<hbm>> -> memref<16x1024xf32, #tpu.memory_space<hbm>>
    %dma_start3A_87 = arith.constant 0 : i32
    %dma_start3A_88 = arith.constant 0 : i32
    %dma_start3A_89 = tpu.memref_slice %arg6[%dma_start3A_78, %dma_start3A_87, %dma_start3A_88] : memref<4x16x1024xf32, #tpu.memory_space<vmem>> -> memref<1x16x1024xf32, #tpu.memory_space<vmem>>
    %dma_start3A_90 = tpu.memref_squeeze %dma_start3A_89 : memref<1x16x1024xf32, #tpu.memory_space<vmem>> -> memref<16x1024xf32, #tpu.memory_space<vmem>>
    tpu.enqueue_dma source(%dma_start3A_90 : memref<16x1024xf32, #tpu.memory_space<vmem>>) target(%dma_start3A_86 : memref<16x1024xf32, #tpu.memory_space<hbm>>) target_semaphore(%arg8 : memref<!tpu.dma_semaphore, #tpu.memory_space<semaphore_mem>>)
    %dma_wait3A_91 = arith.constant 0 : i32
    %dma_wait3A_92 = arith.constant 1 : i32
    %dma_wait3A_93 = arith.constant 0 : i32
    %dma_wait3A_94 = arith.constant 0 : i32
    %dma_wait3A_95 = tpu.memref_slice %arg6[%dma_wait3A_92, %dma_wait3A_93, %dma_wait3A_94] : memref<4x16x1024xf32, #tpu.memory_space<vmem>> -> memref<1x16x1024xf32, #tpu.memory_space<vmem>>
    %dma_wait3A_96 = tpu.memref_squeeze %dma_wait3A_95 : memref<1x16x1024xf32, #tpu.memory_space<vmem>> -> memref<16x1024xf32, #tpu.memory_space<vmem>>
    %dma_wait3A_97 = arith.constant 16 : i32
    %dma_wait3A_98 = tpu.memref_slice %arg5[%dma_wait3A_97] : memref<64xi32, #tpu.memory_space<vmem>> -> memref<16xi32, #tpu.memory_space<vmem>>
    %dma_wait3A_99 = arith.constant 0 : i32
    %dma_wait3A_100 = arith.constant 0 : i32
    %dma_wait3A_101 = tpu.memref_slice %arg2[%dma_wait3A_91, %dma_wait3A_99, %dma_wait3A_100] : memref<2x1024x1024xf32, #tpu.memory_space<hbm>> -> memref<1x1024x1024xf32, #tpu.memory_space<hbm>>
    %dma_wait3A_102 = tpu.memref_squeeze %dma_wait3A_101 : memref<1x1024x1024xf32, #tpu.memory_space<hbm>> -> memref<1024x1024xf32, #tpu.memory_space<hbm>>
    %dma_wait3A_103 = arith.constant 0 : i32
    %dma_wait3A_104 = arith.constant 0 : i32
    %dma_wait3A_105 = tpu.memref_slice %dma_wait3A_102[%dma_wait3A_103, %dma_wait3A_104] : memref<1024x1024xf32, #tpu.memory_space<hbm>> -> memref<1024x1024xf32, #tpu.memory_space<hbm>>
    tpu.wait_indirect_dma semaphore(%arg7 : memref<!tpu.dma_semaphore, #tpu.memory_space<semaphore_mem>>) src(%dma_wait3A_105 : memref<1024x1024xf32, #tpu.memory_space<hbm>>) dst(%dma_wait3A_96 : memref<16x1024xf32, #tpu.memory_space<vmem>>)
    %add3A_106 = arith.constant 16 : i32
    %add3A_107 = arith.addi %mul3A_2, %add3A_106 : i32
    %dma_start3A_108 = arith.constant 1 : i32
    %dma_start3A_109 = arith.constant 0 : i32
    %dma_start3A_110 = arith.constant 0 : i32
    %dma_start3A_111 = tpu.memref_slice %arg6[%dma_start3A_108, %dma_start3A_109, %dma_start3A_110] : memref<4x16x1024xf32, #tpu.memory_space<vmem>> -> memref<1x16x1024xf32, #tpu.memory_space<vmem>>
    %dma_start3A_112 = tpu.memref_squeeze %dma_start3A_111 : memref<1x16x1024xf32, #tpu.memory_space<vmem>> -> memref<16x1024xf32, #tpu.memory_space<vmem>>
    %dma_start3A_113 = arith.constant 0 : i32
    %dma_start3A_114 = tpu.memref_slice %arg4[%add3A_107, %dma_start3A_113] : memref<2048x1024xf32, #tpu.memory_space<hbm>> -> memref<16x1024xf32, #tpu.memory_space<hbm>>
    %dma_start3A_115 = arith.constant 0 : i32
    %dma_start3A_116 = tpu.memref_slice %arg4[%add3A_107, %dma_start3A_115] : memref<2048x1024xf32, #tpu.memory_space<hbm>> -> memref<16x1024xf32, #tpu.memory_space<hbm>>
    %dma_start3A_117 = arith.constant 0 : i32
    %dma_start3A_118 = arith.constant 0 : i32
    %dma_start3A_119 = tpu.memref_slice %arg6[%dma_start3A_108, %dma_start3A_117, %dma_start3A_118] : memref<4x16x1024xf32, #tpu.memory_space<vmem>> -> memref<1x16x1024xf32, #tpu.memory_space<vmem>>
    %dma_start3A_120 = tpu.memref_squeeze %dma_start3A_119 : memref<1x16x1024xf32, #tpu.memory_space<vmem>> -> memref<16x1024xf32, #tpu.memory_space<vmem>>
    tpu.enqueue_dma source(%dma_start3A_120 : memref<16x1024xf32, #tpu.memory_space<vmem>>) target(%dma_start3A_116 : memref<16x1024xf32, #tpu.memory_space<hbm>>) target_semaphore(%arg8 : memref<!tpu.dma_semaphore, #tpu.memory_space<semaphore_mem>>)
    %dma_wait3A_121 = arith.constant 0 : i32
    %dma_wait3A_122 = arith.constant 2 : i32
    %dma_wait3A_123 = arith.constant 0 : i32
    %dma_wait3A_124 = arith.constant 0 : i32
    %dma_wait3A_125 = tpu.memref_slice %arg6[%dma_wait3A_122, %dma_wait3A_123, %dma_wait3A_124] : memref<4x16x1024xf32, #tpu.memory_space<vmem>> -> memref<1x16x1024xf32, #tpu.memory_space<vmem>>
    %dma_wait3A_126 = tpu.memref_squeeze %dma_wait3A_125 : memref<1x16x1024xf32, #tpu.memory_space<vmem>> -> memref<16x1024xf32, #tpu.memory_space<vmem>>
    %dma_wait3A_127 = arith.constant 32 : i32
    %dma_wait3A_128 = tpu.memref_slice %arg5[%dma_wait3A_127] : memref<64xi32, #tpu.memory_space<vmem>> -> memref<16xi32, #tpu.memory_space<vmem>>
    %dma_wait3A_129 = arith.constant 0 : i32
    %dma_wait3A_130 = arith.constant 0 : i32
    %dma_wait3A_131 = tpu.memref_slice %arg2[%dma_wait3A_121, %dma_wait3A_129, %dma_wait3A_130] : memref<2x1024x1024xf32, #tpu.memory_space<hbm>> -> memref<1x1024x1024xf32, #tpu.memory_space<hbm>>
    %dma_wait3A_132 = tpu.memref_squeeze %dma_wait3A_131 : memref<1x1024x1024xf32, #tpu.memory_space<hbm>> -> memref<1024x1024xf32, #tpu.memory_space<hbm>>
    %dma_wait3A_133 = arith.constant 0 : i32
    %dma_wait3A_134 = arith.constant 0 : i32
    %dma_wait3A_135 = tpu.memref_slice %dma_wait3A_132[%dma_wait3A_133, %dma_wait3A_134] : memref<1024x1024xf32, #tpu.memory_space<hbm>> -> memref<1024x1024xf32, #tpu.memory_space<hbm>>
    tpu.wait_indirect_dma semaphore(%arg7 : memref<!tpu.dma_semaphore, #tpu.memory_space<semaphore_mem>>) src(%dma_wait3A_135 : memref<1024x1024xf32, #tpu.memory_space<hbm>>) dst(%dma_wait3A_126 : memref<16x1024xf32, #tpu.memory_space<vmem>>)
    %add3A_136 = arith.constant 32 : i32
    %add3A_137 = arith.addi %mul3A_2, %add3A_136 : i32
    %dma_start3A_138 = arith.constant 2 : i32
    %dma_start3A_139 = arith.constant 0 : i32
    %dma_start3A_140 = arith.constant 0 : i32
    %dma_start3A_141 = tpu.memref_slice %arg6[%dma_start3A_138, %dma_start3A_139, %dma_start3A_140] : memref<4x16x1024xf32, #tpu.memory_space<vmem>> -> memref<1x16x1024xf32, #tpu.memory_space<vmem>>
    %dma_start3A_142 = tpu.memref_squeeze %dma_start3A_141 : memref<1x16x1024xf32, #tpu.memory_space<vmem>> -> memref<16x1024xf32, #tpu.memory_space<vmem>>
    %dma_start3A_143 = arith.constant 0 : i32
    %dma_start3A_144 = tpu.memref_slice %arg4[%add3A_137, %dma_start3A_143] : memref<2048x1024xf32, #tpu.memory_space<hbm>> -> memref<16x1024xf32, #tpu.memory_space<hbm>>
    %dma_start3A_145 = arith.constant 0 : i32
    %dma_start3A_146 = tpu.memref_slice %arg4[%add3A_137, %dma_start3A_145] : memref<2048x1024xf32, #tpu.memory_space<hbm>> -> memref<16x1024xf32, #tpu.memory_space<hbm>>
    %dma_start3A_147 = arith.constant 0 : i32
    %dma_start3A_148 = arith.constant 0 : i32
    %dma_start3A_149 = tpu.memref_slice %arg6[%dma_start3A_138, %dma_start3A_147, %dma_start3A_148] : memref<4x16x1024xf32, #tpu.memory_space<vmem>> -> memref<1x16x1024xf32, #tpu.memory_space<vmem>>
    %dma_start3A_150 = tpu.memref_squeeze %dma_start3A_149 : memref<1x16x1024xf32, #tpu.memory_space<vmem>> -> memref<16x1024xf32, #tpu.memory_space<vmem>>
    tpu.enqueue_dma source(%dma_start3A_150 : memref<16x1024xf32, #tpu.memory_space<vmem>>) target(%dma_start3A_146 : memref<16x1024xf32, #tpu.memory_space<hbm>>) target_semaphore(%arg8 : memref<!tpu.dma_semaphore, #tpu.memory_space<semaphore_mem>>)
    %dma_wait3A_151 = arith.constant 0 : i32
    %dma_wait3A_152 = arith.constant 3 : i32
    %dma_wait3A_153 = arith.constant 0 : i32
    %dma_wait3A_154 = arith.constant 0 : i32
    %dma_wait3A_155 = tpu.memref_slice %arg6[%dma_wait3A_152, %dma_wait3A_153, %dma_wait3A_154] : memref<4x16x1024xf32, #tpu.memory_space<vmem>> -> memref<1x16x1024xf32, #tpu.memory_space<vmem>>
    %dma_wait3A_156 = tpu.memref_squeeze %dma_wait3A_155 : memref<1x16x1024xf32, #tpu.memory_space<vmem>> -> memref<16x1024xf32, #tpu.memory_space<vmem>>
    %dma_wait3A_157 = arith.constant 48 : i32
    %dma_wait3A_158 = tpu.memref_slice %arg5[%dma_wait3A_157] : memref<64xi32, #tpu.memory_space<vmem>> -> memref<16xi32, #tpu.memory_space<vmem>>
    %dma_wait3A_159 = arith.constant 0 : i32
    %dma_wait3A_160 = arith.constant 0 : i32
    %dma_wait3A_161 = tpu.memref_slice %arg2[%dma_wait3A_151, %dma_wait3A_159, %dma_wait3A_160] : memref<2x1024x1024xf32, #tpu.memory_space<hbm>> -> memref<1x1024x1024xf32, #tpu.memory_space<hbm>>
    %dma_wait3A_162 = tpu.memref_squeeze %dma_wait3A_161 : memref<1x1024x1024xf32, #tpu.memory_space<hbm>> -> memref<1024x1024xf32, #tpu.memory_space<hbm>>
    %dma_wait3A_163 = arith.constant 0 : i32
    %dma_wait3A_164 = arith.constant 0 : i32
    %dma_wait3A_165 = tpu.memref_slice %dma_wait3A_162[%dma_wait3A_163, %dma_wait3A_164] : memref<1024x1024xf32, #tpu.memory_space<hbm>> -> memref<1024x1024xf32, #tpu.memory_space<hbm>>
    tpu.wait_indirect_dma semaphore(%arg7 : memref<!tpu.dma_semaphore, #tpu.memory_space<semaphore_mem>>) src(%dma_wait3A_165 : memref<1024x1024xf32, #tpu.memory_space<hbm>>) dst(%dma_wait3A_156 : memref<16x1024xf32, #tpu.memory_space<vmem>>)
    %add3A_166 = arith.constant 48 : i32
    %add3A_167 = arith.addi %mul3A_2, %add3A_166 : i32
    %dma_start3A_168 = arith.constant 3 : i32
    %dma_start3A_169 = arith.constant 0 : i32
    %dma_start3A_170 = arith.constant 0 : i32
    %dma_start3A_171 = tpu.memref_slice %arg6[%dma_start3A_168, %dma_start3A_169, %dma_start3A_170] : memref<4x16x1024xf32, #tpu.memory_space<vmem>> -> memref<1x16x1024xf32, #tpu.memory_space<vmem>>
    %dma_start3A_172 = tpu.memref_squeeze %dma_start3A_171 : memref<1x16x1024xf32, #tpu.memory_space<vmem>> -> memref<16x1024xf32, #tpu.memory_space<vmem>>
    %dma_start3A_173 = arith.constant 0 : i32
    %dma_start3A_174 = tpu.memref_slice %arg4[%add3A_167, %dma_start3A_173] : memref<2048x1024xf32, #tpu.memory_space<hbm>> -> memref<16x1024xf32, #tpu.memory_space<hbm>>
    %dma_start3A_175 = arith.constant 0 : i32
    %dma_start3A_176 = tpu.memref_slice %arg4[%add3A_167, %dma_start3A_175] : memref<2048x1024xf32, #tpu.memory_space<hbm>> -> memref<16x1024xf32, #tpu.memory_space<hbm>>
    %dma_start3A_177 = arith.constant 0 : i32
    %dma_start3A_178 = arith.constant 0 : i32
    %dma_start3A_179 = tpu.memref_slice %arg6[%dma_start3A_168, %dma_start3A_177, %dma_start3A_178] : memref<4x16x1024xf32, #tpu.memory_space<vmem>> -> memref<1x16x1024xf32, #tpu.memory_space<vmem>>
    %dma_start3A_180 = tpu.memref_squeeze %dma_start3A_179 : memref<1x16x1024xf32, #tpu.memory_space<vmem>> -> memref<16x1024xf32, #tpu.memory_space<vmem>>
    tpu.enqueue_dma source(%dma_start3A_180 : memref<16x1024xf32, #tpu.memory_space<vmem>>) target(%dma_start3A_176 : memref<16x1024xf32, #tpu.memory_space<hbm>>) target_semaphore(%arg8 : memref<!tpu.dma_semaphore, #tpu.memory_space<semaphore_mem>>)
    %dma_wait3A_181 = arith.constant 0 : i32
    %dma_wait3A_182 = arith.constant 0 : i32
    %dma_wait3A_183 = arith.constant 0 : i32
    %dma_wait3A_184 = tpu.memref_slice %arg6[%dma_wait3A_181, %dma_wait3A_182, %dma_wait3A_183] : memref<4x16x1024xf32, #tpu.memory_space<vmem>> -> memref<1x16x1024xf32, #tpu.memory_space<vmem>>
    %dma_wait3A_185 = tpu.memref_squeeze %dma_wait3A_184 : memref<1x16x1024xf32, #tpu.memory_space<vmem>> -> memref<16x1024xf32, #tpu.memory_space<vmem>>
    %dma_wait3A_186 = arith.constant 0 : i32
    %dma_wait3A_187 = tpu.memref_slice %arg4[%add3A_77, %dma_wait3A_186] : memref<2048x1024xf32, #tpu.memory_space<hbm>> -> memref<16x1024xf32, #tpu.memory_space<hbm>>
    %dma_wait3A_188 = arith.constant 0 : i32
    %dma_wait3A_189 = tpu.memref_slice %arg4[%add3A_77, %dma_wait3A_188] : memref<2048x1024xf32, #tpu.memory_space<hbm>> -> memref<16x1024xf32, #tpu.memory_space<hbm>>
    %dma_wait3A_190 = arith.constant 0 : i32
    %dma_wait3A_191 = arith.constant 0 : i32
    %dma_wait3A_192 = tpu.memref_slice %arg6[%dma_wait3A_181, %dma_wait3A_190, %dma_wait3A_191] : memref<4x16x1024xf32, #tpu.memory_space<vmem>> -> memref<1x16x1024xf32, #tpu.memory_space<vmem>>
    %dma_wait3A_193 = tpu.memref_squeeze %dma_wait3A_192 : memref<1x16x1024xf32, #tpu.memory_space<vmem>> -> memref<16x1024xf32, #tpu.memory_space<vmem>>
    tpu.wait_dma2 semaphore(%arg8 : memref<!tpu.dma_semaphore, #tpu.memory_space<semaphore_mem>>) src(%dma_wait3A_193 : memref<16x1024xf32, #tpu.memory_space<vmem>>) dst(%dma_wait3A_189 : memref<16x1024xf32, #tpu.memory_space<hbm>>)
    %dma_wait3A_194 = arith.constant 1 : i32
    %dma_wait3A_195 = arith.constant 0 : i32
    %dma_wait3A_196 = arith.constant 0 : i32
    %dma_wait3A_197 = tpu.memref_slice %arg6[%dma_wait3A_194, %dma_wait3A_195, %dma_wait3A_196] : memref<4x16x1024xf32, #tpu.memory_space<vmem>> -> memref<1x16x1024xf32, #tpu.memory_space<vmem>>
    %dma_wait3A_198 = tpu.memref_squeeze %dma_wait3A_197 : memref<1x16x1024xf32, #tpu.memory_space<vmem>> -> memref<16x1024xf32, #tpu.memory_space<vmem>>
    %dma_wait3A_199 = arith.constant 0 : i32
    %dma_wait3A_200 = tpu.memref_slice %arg4[%add3A_107, %dma_wait3A_199] : memref<2048x1024xf32, #tpu.memory_space<hbm>> -> memref<16x1024xf32, #tpu.memory_space<hbm>>
    %dma_wait3A_201 = arith.constant 0 : i32
    %dma_wait3A_202 = tpu.memref_slice %arg4[%add3A_107, %dma_wait3A_201] : memref<2048x1024xf32, #tpu.memory_space<hbm>> -> memref<16x1024xf32, #tpu.memory_space<hbm>>
    %dma_wait3A_203 = arith.constant 0 : i32
    %dma_wait3A_204 = arith.constant 0 : i32
    %dma_wait3A_205 = tpu.memref_slice %arg6[%dma_wait3A_194, %dma_wait3A_203, %dma_wait3A_204] : memref<4x16x1024xf32, #tpu.memory_space<vmem>> -> memref<1x16x1024xf32, #tpu.memory_space<vmem>>
    %dma_wait3A_206 = tpu.memref_squeeze %dma_wait3A_205 : memref<1x16x1024xf32, #tpu.memory_space<vmem>> -> memref<16x1024xf32, #tpu.memory_space<vmem>>
    tpu.wait_dma2 semaphore(%arg8 : memref<!tpu.dma_semaphore, #tpu.memory_space<semaphore_mem>>) src(%dma_wait3A_206 : memref<16x1024xf32, #tpu.memory_space<vmem>>) dst(%dma_wait3A_202 : memref<16x1024xf32, #tpu.memory_space<hbm>>)
    %dma_wait3A_207 = arith.constant 2 : i32
    %dma_wait3A_208 = arith.constant 0 : i32
    %dma_wait3A_209 = arith.constant 0 : i32
    %dma_wait3A_210 = tpu.memref_slice %arg6[%dma_wait3A_207, %dma_wait3A_208, %dma_wait3A_209] : memref<4x16x1024xf32, #tpu.memory_space<vmem>> -> memref<1x16x1024xf32, #tpu.memory_space<vmem>>
    %dma_wait3A_211 = tpu.memref_squeeze %dma_wait3A_210 : memref<1x16x1024xf32, #tpu.memory_space<vmem>> -> memref<16x1024xf32, #tpu.memory_space<vmem>>
    %dma_wait3A_212 = arith.constant 0 : i32
    %dma_wait3A_213 = tpu.memref_slice %arg4[%add3A_137, %dma_wait3A_212] : memref<2048x1024xf32, #tpu.memory_space<hbm>> -> memref<16x1024xf32, #tpu.memory_space<hbm>>
    %dma_wait3A_214 = arith.constant 0 : i32
    %dma_wait3A_215 = tpu.memref_slice %arg4[%add3A_137, %dma_wait3A_214] : memref<2048x1024xf32, #tpu.memory_space<hbm>> -> memref<16x1024xf32, #tpu.memory_space<hbm>>
    %dma_wait3A_216 = arith.constant 0 : i32
    %dma_wait3A_217 = arith.constant 0 : i32
    %dma_wait3A_218 = tpu.memref_slice %arg6[%dma_wait3A_207, %dma_wait3A_216, %dma_wait3A_217] : memref<4x16x1024xf32, #tpu.memory_space<vmem>> -> memref<1x16x1024xf32, #tpu.memory_space<vmem>>
    %dma_wait3A_219 = tpu.memref_squeeze %dma_wait3A_218 : memref<1x16x1024xf32, #tpu.memory_space<vmem>> -> memref<16x1024xf32, #tpu.memory_space<vmem>>
    tpu.wait_dma2 semaphore(%arg8 : memref<!tpu.dma_semaphore, #tpu.memory_space<semaphore_mem>>) src(%dma_wait3A_219 : memref<16x1024xf32, #tpu.memory_space<vmem>>) dst(%dma_wait3A_215 : memref<16x1024xf32, #tpu.memory_space<hbm>>)
    %dma_wait3A_220 = arith.constant 3 : i32
    %dma_wait3A_221 = arith.constant 0 : i32
    %dma_wait3A_222 = arith.constant 0 : i32
    %dma_wait3A_223 = tpu.memref_slice %arg6[%dma_wait3A_220, %dma_wait3A_221, %dma_wait3A_222] : memref<4x16x1024xf32, #tpu.memory_space<vmem>> -> memref<1x16x1024xf32, #tpu.memory_space<vmem>>
    %dma_wait3A_224 = tpu.memref_squeeze %dma_wait3A_223 : memref<1x16x1024xf32, #tpu.memory_space<vmem>> -> memref<16x1024xf32, #tpu.memory_space<vmem>>
    %dma_wait3A_225 = arith.constant 0 : i32
    %dma_wait3A_226 = tpu.memref_slice %arg4[%add3A_167, %dma_wait3A_225] : memref<2048x1024xf32, #tpu.memory_space<hbm>> -> memref<16x1024xf32, #tpu.memory_space<hbm>>
    %dma_wait3A_227 = arith.constant 0 : i32
    %dma_wait3A_228 = tpu.memref_slice %arg4[%add3A_167, %dma_wait3A_227] : memref<2048x1024xf32, #tpu.memory_space<hbm>> -> memref<16x1024xf32, #tpu.memory_space<hbm>>
    %dma_wait3A_229 = arith.constant 0 : i32
    %dma_wait3A_230 = arith.constant 0 : i32
    %dma_wait3A_231 = tpu.memref_slice %arg6[%dma_wait3A_220, %dma_wait3A_229, %dma_wait3A_230] : memref<4x16x1024xf32, #tpu.memory_space<vmem>> -> memref<1x16x1024xf32, #tpu.memory_space<vmem>>
    %dma_wait3A_232 = tpu.memref_squeeze %dma_wait3A_231 : memref<1x16x1024xf32, #tpu.memory_space<vmem>> -> memref<16x1024xf32, #tpu.memory_space<vmem>>
    tpu.wait_dma2 semaphore(%arg8 : memref<!tpu.dma_semaphore, #tpu.memory_space<semaphore_mem>>) src(%dma_wait3A_232 : memref<16x1024xf32, #tpu.memory_space<vmem>>) dst(%dma_wait3A_228 : memref<16x1024xf32, #tpu.memory_space<hbm>>)
    return
  }
}

#map = affine_map<(d0, d1) -> (0, 0, 0)>
#map1 = affine_map<(d0, d1) -> (0)>
#map2 = affine_map<(d0, d1) -> (0, 0)>
module attributes {stable_mosaic.version = 14 : i64} {
  func.func @k(%arg0: i32, %arg1: i32, %arg2: memref<2x1024x1024xf32, #tpu.memory_space<hbm>>, %arg3: memref<2048xi32, #tpu.memory_space<hbm>>, %arg4: memref<2048x1024xf32, #tpu.memory_space<hbm>>, %arg5: memref<64xi32, #tpu.memory_space<vmem>>, %arg6: memref<4x16x1024xf32, #tpu.memory_space<vmem>>, %arg7: memref<!tpu.dma_semaphore, #tpu.memory_space<semaphore_mem>>, %arg8: memref<!tpu.dma_semaphore, #tpu.memory_space<semaphore_mem>>) attributes {dimension_semantics = [#tpu.dimension_semantics<core_parallel>, #tpu.dimension_semantics<subcore_parallel>], iteration_bounds = array<i64: 2, 16>, scalar_prefetch = 0 : i64, scratch_operands = 4 : i64, tpu.core_type = #tpu.core_type<sc_vector_subcore>, window_params = [{transform_indices = #map}, {transform_indices = #map1}, {transform_indices = #map2}]} {
    %mul3A = arith.constant 2 : i32
    %mul3A_0 = arith.muli %arg1, %mul3A : i32
    %add3A = arith.addi %mul3A_0, %arg0 : i32
    %mul3A_1 = arith.constant 64 : i32
    %mul3A_2 = arith.muli %add3A, %mul3A_1 : i32
    "tpu.region"() ({
      %run_scoped3A = tpu.sem_alloc : memref<!tpu.dma_semaphore, #tpu.memory_space<semaphore_mem>>
      %dma_start3A_233 = tpu.memref_slice %arg3[%mul3A_2] : memref<2048xi32, #tpu.memory_space<hbm>> -> memref<64xi32, #tpu.memory_space<hbm>>
      %dma_start3A_234 = tpu.memref_slice %arg3[%mul3A_2] : memref<2048xi32, #tpu.memory_space<hbm>> -> memref<64xi32, #tpu.memory_space<hbm>>
      tpu.enqueue_dma source(%dma_start3A_234 : memref<64xi32, #tpu.memory_space<hbm>>) target(%arg5 : memref<64xi32, #tpu.memory_space<vmem>>) target_semaphore(%run_scoped3A : memref<!tpu.dma_semaphore, #tpu.memory_space<semaphore_mem>>)
      %dma_wait3A_235 = tpu.memref_slice %arg3[%mul3A_2] : memref<2048xi32, #tpu.memory_space<hbm>> -> memref<64xi32, #tpu.memory_space<hbm>>
      %dma_wait3A_236 = tpu.memref_slice %arg3[%mul3A_2] : memref<2048xi32, #tpu.memory_space<hbm>> -> memref<64xi32, #tpu.memory_space<hbm>>
      tpu.wait_dma2 semaphore(%run_scoped3A : memref<!tpu.dma_semaphore, #tpu.memory_space<semaphore_mem>>) src(%dma_wait3A_236 : memref<64xi32, #tpu.memory_space<hbm>>) dst(%arg5 : memref<64xi32, #tpu.memory_space<vmem>>)
      tpu.yield
    }) : () -> ()
    %dma_start3A = arith.constant 1 : i32
    %dma_start3A_3 = arith.constant 0 : i32
    %dma_start3A_4 = arith.constant 0 : i32
    %dma_start3A_5 = arith.constant 0 : i32
    %dma_start3A_6 = tpu.memref_slice %arg6[%dma_start3A_3, %dma_start3A_4, %dma_start3A_5] : memref<4x16x1024xf32, #tpu.memory_space<vmem>> -> memref<1x16x1024xf32, #tpu.memory_space<vmem>>
    %dma_start3A_7 = tpu.memref_squeeze %dma_start3A_6 : memref<1x16x1024xf32, #tpu.memory_space<vmem>> -> memref<16x1024xf32, #tpu.memory_space<vmem>>
    %dma_start3A_8 = arith.constant 0 : i32
    %dma_start3A_9 = tpu.memref_slice %arg5[%dma_start3A_8] : memref<64xi32, #tpu.memory_space<vmem>> -> memref<16xi32, #tpu.memory_space<vmem>>
    %dma_start3A_10 = arith.constant 0 : i32
    %dma_start3A_11 = arith.constant 0 : i32
    %dma_start3A_12 = tpu.memref_slice %arg2[%dma_start3A, %dma_start3A_10, %dma_start3A_11] : memref<2x1024x1024xf32, #tpu.memory_space<hbm>> -> memref<1x1024x1024xf32, #tpu.memory_space<hbm>>
    %dma_start3A_13 = tpu.memref_squeeze %dma_start3A_12 : memref<1x1024x1024xf32, #tpu.memory_space<hbm>> -> memref<1024x1024xf32, #tpu.memory_space<hbm>>
    %dma_start3A_14 = arith.constant 0 : i32
    %dma_start3A_15 = arith.constant 0 : i32
    %dma_start3A_16 = tpu.memref_slice %dma_start3A_13[%dma_start3A_14, %dma_start3A_15] : memref<1024x1024xf32, #tpu.memory_space<hbm>> -> memref<1024x1024xf32, #tpu.memory_space<hbm>>
    tpu.enqueue_indirect_dma source(%dma_start3A_16 : memref<1024x1024xf32, #tpu.memory_space<hbm>>) target(%dma_start3A_7 : memref<16x1024xf32, #tpu.memory_space<vmem>>) offsets(%dma_start3A_9 : memref<16xi32, #tpu.memory_space<vmem>>) semaphore(%arg7 : memref<!tpu.dma_semaphore, #tpu.memory_space<semaphore_mem>>)
    %dma_start3A_17 = arith.constant 1 : i32
    %dma_start3A_18 = arith.constant 1 : i32
    %dma_start3A_19 = arith.constant 0 : i32
    %dma_start3A_20 = arith.constant 0 : i32
    %dma_start3A_21 = tpu.memref_slice %arg6[%dma_start3A_18, %dma_start3A_19, %dma_start3A_20] : memref<4x16x1024xf32, #tpu.memory_space<vmem>> -> memref<1x16x1024xf32, #tpu.memory_space<vmem>>
    %dma_start3A_22 = tpu.memref_squeeze %dma_start3A_21 : memref<1x16x1024xf32, #tpu.memory_space<vmem>> -> memref<16x1024xf32, #tpu.memory_space<vmem>>
    %dma_start3A_23 = arith.constant 16 : i32
    %dma_start3A_24 = tpu.memref_slice %arg5[%dma_start3A_23] : memref<64xi32, #tpu.memory_space<vmem>> -> memref<16xi32, #tpu.memory_space<vmem>>
    %dma_start3A_25 = arith.constant 0 : i32
    %dma_start3A_26 = arith.constant 0 : i32
    %dma_start3A_27 = tpu.memref_slice %arg2[%dma_start3A_17, %dma_start3A_25, %dma_start3A_26] : memref<2x1024x1024xf32, #tpu.memory_space<hbm>> -> memref<1x1024x1024xf32, #tpu.memory_space<hbm>>
    %dma_start3A_28 = tpu.memref_squeeze %dma_start3A_27 : memref<1x1024x1024xf32, #tpu.memory_space<hbm>> -> memref<1024x1024xf32, #tpu.memory_space<hbm>>
    %dma_start3A_29 = arith.constant 0 : i32
    %dma_start3A_30 = arith.constant 0 : i32
    %dma_start3A_31 = tpu.memref_slice %dma_start3A_28[%dma_start3A_29, %dma_start3A_30] : memref<1024x1024xf32, #tpu.memory_space<hbm>> -> memref<1024x1024xf32, #tpu.memory_space<hbm>>
    tpu.enqueue_indirect_dma source(%dma_start3A_31 : memref<1024x1024xf32, #tpu.memory_space<hbm>>) target(%dma_start3A_22 : memref<16x1024xf32, #tpu.memory_space<vmem>>) offsets(%dma_start3A_24 : memref<16xi32, #tpu.memory_space<vmem>>) semaphore(%arg7 : memref<!tpu.dma_semaphore, #tpu.memory_space<semaphore_mem>>)
    %dma_start3A_32 = arith.constant 1 : i32
    %dma_start3A_33 = arith.constant 2 : i32
    %dma_start3A_34 = arith.constant 0 : i32
    %dma_start3A_35 = arith.constant 0 : i32
    %dma_start3A_36 = tpu.memref_slice %arg6[%dma_start3A_33, %dma_start3A_34, %dma_start3A_35] : memref<4x16x1024xf32, #tpu.memory_space<vmem>> -> memref<1x16x1024xf32, #tpu.memory_space<vmem>>
    %dma_start3A_37 = tpu.memref_squeeze %dma_start3A_36 : memref<1x16x1024xf32, #tpu.memory_space<vmem>> -> memref<16x1024xf32, #tpu.memory_space<vmem>>
    %dma_start3A_38 = arith.constant 32 : i32
    %dma_start3A_39 = tpu.memref_slice %arg5[%dma_start3A_38] : memref<64xi32, #tpu.memory_space<vmem>> -> memref<16xi32, #tpu.memory_space<vmem>>
    %dma_start3A_40 = arith.constant 0 : i32
    %dma_start3A_41 = arith.constant 0 : i32
    %dma_start3A_42 = tpu.memref_slice %arg2[%dma_start3A_32, %dma_start3A_40, %dma_start3A_41] : memref<2x1024x1024xf32, #tpu.memory_space<hbm>> -> memref<1x1024x1024xf32, #tpu.memory_space<hbm>>
    %dma_start3A_43 = tpu.memref_squeeze %dma_start3A_42 : memref<1x1024x1024xf32, #tpu.memory_space<hbm>> -> memref<1024x1024xf32, #tpu.memory_space<hbm>>
    %dma_start3A_44 = arith.constant 0 : i32
    %dma_start3A_45 = arith.constant 0 : i32
    %dma_start3A_46 = tpu.memref_slice %dma_start3A_43[%dma_start3A_44, %dma_start3A_45] : memref<1024x1024xf32, #tpu.memory_space<hbm>> -> memref<1024x1024xf32, #tpu.memory_space<hbm>>
    tpu.enqueue_indirect_dma source(%dma_start3A_46 : memref<1024x1024xf32, #tpu.memory_space<hbm>>) target(%dma_start3A_37 : memref<16x1024xf32, #tpu.memory_space<vmem>>) offsets(%dma_start3A_39 : memref<16xi32, #tpu.memory_space<vmem>>) semaphore(%arg7 : memref<!tpu.dma_semaphore, #tpu.memory_space<semaphore_mem>>)
    %dma_start3A_47 = arith.constant 1 : i32
    %dma_start3A_48 = arith.constant 3 : i32
    %dma_start3A_49 = arith.constant 0 : i32
    %dma_start3A_50 = arith.constant 0 : i32
    %dma_start3A_51 = tpu.memref_slice %arg6[%dma_start3A_48, %dma_start3A_49, %dma_start3A_50] : memref<4x16x1024xf32, #tpu.memory_space<vmem>> -> memref<1x16x1024xf32, #tpu.memory_space<vmem>>
    %dma_start3A_52 = tpu.memref_squeeze %dma_start3A_51 : memref<1x16x1024xf32, #tpu.memory_space<vmem>> -> memref<16x1024xf32, #tpu.memory_space<vmem>>
    %dma_start3A_53 = arith.constant 48 : i32
    %dma_start3A_54 = tpu.memref_slice %arg5[%dma_start3A_53] : memref<64xi32, #tpu.memory_space<vmem>> -> memref<16xi32, #tpu.memory_space<vmem>>
    %dma_start3A_55 = arith.constant 0 : i32
    %dma_start3A_56 = arith.constant 0 : i32
    %dma_start3A_57 = tpu.memref_slice %arg2[%dma_start3A_47, %dma_start3A_55, %dma_start3A_56] : memref<2x1024x1024xf32, #tpu.memory_space<hbm>> -> memref<1x1024x1024xf32, #tpu.memory_space<hbm>>
    %dma_start3A_58 = tpu.memref_squeeze %dma_start3A_57 : memref<1x1024x1024xf32, #tpu.memory_space<hbm>> -> memref<1024x1024xf32, #tpu.memory_space<hbm>>
    %dma_start3A_59 = arith.constant 0 : i32
    %dma_start3A_60 = arith.constant 0 : i32
    %dma_start3A_61 = tpu.memref_slice %dma_start3A_58[%dma_start3A_59, %dma_start3A_60] : memref<1024x1024xf32, #tpu.memory_space<hbm>> -> memref<1024x1024xf32, #tpu.memory_space<hbm>>
    tpu.enqueue_indirect_dma source(%dma_start3A_61 : memref<1024x1024xf32, #tpu.memory_space<hbm>>) target(%dma_start3A_52 : memref<16x1024xf32, #tpu.memory_space<vmem>>) offsets(%dma_start3A_54 : memref<16xi32, #tpu.memory_space<vmem>>) semaphore(%arg7 : memref<!tpu.dma_semaphore, #tpu.memory_space<semaphore_mem>>)
    %dma_wait3A = arith.constant 1 : i32
    %dma_wait3A_62 = arith.constant 0 : i32
    %dma_wait3A_63 = arith.constant 0 : i32
    %dma_wait3A_64 = arith.constant 0 : i32
    %dma_wait3A_65 = tpu.memref_slice %arg6[%dma_wait3A_62, %dma_wait3A_63, %dma_wait3A_64] : memref<4x16x1024xf32, #tpu.memory_space<vmem>> -> memref<1x16x1024xf32, #tpu.memory_space<vmem>>
    %dma_wait3A_66 = tpu.memref_squeeze %dma_wait3A_65 : memref<1x16x1024xf32, #tpu.memory_space<vmem>> -> memref<16x1024xf32, #tpu.memory_space<vmem>>
    %dma_wait3A_67 = arith.constant 0 : i32
    %dma_wait3A_68 = tpu.memref_slice %arg5[%dma_wait3A_67] : memref<64xi32, #tpu.memory_space<vmem>> -> memref<16xi32, #tpu.memory_space<vmem>>
    %dma_wait3A_69 = arith.constant 0 : i32
    %dma_wait3A_70 = arith.constant 0 : i32
    %dma_wait3A_71 = tpu.memref_slice %arg2[%dma_wait3A, %dma_wait3A_69, %dma_wait3A_70] : memref<2x1024x1024xf32, #tpu.memory_space<hbm>> -> memref<1x1024x1024xf32, #tpu.memory_space<hbm>>
    %dma_wait3A_72 = tpu.memref_squeeze %dma_wait3A_71 : memref<1x1024x1024xf32, #tpu.memory_space<hbm>> -> memref<1024x1024xf32, #tpu.memory_space<hbm>>
    %dma_wait3A_73 = arith.constant 0 : i32
    %dma_wait3A_74 = arith.constant 0 : i32
    %dma_wait3A_75 = tpu.memref_slice %dma_wait3A_72[%dma_wait3A_73, %dma_wait3A_74] : memref<1024x1024xf32, #tpu.memory_space<hbm>> -> memref<1024x1024xf32, #tpu.memory_space<hbm>>
    tpu.wait_indirect_dma semaphore(%arg7 : memref<!tpu.dma_semaphore, #tpu.memory_space<semaphore_mem>>) src(%dma_wait3A_75 : memref<1024x1024xf32, #tpu.memory_space<hbm>>) dst(%dma_wait3A_66 : memref<16x1024xf32, #tpu.memory_space<vmem>>)
    %add3A_76 = arith.constant 0 : i32
    %add3A_77 = arith.addi %mul3A_2, %add3A_76 : i32
    %dma_start3A_78 = arith.constant 0 : i32
    %dma_start3A_79 = arith.constant 0 : i32
    %dma_start3A_80 = arith.constant 0 : i32
    %dma_start3A_81 = tpu.memref_slice %arg6[%dma_start3A_78, %dma_start3A_79, %dma_start3A_80] : memref<4x16x1024xf32, #tpu.memory_space<vmem>> -> memref<1x16x1024xf32, #tpu.memory_space<vmem>>
    %dma_start3A_82 = tpu.memref_squeeze %dma_start3A_81 : memref<1x16x1024xf32, #tpu.memory_space<vmem>> -> memref<16x1024xf32, #tpu.memory_space<vmem>>
    %dma_start3A_83 = arith.constant 0 : i32
    %dma_start3A_84 = tpu.memref_slice %arg4[%add3A_77, %dma_start3A_83] : memref<2048x1024xf32, #tpu.memory_space<hbm>> -> memref<16x1024xf32, #tpu.memory_space<hbm>>
    %dma_start3A_85 = arith.constant 0 : i32
    %dma_start3A_86 = tpu.memref_slice %arg4[%add3A_77, %dma_start3A_85] : memref<2048x1024xf32, #tpu.memory_space<hbm>> -> memref<16x1024xf32, #tpu.memory_space<hbm>>
    %dma_start3A_87 = arith.constant 0 : i32
    %dma_start3A_88 = arith.constant 0 : i32
    %dma_start3A_89 = tpu.memref_slice %arg6[%dma_start3A_78, %dma_start3A_87, %dma_start3A_88] : memref<4x16x1024xf32, #tpu.memory_space<vmem>> -> memref<1x16x1024xf32, #tpu.memory_space<vmem>>
    %dma_start3A_90 = tpu.memref_squeeze %dma_start3A_89 : memref<1x16x1024xf32, #tpu.memory_space<vmem>> -> memref<16x1024xf32, #tpu.memory_space<vmem>>
    tpu.enqueue_dma source(%dma_start3A_90 : memref<16x1024xf32, #tpu.memory_space<vmem>>) target(%dma_start3A_86 : memref<16x1024xf32, #tpu.memory_space<hbm>>) target_semaphore(%arg8 : memref<!tpu.dma_semaphore, #tpu.memory_space<semaphore_mem>>)
    %dma_wait3A_91 = arith.constant 1 : i32
    %dma_wait3A_92 = arith.constant 1 : i32
    %dma_wait3A_93 = arith.constant 0 : i32
    %dma_wait3A_94 = arith.constant 0 : i32
    %dma_wait3A_95 = tpu.memref_slice %arg6[%dma_wait3A_92, %dma_wait3A_93, %dma_wait3A_94] : memref<4x16x1024xf32, #tpu.memory_space<vmem>> -> memref<1x16x1024xf32, #tpu.memory_space<vmem>>
    %dma_wait3A_96 = tpu.memref_squeeze %dma_wait3A_95 : memref<1x16x1024xf32, #tpu.memory_space<vmem>> -> memref<16x1024xf32, #tpu.memory_space<vmem>>
    %dma_wait3A_97 = arith.constant 16 : i32
    %dma_wait3A_98 = tpu.memref_slice %arg5[%dma_wait3A_97] : memref<64xi32, #tpu.memory_space<vmem>> -> memref<16xi32, #tpu.memory_space<vmem>>
    %dma_wait3A_99 = arith.constant 0 : i32
    %dma_wait3A_100 = arith.constant 0 : i32
    %dma_wait3A_101 = tpu.memref_slice %arg2[%dma_wait3A_91, %dma_wait3A_99, %dma_wait3A_100] : memref<2x1024x1024xf32, #tpu.memory_space<hbm>> -> memref<1x1024x1024xf32, #tpu.memory_space<hbm>>
    %dma_wait3A_102 = tpu.memref_squeeze %dma_wait3A_101 : memref<1x1024x1024xf32, #tpu.memory_space<hbm>> -> memref<1024x1024xf32, #tpu.memory_space<hbm>>
    %dma_wait3A_103 = arith.constant 0 : i32
    %dma_wait3A_104 = arith.constant 0 : i32
    %dma_wait3A_105 = tpu.memref_slice %dma_wait3A_102[%dma_wait3A_103, %dma_wait3A_104] : memref<1024x1024xf32, #tpu.memory_space<hbm>> -> memref<1024x1024xf32, #tpu.memory_space<hbm>>
    tpu.wait_indirect_dma semaphore(%arg7 : memref<!tpu.dma_semaphore, #tpu.memory_space<semaphore_mem>>) src(%dma_wait3A_105 : memref<1024x1024xf32, #tpu.memory_space<hbm>>) dst(%dma_wait3A_96 : memref<16x1024xf32, #tpu.memory_space<vmem>>)
    %add3A_106 = arith.constant 16 : i32
    %add3A_107 = arith.addi %mul3A_2, %add3A_106 : i32
    %dma_start3A_108 = arith.constant 1 : i32
    %dma_start3A_109 = arith.constant 0 : i32
    %dma_start3A_110 = arith.constant 0 : i32
    %dma_start3A_111 = tpu.memref_slice %arg6[%dma_start3A_108, %dma_start3A_109, %dma_start3A_110] : memref<4x16x1024xf32, #tpu.memory_space<vmem>> -> memref<1x16x1024xf32, #tpu.memory_space<vmem>>
    %dma_start3A_112 = tpu.memref_squeeze %dma_start3A_111 : memref<1x16x1024xf32, #tpu.memory_space<vmem>> -> memref<16x1024xf32, #tpu.memory_space<vmem>>
    %dma_start3A_113 = arith.constant 0 : i32
    %dma_start3A_114 = tpu.memref_slice %arg4[%add3A_107, %dma_start3A_113] : memref<2048x1024xf32, #tpu.memory_space<hbm>> -> memref<16x1024xf32, #tpu.memory_space<hbm>>
    %dma_start3A_115 = arith.constant 0 : i32
    %dma_start3A_116 = tpu.memref_slice %arg4[%add3A_107, %dma_start3A_115] : memref<2048x1024xf32, #tpu.memory_space<hbm>> -> memref<16x1024xf32, #tpu.memory_space<hbm>>
    %dma_start3A_117 = arith.constant 0 : i32
    %dma_start3A_118 = arith.constant 0 : i32
    %dma_start3A_119 = tpu.memref_slice %arg6[%dma_start3A_108, %dma_start3A_117, %dma_start3A_118] : memref<4x16x1024xf32, #tpu.memory_space<vmem>> -> memref<1x16x1024xf32, #tpu.memory_space<vmem>>
    %dma_start3A_120 = tpu.memref_squeeze %dma_start3A_119 : memref<1x16x1024xf32, #tpu.memory_space<vmem>> -> memref<16x1024xf32, #tpu.memory_space<vmem>>
    tpu.enqueue_dma source(%dma_start3A_120 : memref<16x1024xf32, #tpu.memory_space<vmem>>) target(%dma_start3A_116 : memref<16x1024xf32, #tpu.memory_space<hbm>>) target_semaphore(%arg8 : memref<!tpu.dma_semaphore, #tpu.memory_space<semaphore_mem>>)
    %dma_wait3A_121 = arith.constant 1 : i32
    %dma_wait3A_122 = arith.constant 2 : i32
    %dma_wait3A_123 = arith.constant 0 : i32
    %dma_wait3A_124 = arith.constant 0 : i32
    %dma_wait3A_125 = tpu.memref_slice %arg6[%dma_wait3A_122, %dma_wait3A_123, %dma_wait3A_124] : memref<4x16x1024xf32, #tpu.memory_space<vmem>> -> memref<1x16x1024xf32, #tpu.memory_space<vmem>>
    %dma_wait3A_126 = tpu.memref_squeeze %dma_wait3A_125 : memref<1x16x1024xf32, #tpu.memory_space<vmem>> -> memref<16x1024xf32, #tpu.memory_space<vmem>>
    %dma_wait3A_127 = arith.constant 32 : i32
    %dma_wait3A_128 = tpu.memref_slice %arg5[%dma_wait3A_127] : memref<64xi32, #tpu.memory_space<vmem>> -> memref<16xi32, #tpu.memory_space<vmem>>
    %dma_wait3A_129 = arith.constant 0 : i32
    %dma_wait3A_130 = arith.constant 0 : i32
    %dma_wait3A_131 = tpu.memref_slice %arg2[%dma_wait3A_121, %dma_wait3A_129, %dma_wait3A_130] : memref<2x1024x1024xf32, #tpu.memory_space<hbm>> -> memref<1x1024x1024xf32, #tpu.memory_space<hbm>>
    %dma_wait3A_132 = tpu.memref_squeeze %dma_wait3A_131 : memref<1x1024x1024xf32, #tpu.memory_space<hbm>> -> memref<1024x1024xf32, #tpu.memory_space<hbm>>
    %dma_wait3A_133 = arith.constant 0 : i32
    %dma_wait3A_134 = arith.constant 0 : i32
    %dma_wait3A_135 = tpu.memref_slice %dma_wait3A_132[%dma_wait3A_133, %dma_wait3A_134] : memref<1024x1024xf32, #tpu.memory_space<hbm>> -> memref<1024x1024xf32, #tpu.memory_space<hbm>>
    tpu.wait_indirect_dma semaphore(%arg7 : memref<!tpu.dma_semaphore, #tpu.memory_space<semaphore_mem>>) src(%dma_wait3A_135 : memref<1024x1024xf32, #tpu.memory_space<hbm>>) dst(%dma_wait3A_126 : memref<16x1024xf32, #tpu.memory_space<vmem>>)
    %add3A_136 = arith.constant 32 : i32
    %add3A_137 = arith.addi %mul3A_2, %add3A_136 : i32
    %dma_start3A_138 = arith.constant 2 : i32
    %dma_start3A_139 = arith.constant 0 : i32
    %dma_start3A_140 = arith.constant 0 : i32
    %dma_start3A_141 = tpu.memref_slice %arg6[%dma_start3A_138, %dma_start3A_139, %dma_start3A_140] : memref<4x16x1024xf32, #tpu.memory_space<vmem>> -> memref<1x16x1024xf32, #tpu.memory_space<vmem>>
    %dma_start3A_142 = tpu.memref_squeeze %dma_start3A_141 : memref<1x16x1024xf32, #tpu.memory_space<vmem>> -> memref<16x1024xf32, #tpu.memory_space<vmem>>
    %dma_start3A_143 = arith.constant 0 : i32
    %dma_start3A_144 = tpu.memref_slice %arg4[%add3A_137, %dma_start3A_143] : memref<2048x1024xf32, #tpu.memory_space<hbm>> -> memref<16x1024xf32, #tpu.memory_space<hbm>>
    %dma_start3A_145 = arith.constant 0 : i32
    %dma_start3A_146 = tpu.memref_slice %arg4[%add3A_137, %dma_start3A_145] : memref<2048x1024xf32, #tpu.memory_space<hbm>> -> memref<16x1024xf32, #tpu.memory_space<hbm>>
    %dma_start3A_147 = arith.constant 0 : i32
    %dma_start3A_148 = arith.constant 0 : i32
    %dma_start3A_149 = tpu.memref_slice %arg6[%dma_start3A_138, %dma_start3A_147, %dma_start3A_148] : memref<4x16x1024xf32, #tpu.memory_space<vmem>> -> memref<1x16x1024xf32, #tpu.memory_space<vmem>>
    %dma_start3A_150 = tpu.memref_squeeze %dma_start3A_149 : memref<1x16x1024xf32, #tpu.memory_space<vmem>> -> memref<16x1024xf32, #tpu.memory_space<vmem>>
    tpu.enqueue_dma source(%dma_start3A_150 : memref<16x1024xf32, #tpu.memory_space<vmem>>) target(%dma_start3A_146 : memref<16x1024xf32, #tpu.memory_space<hbm>>) target_semaphore(%arg8 : memref<!tpu.dma_semaphore, #tpu.memory_space<semaphore_mem>>)
    %dma_wait3A_151 = arith.constant 1 : i32
    %dma_wait3A_152 = arith.constant 3 : i32
    %dma_wait3A_153 = arith.constant 0 : i32
    %dma_wait3A_154 = arith.constant 0 : i32
    %dma_wait3A_155 = tpu.memref_slice %arg6[%dma_wait3A_152, %dma_wait3A_153, %dma_wait3A_154] : memref<4x16x1024xf32, #tpu.memory_space<vmem>> -> memref<1x16x1024xf32, #tpu.memory_space<vmem>>
    %dma_wait3A_156 = tpu.memref_squeeze %dma_wait3A_155 : memref<1x16x1024xf32, #tpu.memory_space<vmem>> -> memref<16x1024xf32, #tpu.memory_space<vmem>>
    %dma_wait3A_157 = arith.constant 48 : i32
    %dma_wait3A_158 = tpu.memref_slice %arg5[%dma_wait3A_157] : memref<64xi32, #tpu.memory_space<vmem>> -> memref<16xi32, #tpu.memory_space<vmem>>
    %dma_wait3A_159 = arith.constant 0 : i32
    %dma_wait3A_160 = arith.constant 0 : i32
    %dma_wait3A_161 = tpu.memref_slice %arg2[%dma_wait3A_151, %dma_wait3A_159, %dma_wait3A_160] : memref<2x1024x1024xf32, #tpu.memory_space<hbm>> -> memref<1x1024x1024xf32, #tpu.memory_space<hbm>>
    %dma_wait3A_162 = tpu.memref_squeeze %dma_wait3A_161 : memref<1x1024x1024xf32, #tpu.memory_space<hbm>> -> memref<1024x1024xf32, #tpu.memory_space<hbm>>
    %dma_wait3A_163 = arith.constant 0 : i32
    %dma_wait3A_164 = arith.constant 0 : i32
    %dma_wait3A_165 = tpu.memref_slice %dma_wait3A_162[%dma_wait3A_163, %dma_wait3A_164] : memref<1024x1024xf32, #tpu.memory_space<hbm>> -> memref<1024x1024xf32, #tpu.memory_space<hbm>>
    tpu.wait_indirect_dma semaphore(%arg7 : memref<!tpu.dma_semaphore, #tpu.memory_space<semaphore_mem>>) src(%dma_wait3A_165 : memref<1024x1024xf32, #tpu.memory_space<hbm>>) dst(%dma_wait3A_156 : memref<16x1024xf32, #tpu.memory_space<vmem>>)
    %add3A_166 = arith.constant 48 : i32
    %add3A_167 = arith.addi %mul3A_2, %add3A_166 : i32
    %dma_start3A_168 = arith.constant 3 : i32
    %dma_start3A_169 = arith.constant 0 : i32
    %dma_start3A_170 = arith.constant 0 : i32
    %dma_start3A_171 = tpu.memref_slice %arg6[%dma_start3A_168, %dma_start3A_169, %dma_start3A_170] : memref<4x16x1024xf32, #tpu.memory_space<vmem>> -> memref<1x16x1024xf32, #tpu.memory_space<vmem>>
    %dma_start3A_172 = tpu.memref_squeeze %dma_start3A_171 : memref<1x16x1024xf32, #tpu.memory_space<vmem>> -> memref<16x1024xf32, #tpu.memory_space<vmem>>
    %dma_start3A_173 = arith.constant 0 : i32
    %dma_start3A_174 = tpu.memref_slice %arg4[%add3A_167, %dma_start3A_173] : memref<2048x1024xf32, #tpu.memory_space<hbm>> -> memref<16x1024xf32, #tpu.memory_space<hbm>>
    %dma_start3A_175 = arith.constant 0 : i32
    %dma_start3A_176 = tpu.memref_slice %arg4[%add3A_167, %dma_start3A_175] : memref<2048x1024xf32, #tpu.memory_space<hbm>> -> memref<16x1024xf32, #tpu.memory_space<hbm>>
    %dma_start3A_177 = arith.constant 0 : i32
    %dma_start3A_178 = arith.constant 0 : i32
    %dma_start3A_179 = tpu.memref_slice %arg6[%dma_start3A_168, %dma_start3A_177, %dma_start3A_178] : memref<4x16x1024xf32, #tpu.memory_space<vmem>> -> memref<1x16x1024xf32, #tpu.memory_space<vmem>>
    %dma_start3A_180 = tpu.memref_squeeze %dma_start3A_179 : memref<1x16x1024xf32, #tpu.memory_space<vmem>> -> memref<16x1024xf32, #tpu.memory_space<vmem>>
    tpu.enqueue_dma source(%dma_start3A_180 : memref<16x1024xf32, #tpu.memory_space<vmem>>) target(%dma_start3A_176 : memref<16x1024xf32, #tpu.memory_space<hbm>>) target_semaphore(%arg8 : memref<!tpu.dma_semaphore, #tpu.memory_space<semaphore_mem>>)
    %dma_wait3A_181 = arith.constant 0 : i32
    %dma_wait3A_182 = arith.constant 0 : i32
    %dma_wait3A_183 = arith.constant 0 : i32
    %dma_wait3A_184 = tpu.memref_slice %arg6[%dma_wait3A_181, %dma_wait3A_182, %dma_wait3A_183] : memref<4x16x1024xf32, #tpu.memory_space<vmem>> -> memref<1x16x1024xf32, #tpu.memory_space<vmem>>
    %dma_wait3A_185 = tpu.memref_squeeze %dma_wait3A_184 : memref<1x16x1024xf32, #tpu.memory_space<vmem>> -> memref<16x1024xf32, #tpu.memory_space<vmem>>
    %dma_wait3A_186 = arith.constant 0 : i32
    %dma_wait3A_187 = tpu.memref_slice %arg4[%add3A_77, %dma_wait3A_186] : memref<2048x1024xf32, #tpu.memory_space<hbm>> -> memref<16x1024xf32, #tpu.memory_space<hbm>>
    %dma_wait3A_188 = arith.constant 0 : i32
    %dma_wait3A_189 = tpu.memref_slice %arg4[%add3A_77, %dma_wait3A_188] : memref<2048x1024xf32, #tpu.memory_space<hbm>> -> memref<16x1024xf32, #tpu.memory_space<hbm>>
    %dma_wait3A_190 = arith.constant 0 : i32
    %dma_wait3A_191 = arith.constant 0 : i32
    %dma_wait3A_192 = tpu.memref_slice %arg6[%dma_wait3A_181, %dma_wait3A_190, %dma_wait3A_191] : memref<4x16x1024xf32, #tpu.memory_space<vmem>> -> memref<1x16x1024xf32, #tpu.memory_space<vmem>>
    %dma_wait3A_193 = tpu.memref_squeeze %dma_wait3A_192 : memref<1x16x1024xf32, #tpu.memory_space<vmem>> -> memref<16x1024xf32, #tpu.memory_space<vmem>>
    tpu.wait_dma2 semaphore(%arg8 : memref<!tpu.dma_semaphore, #tpu.memory_space<semaphore_mem>>) src(%dma_wait3A_193 : memref<16x1024xf32, #tpu.memory_space<vmem>>) dst(%dma_wait3A_189 : memref<16x1024xf32, #tpu.memory_space<hbm>>)
    %dma_wait3A_194 = arith.constant 1 : i32
    %dma_wait3A_195 = arith.constant 0 : i32
    %dma_wait3A_196 = arith.constant 0 : i32
    %dma_wait3A_197 = tpu.memref_slice %arg6[%dma_wait3A_194, %dma_wait3A_195, %dma_wait3A_196] : memref<4x16x1024xf32, #tpu.memory_space<vmem>> -> memref<1x16x1024xf32, #tpu.memory_space<vmem>>
    %dma_wait3A_198 = tpu.memref_squeeze %dma_wait3A_197 : memref<1x16x1024xf32, #tpu.memory_space<vmem>> -> memref<16x1024xf32, #tpu.memory_space<vmem>>
    %dma_wait3A_199 = arith.constant 0 : i32
    %dma_wait3A_200 = tpu.memref_slice %arg4[%add3A_107, %dma_wait3A_199] : memref<2048x1024xf32, #tpu.memory_space<hbm>> -> memref<16x1024xf32, #tpu.memory_space<hbm>>
    %dma_wait3A_201 = arith.constant 0 : i32
    %dma_wait3A_202 = tpu.memref_slice %arg4[%add3A_107, %dma_wait3A_201] : memref<2048x1024xf32, #tpu.memory_space<hbm>> -> memref<16x1024xf32, #tpu.memory_space<hbm>>
    %dma_wait3A_203 = arith.constant 0 : i32
    %dma_wait3A_204 = arith.constant 0 : i32
    %dma_wait3A_205 = tpu.memref_slice %arg6[%dma_wait3A_194, %dma_wait3A_203, %dma_wait3A_204] : memref<4x16x1024xf32, #tpu.memory_space<vmem>> -> memref<1x16x1024xf32, #tpu.memory_space<vmem>>
    %dma_wait3A_206 = tpu.memref_squeeze %dma_wait3A_205 : memref<1x16x1024xf32, #tpu.memory_space<vmem>> -> memref<16x1024xf32, #tpu.memory_space<vmem>>
    tpu.wait_dma2 semaphore(%arg8 : memref<!tpu.dma_semaphore, #tpu.memory_space<semaphore_mem>>) src(%dma_wait3A_206 : memref<16x1024xf32, #tpu.memory_space<vmem>>) dst(%dma_wait3A_202 : memref<16x1024xf32, #tpu.memory_space<hbm>>)
    %dma_wait3A_207 = arith.constant 2 : i32
    %dma_wait3A_208 = arith.constant 0 : i32
    %dma_wait3A_209 = arith.constant 0 : i32
    %dma_wait3A_210 = tpu.memref_slice %arg6[%dma_wait3A_207, %dma_wait3A_208, %dma_wait3A_209] : memref<4x16x1024xf32, #tpu.memory_space<vmem>> -> memref<1x16x1024xf32, #tpu.memory_space<vmem>>
    %dma_wait3A_211 = tpu.memref_squeeze %dma_wait3A_210 : memref<1x16x1024xf32, #tpu.memory_space<vmem>> -> memref<16x1024xf32, #tpu.memory_space<vmem>>
    %dma_wait3A_212 = arith.constant 0 : i32
    %dma_wait3A_213 = tpu.memref_slice %arg4[%add3A_137, %dma_wait3A_212] : memref<2048x1024xf32, #tpu.memory_space<hbm>> -> memref<16x1024xf32, #tpu.memory_space<hbm>>
    %dma_wait3A_214 = arith.constant 0 : i32
    %dma_wait3A_215 = tpu.memref_slice %arg4[%add3A_137, %dma_wait3A_214] : memref<2048x1024xf32, #tpu.memory_space<hbm>> -> memref<16x1024xf32, #tpu.memory_space<hbm>>
    %dma_wait3A_216 = arith.constant 0 : i32
    %dma_wait3A_217 = arith.constant 0 : i32
    %dma_wait3A_218 = tpu.memref_slice %arg6[%dma_wait3A_207, %dma_wait3A_216, %dma_wait3A_217] : memref<4x16x1024xf32, #tpu.memory_space<vmem>> -> memref<1x16x1024xf32, #tpu.memory_space<vmem>>
    %dma_wait3A_219 = tpu.memref_squeeze %dma_wait3A_218 : memref<1x16x1024xf32, #tpu.memory_space<vmem>> -> memref<16x1024xf32, #tpu.memory_space<vmem>>
    tpu.wait_dma2 semaphore(%arg8 : memref<!tpu.dma_semaphore, #tpu.memory_space<semaphore_mem>>) src(%dma_wait3A_219 : memref<16x1024xf32, #tpu.memory_space<vmem>>) dst(%dma_wait3A_215 : memref<16x1024xf32, #tpu.memory_space<hbm>>)
    %dma_wait3A_220 = arith.constant 3 : i32
    %dma_wait3A_221 = arith.constant 0 : i32
    %dma_wait3A_222 = arith.constant 0 : i32
    %dma_wait3A_223 = tpu.memref_slice %arg6[%dma_wait3A_220, %dma_wait3A_221, %dma_wait3A_222] : memref<4x16x1024xf32, #tpu.memory_space<vmem>> -> memref<1x16x1024xf32, #tpu.memory_space<vmem>>
    %dma_wait3A_224 = tpu.memref_squeeze %dma_wait3A_223 : memref<1x16x1024xf32, #tpu.memory_space<vmem>> -> memref<16x1024xf32, #tpu.memory_space<vmem>>
    %dma_wait3A_225 = arith.constant 0 : i32
    %dma_wait3A_226 = tpu.memref_slice %arg4[%add3A_167, %dma_wait3A_225] : memref<2048x1024xf32, #tpu.memory_space<hbm>> -> memref<16x1024xf32, #tpu.memory_space<hbm>>
    %dma_wait3A_227 = arith.constant 0 : i32
    %dma_wait3A_228 = tpu.memref_slice %arg4[%add3A_167, %dma_wait3A_227] : memref<2048x1024xf32, #tpu.memory_space<hbm>> -> memref<16x1024xf32, #tpu.memory_space<hbm>>
    %dma_wait3A_229 = arith.constant 0 : i32
    %dma_wait3A_230 = arith.constant 0 : i32
    %dma_wait3A_231 = tpu.memref_slice %arg6[%dma_wait3A_220, %dma_wait3A_229, %dma_wait3A_230] : memref<4x16x1024xf32, #tpu.memory_space<vmem>> -> memref<1x16x1024xf32, #tpu.memory_space<vmem>>
    %dma_wait3A_232 = tpu.memref_squeeze %dma_wait3A_231 : memref<1x16x1024xf32, #tpu.memory_space<vmem>> -> memref<16x1024xf32, #tpu.memory_space<vmem>>
    tpu.wait_dma2 semaphore(%arg8 : memref<!tpu.dma_semaphore, #tpu.memory_space<semaphore_mem>>) src(%dma_wait3A_232 : memref<16x1024xf32, #tpu.memory_space<vmem>>) dst(%dma_wait3A_228 : memref<16x1024xf32, #tpu.memory_space<hbm>>)
    return
  }
}

#map = affine_map<(d0, d1) -> (0, 0, 0)>
#map1 = affine_map<(d0, d1) -> (0)>
#map2 = affine_map<(d0, d1) -> (0, 0)>
module attributes {stable_mosaic.version = 14 : i64} {
  func.func @k(%arg0: i32, %arg1: i32, %arg2: memref<2x1024x1024xf32, #tpu.memory_space<hbm>>, %arg3: memref<2048xi32, #tpu.memory_space<hbm>>, %arg4: memref<2048x1024xf32, #tpu.memory_space<hbm>>, %arg5: memref<64xi32, #tpu.memory_space<vmem>>, %arg6: memref<4x16x1024xf32, #tpu.memory_space<vmem>>, %arg7: memref<!tpu.dma_semaphore, #tpu.memory_space<semaphore_mem>>, %arg8: memref<!tpu.dma_semaphore, #tpu.memory_space<semaphore_mem>>) attributes {dimension_semantics = [#tpu.dimension_semantics<core_parallel>, #tpu.dimension_semantics<subcore_parallel>], iteration_bounds = array<i64: 2, 16>, scalar_prefetch = 0 : i64, scratch_operands = 4 : i64, tpu.core_type = #tpu.core_type<sc_vector_subcore>, window_params = [{transform_indices = #map}, {transform_indices = #map1}, {transform_indices = #map2}]} {
    %mul3A = arith.constant 2 : i32
    %mul3A_0 = arith.muli %arg1, %mul3A : i32
    %add3A = arith.addi %mul3A_0, %arg0 : i32
    %mul3A_1 = arith.constant 64 : i32
    %mul3A_2 = arith.muli %add3A, %mul3A_1 : i32
    "tpu.region"() ({
      %run_scoped3A = tpu.sem_alloc : memref<!tpu.dma_semaphore, #tpu.memory_space<semaphore_mem>>
      %dma_start3A_233 = tpu.memref_slice %arg3[%mul3A_2] : memref<2048xi32, #tpu.memory_space<hbm>> -> memref<64xi32, #tpu.memory_space<hbm>>
      %dma_start3A_234 = tpu.memref_slice %arg3[%mul3A_2] : memref<2048xi32, #tpu.memory_space<hbm>> -> memref<64xi32, #tpu.memory_space<hbm>>
      tpu.enqueue_dma source(%dma_start3A_234 : memref<64xi32, #tpu.memory_space<hbm>>) target(%arg5 : memref<64xi32, #tpu.memory_space<vmem>>) target_semaphore(%run_scoped3A : memref<!tpu.dma_semaphore, #tpu.memory_space<semaphore_mem>>)
      %dma_wait3A_235 = tpu.memref_slice %arg3[%mul3A_2] : memref<2048xi32, #tpu.memory_space<hbm>> -> memref<64xi32, #tpu.memory_space<hbm>>
      %dma_wait3A_236 = tpu.memref_slice %arg3[%mul3A_2] : memref<2048xi32, #tpu.memory_space<hbm>> -> memref<64xi32, #tpu.memory_space<hbm>>
      tpu.wait_dma2 semaphore(%run_scoped3A : memref<!tpu.dma_semaphore, #tpu.memory_space<semaphore_mem>>) src(%dma_wait3A_236 : memref<64xi32, #tpu.memory_space<hbm>>) dst(%arg5 : memref<64xi32, #tpu.memory_space<vmem>>)
      tpu.yield
    }) : () -> ()
    %dma_start3A = arith.constant 0 : i32
    %dma_start3A_3 = arith.constant 0 : i32
    %dma_start3A_4 = arith.constant 0 : i32
    %dma_start3A_5 = arith.constant 0 : i32
    %dma_start3A_6 = tpu.memref_slice %arg6[%dma_start3A_3, %dma_start3A_4, %dma_start3A_5] : memref<4x16x1024xf32, #tpu.memory_space<vmem>> -> memref<1x16x1024xf32, #tpu.memory_space<vmem>>
    %dma_start3A_7 = tpu.memref_squeeze %dma_start3A_6 : memref<1x16x1024xf32, #tpu.memory_space<vmem>> -> memref<16x1024xf32, #tpu.memory_space<vmem>>
    %dma_start3A_8 = arith.constant 0 : i32
    %dma_start3A_9 = tpu.memref_slice %arg5[%dma_start3A_8] : memref<64xi32, #tpu.memory_space<vmem>> -> memref<16xi32, #tpu.memory_space<vmem>>
    %dma_start3A_10 = arith.constant 0 : i32
    %dma_start3A_11 = arith.constant 0 : i32
    %dma_start3A_12 = tpu.memref_slice %arg2[%dma_start3A, %dma_start3A_10, %dma_start3A_11] : memref<2x1024x1024xf32, #tpu.memory_space<hbm>> -> memref<1x1024x1024xf32, #tpu.memory_space<hbm>>
    %dma_start3A_13 = tpu.memref_squeeze %dma_start3A_12 : memref<1x1024x1024xf32, #tpu.memory_space<hbm>> -> memref<1024x1024xf32, #tpu.memory_space<hbm>>
    %dma_start3A_14 = arith.constant 0 : i32
    %dma_start3A_15 = arith.constant 0 : i32
    %dma_start3A_16 = tpu.memref_slice %dma_start3A_13[%dma_start3A_14, %dma_start3A_15] : memref<1024x1024xf32, #tpu.memory_space<hbm>> -> memref<1024x1024xf32, #tpu.memory_space<hbm>>
    tpu.enqueue_indirect_dma source(%dma_start3A_16 : memref<1024x1024xf32, #tpu.memory_space<hbm>>) target(%dma_start3A_7 : memref<16x1024xf32, #tpu.memory_space<vmem>>) offsets(%dma_start3A_9 : memref<16xi32, #tpu.memory_space<vmem>>) semaphore(%arg7 : memref<!tpu.dma_semaphore, #tpu.memory_space<semaphore_mem>>)
    %dma_start3A_17 = arith.constant 0 : i32
    %dma_start3A_18 = arith.constant 1 : i32
    %dma_start3A_19 = arith.constant 0 : i32
    %dma_start3A_20 = arith.constant 0 : i32
    %dma_start3A_21 = tpu.memref_slice %arg6[%dma_start3A_18, %dma_start3A_19, %dma_start3A_20] : memref<4x16x1024xf32, #tpu.memory_space<vmem>> -> memref<1x16x1024xf32, #tpu.memory_space<vmem>>
    %dma_start3A_22 = tpu.memref_squeeze %dma_start3A_21 : memref<1x16x1024xf32, #tpu.memory_space<vmem>> -> memref<16x1024xf32, #tpu.memory_space<vmem>>
    %dma_start3A_23 = arith.constant 16 : i32
    %dma_start3A_24 = tpu.memref_slice %arg5[%dma_start3A_23] : memref<64xi32, #tpu.memory_space<vmem>> -> memref<16xi32, #tpu.memory_space<vmem>>
    %dma_start3A_25 = arith.constant 0 : i32
    %dma_start3A_26 = arith.constant 0 : i32
    %dma_start3A_27 = tpu.memref_slice %arg2[%dma_start3A_17, %dma_start3A_25, %dma_start3A_26] : memref<2x1024x1024xf32, #tpu.memory_space<hbm>> -> memref<1x1024x1024xf32, #tpu.memory_space<hbm>>
    %dma_start3A_28 = tpu.memref_squeeze %dma_start3A_27 : memref<1x1024x1024xf32, #tpu.memory_space<hbm>> -> memref<1024x1024xf32, #tpu.memory_space<hbm>>
    %dma_start3A_29 = arith.constant 0 : i32
    %dma_start3A_30 = arith.constant 0 : i32
    %dma_start3A_31 = tpu.memref_slice %dma_start3A_28[%dma_start3A_29, %dma_start3A_30] : memref<1024x1024xf32, #tpu.memory_space<hbm>> -> memref<1024x1024xf32, #tpu.memory_space<hbm>>
    tpu.enqueue_indirect_dma source(%dma_start3A_31 : memref<1024x1024xf32, #tpu.memory_space<hbm>>) target(%dma_start3A_22 : memref<16x1024xf32, #tpu.memory_space<vmem>>) offsets(%dma_start3A_24 : memref<16xi32, #tpu.memory_space<vmem>>) semaphore(%arg7 : memref<!tpu.dma_semaphore, #tpu.memory_space<semaphore_mem>>)
    %dma_start3A_32 = arith.constant 0 : i32
    %dma_start3A_33 = arith.constant 2 : i32
    %dma_start3A_34 = arith.constant 0 : i32
    %dma_start3A_35 = arith.constant 0 : i32
    %dma_start3A_36 = tpu.memref_slice %arg6[%dma_start3A_33, %dma_start3A_34, %dma_start3A_35] : memref<4x16x1024xf32, #tpu.memory_space<vmem>> -> memref<1x16x1024xf32, #tpu.memory_space<vmem>>
    %dma_start3A_37 = tpu.memref_squeeze %dma_start3A_36 : memref<1x16x1024xf32, #tpu.memory_space<vmem>> -> memref<16x1024xf32, #tpu.memory_space<vmem>>
    %dma_start3A_38 = arith.constant 32 : i32
    %dma_start3A_39 = tpu.memref_slice %arg5[%dma_start3A_38] : memref<64xi32, #tpu.memory_space<vmem>> -> memref<16xi32, #tpu.memory_space<vmem>>
    %dma_start3A_40 = arith.constant 0 : i32
    %dma_start3A_41 = arith.constant 0 : i32
    %dma_start3A_42 = tpu.memref_slice %arg2[%dma_start3A_32, %dma_start3A_40, %dma_start3A_41] : memref<2x1024x1024xf32, #tpu.memory_space<hbm>> -> memref<1x1024x1024xf32, #tpu.memory_space<hbm>>
    %dma_start3A_43 = tpu.memref_squeeze %dma_start3A_42 : memref<1x1024x1024xf32, #tpu.memory_space<hbm>> -> memref<1024x1024xf32, #tpu.memory_space<hbm>>
    %dma_start3A_44 = arith.constant 0 : i32
    %dma_start3A_45 = arith.constant 0 : i32
    %dma_start3A_46 = tpu.memref_slice %dma_start3A_43[%dma_start3A_44, %dma_start3A_45] : memref<1024x1024xf32, #tpu.memory_space<hbm>> -> memref<1024x1024xf32, #tpu.memory_space<hbm>>
    tpu.enqueue_indirect_dma source(%dma_start3A_46 : memref<1024x1024xf32, #tpu.memory_space<hbm>>) target(%dma_start3A_37 : memref<16x1024xf32, #tpu.memory_space<vmem>>) offsets(%dma_start3A_39 : memref<16xi32, #tpu.memory_space<vmem>>) semaphore(%arg7 : memref<!tpu.dma_semaphore, #tpu.memory_space<semaphore_mem>>)
    %dma_start3A_47 = arith.constant 0 : i32
    %dma_start3A_48 = arith.constant 3 : i32
    %dma_start3A_49 = arith.constant 0 : i32
    %dma_start3A_50 = arith.constant 0 : i32
    %dma_start3A_51 = tpu.memref_slice %arg6[%dma_start3A_48, %dma_start3A_49, %dma_start3A_50] : memref<4x16x1024xf32, #tpu.memory_space<vmem>> -> memref<1x16x1024xf32, #tpu.memory_space<vmem>>
    %dma_start3A_52 = tpu.memref_squeeze %dma_start3A_51 : memref<1x16x1024xf32, #tpu.memory_space<vmem>> -> memref<16x1024xf32, #tpu.memory_space<vmem>>
    %dma_start3A_53 = arith.constant 48 : i32
    %dma_start3A_54 = tpu.memref_slice %arg5[%dma_start3A_53] : memref<64xi32, #tpu.memory_space<vmem>> -> memref<16xi32, #tpu.memory_space<vmem>>
    %dma_start3A_55 = arith.constant 0 : i32
    %dma_start3A_56 = arith.constant 0 : i32
    %dma_start3A_57 = tpu.memref_slice %arg2[%dma_start3A_47, %dma_start3A_55, %dma_start3A_56] : memref<2x1024x1024xf32, #tpu.memory_space<hbm>> -> memref<1x1024x1024xf32, #tpu.memory_space<hbm>>
    %dma_start3A_58 = tpu.memref_squeeze %dma_start3A_57 : memref<1x1024x1024xf32, #tpu.memory_space<hbm>> -> memref<1024x1024xf32, #tpu.memory_space<hbm>>
    %dma_start3A_59 = arith.constant 0 : i32
    %dma_start3A_60 = arith.constant 0 : i32
    %dma_start3A_61 = tpu.memref_slice %dma_start3A_58[%dma_start3A_59, %dma_start3A_60] : memref<1024x1024xf32, #tpu.memory_space<hbm>> -> memref<1024x1024xf32, #tpu.memory_space<hbm>>
    tpu.enqueue_indirect_dma source(%dma_start3A_61 : memref<1024x1024xf32, #tpu.memory_space<hbm>>) target(%dma_start3A_52 : memref<16x1024xf32, #tpu.memory_space<vmem>>) offsets(%dma_start3A_54 : memref<16xi32, #tpu.memory_space<vmem>>) semaphore(%arg7 : memref<!tpu.dma_semaphore, #tpu.memory_space<semaphore_mem>>)
    %dma_wait3A = arith.constant 0 : i32
    %dma_wait3A_62 = arith.constant 0 : i32
    %dma_wait3A_63 = arith.constant 0 : i32
    %dma_wait3A_64 = arith.constant 0 : i32
    %dma_wait3A_65 = tpu.memref_slice %arg6[%dma_wait3A_62, %dma_wait3A_63, %dma_wait3A_64] : memref<4x16x1024xf32, #tpu.memory_space<vmem>> -> memref<1x16x1024xf32, #tpu.memory_space<vmem>>
    %dma_wait3A_66 = tpu.memref_squeeze %dma_wait3A_65 : memref<1x16x1024xf32, #tpu.memory_space<vmem>> -> memref<16x1024xf32, #tpu.memory_space<vmem>>
    %dma_wait3A_67 = arith.constant 0 : i32
    %dma_wait3A_68 = tpu.memref_slice %arg5[%dma_wait3A_67] : memref<64xi32, #tpu.memory_space<vmem>> -> memref<16xi32, #tpu.memory_space<vmem>>
    %dma_wait3A_69 = arith.constant 0 : i32
    %dma_wait3A_70 = arith.constant 0 : i32
    %dma_wait3A_71 = tpu.memref_slice %arg2[%dma_wait3A, %dma_wait3A_69, %dma_wait3A_70] : memref<2x1024x1024xf32, #tpu.memory_space<hbm>> -> memref<1x1024x1024xf32, #tpu.memory_space<hbm>>
    %dma_wait3A_72 = tpu.memref_squeeze %dma_wait3A_71 : memref<1x1024x1024xf32, #tpu.memory_space<hbm>> -> memref<1024x1024xf32, #tpu.memory_space<hbm>>
    %dma_wait3A_73 = arith.constant 0 : i32
    %dma_wait3A_74 = arith.constant 0 : i32
    %dma_wait3A_75 = tpu.memref_slice %dma_wait3A_72[%dma_wait3A_73, %dma_wait3A_74] : memref<1024x1024xf32, #tpu.memory_space<hbm>> -> memref<1024x1024xf32, #tpu.memory_space<hbm>>
    tpu.wait_indirect_dma semaphore(%arg7 : memref<!tpu.dma_semaphore, #tpu.memory_space<semaphore_mem>>) src(%dma_wait3A_75 : memref<1024x1024xf32, #tpu.memory_space<hbm>>) dst(%dma_wait3A_66 : memref<16x1024xf32, #tpu.memory_space<vmem>>)
    %add3A_76 = arith.constant 0 : i32
    %add3A_77 = arith.addi %mul3A_2, %add3A_76 : i32
    %dma_start3A_78 = arith.constant 0 : i32
    %dma_start3A_79 = arith.constant 0 : i32
    %dma_start3A_80 = arith.constant 0 : i32
    %dma_start3A_81 = tpu.memref_slice %arg6[%dma_start3A_78, %dma_start3A_79, %dma_start3A_80] : memref<4x16x1024xf32, #tpu.memory_space<vmem>> -> memref<1x16x1024xf32, #tpu.memory_space<vmem>>
    %dma_start3A_82 = tpu.memref_squeeze %dma_start3A_81 : memref<1x16x1024xf32, #tpu.memory_space<vmem>> -> memref<16x1024xf32, #tpu.memory_space<vmem>>
    %dma_start3A_83 = arith.constant 0 : i32
    %dma_start3A_84 = tpu.memref_slice %arg4[%add3A_77, %dma_start3A_83] : memref<2048x1024xf32, #tpu.memory_space<hbm>> -> memref<16x1024xf32, #tpu.memory_space<hbm>>
    %dma_start3A_85 = arith.constant 0 : i32
    %dma_start3A_86 = tpu.memref_slice %arg4[%add3A_77, %dma_start3A_85] : memref<2048x1024xf32, #tpu.memory_space<hbm>> -> memref<16x1024xf32, #tpu.memory_space<hbm>>
    %dma_start3A_87 = arith.constant 0 : i32
    %dma_start3A_88 = arith.constant 0 : i32
    %dma_start3A_89 = tpu.memref_slice %arg6[%dma_start3A_78, %dma_start3A_87, %dma_start3A_88] : memref<4x16x1024xf32, #tpu.memory_space<vmem>> -> memref<1x16x1024xf32, #tpu.memory_space<vmem>>
    %dma_start3A_90 = tpu.memref_squeeze %dma_start3A_89 : memref<1x16x1024xf32, #tpu.memory_space<vmem>> -> memref<16x1024xf32, #tpu.memory_space<vmem>>
    tpu.enqueue_dma source(%dma_start3A_90 : memref<16x1024xf32, #tpu.memory_space<vmem>>) target(%dma_start3A_86 : memref<16x1024xf32, #tpu.memory_space<hbm>>) target_semaphore(%arg8 : memref<!tpu.dma_semaphore, #tpu.memory_space<semaphore_mem>>)
    %dma_wait3A_91 = arith.constant 0 : i32
    %dma_wait3A_92 = arith.constant 1 : i32
    %dma_wait3A_93 = arith.constant 0 : i32
    %dma_wait3A_94 = arith.constant 0 : i32
    %dma_wait3A_95 = tpu.memref_slice %arg6[%dma_wait3A_92, %dma_wait3A_93, %dma_wait3A_94] : memref<4x16x1024xf32, #tpu.memory_space<vmem>> -> memref<1x16x1024xf32, #tpu.memory_space<vmem>>
    %dma_wait3A_96 = tpu.memref_squeeze %dma_wait3A_95 : memref<1x16x1024xf32, #tpu.memory_space<vmem>> -> memref<16x1024xf32, #tpu.memory_space<vmem>>
    %dma_wait3A_97 = arith.constant 16 : i32
    %dma_wait3A_98 = tpu.memref_slice %arg5[%dma_wait3A_97] : memref<64xi32, #tpu.memory_space<vmem>> -> memref<16xi32, #tpu.memory_space<vmem>>
    %dma_wait3A_99 = arith.constant 0 : i32
    %dma_wait3A_100 = arith.constant 0 : i32
    %dma_wait3A_101 = tpu.memref_slice %arg2[%dma_wait3A_91, %dma_wait3A_99, %dma_wait3A_100] : memref<2x1024x1024xf32, #tpu.memory_space<hbm>> -> memref<1x1024x1024xf32, #tpu.memory_space<hbm>>
    %dma_wait3A_102 = tpu.memref_squeeze %dma_wait3A_101 : memref<1x1024x1024xf32, #tpu.memory_space<hbm>> -> memref<1024x1024xf32, #tpu.memory_space<hbm>>
    %dma_wait3A_103 = arith.constant 0 : i32
    %dma_wait3A_104 = arith.constant 0 : i32
    %dma_wait3A_105 = tpu.memref_slice %dma_wait3A_102[%dma_wait3A_103, %dma_wait3A_104] : memref<1024x1024xf32, #tpu.memory_space<hbm>> -> memref<1024x1024xf32, #tpu.memory_space<hbm>>
    tpu.wait_indirect_dma semaphore(%arg7 : memref<!tpu.dma_semaphore, #tpu.memory_space<semaphore_mem>>) src(%dma_wait3A_105 : memref<1024x1024xf32, #tpu.memory_space<hbm>>) dst(%dma_wait3A_96 : memref<16x1024xf32, #tpu.memory_space<vmem>>)
    %add3A_106 = arith.constant 16 : i32
    %add3A_107 = arith.addi %mul3A_2, %add3A_106 : i32
    %dma_start3A_108 = arith.constant 1 : i32
    %dma_start3A_109 = arith.constant 0 : i32
    %dma_start3A_110 = arith.constant 0 : i32
    %dma_start3A_111 = tpu.memref_slice %arg6[%dma_start3A_108, %dma_start3A_109, %dma_start3A_110] : memref<4x16x1024xf32, #tpu.memory_space<vmem>> -> memref<1x16x1024xf32, #tpu.memory_space<vmem>>
    %dma_start3A_112 = tpu.memref_squeeze %dma_start3A_111 : memref<1x16x1024xf32, #tpu.memory_space<vmem>> -> memref<16x1024xf32, #tpu.memory_space<vmem>>
    %dma_start3A_113 = arith.constant 0 : i32
    %dma_start3A_114 = tpu.memref_slice %arg4[%add3A_107, %dma_start3A_113] : memref<2048x1024xf32, #tpu.memory_space<hbm>> -> memref<16x1024xf32, #tpu.memory_space<hbm>>
    %dma_start3A_115 = arith.constant 0 : i32
    %dma_start3A_116 = tpu.memref_slice %arg4[%add3A_107, %dma_start3A_115] : memref<2048x1024xf32, #tpu.memory_space<hbm>> -> memref<16x1024xf32, #tpu.memory_space<hbm>>
    %dma_start3A_117 = arith.constant 0 : i32
    %dma_start3A_118 = arith.constant 0 : i32
    %dma_start3A_119 = tpu.memref_slice %arg6[%dma_start3A_108, %dma_start3A_117, %dma_start3A_118] : memref<4x16x1024xf32, #tpu.memory_space<vmem>> -> memref<1x16x1024xf32, #tpu.memory_space<vmem>>
    %dma_start3A_120 = tpu.memref_squeeze %dma_start3A_119 : memref<1x16x1024xf32, #tpu.memory_space<vmem>> -> memref<16x1024xf32, #tpu.memory_space<vmem>>
    tpu.enqueue_dma source(%dma_start3A_120 : memref<16x1024xf32, #tpu.memory_space<vmem>>) target(%dma_start3A_116 : memref<16x1024xf32, #tpu.memory_space<hbm>>) target_semaphore(%arg8 : memref<!tpu.dma_semaphore, #tpu.memory_space<semaphore_mem>>)
    %dma_wait3A_121 = arith.constant 0 : i32
    %dma_wait3A_122 = arith.constant 2 : i32
    %dma_wait3A_123 = arith.constant 0 : i32
    %dma_wait3A_124 = arith.constant 0 : i32
    %dma_wait3A_125 = tpu.memref_slice %arg6[%dma_wait3A_122, %dma_wait3A_123, %dma_wait3A_124] : memref<4x16x1024xf32, #tpu.memory_space<vmem>> -> memref<1x16x1024xf32, #tpu.memory_space<vmem>>
    %dma_wait3A_126 = tpu.memref_squeeze %dma_wait3A_125 : memref<1x16x1024xf32, #tpu.memory_space<vmem>> -> memref<16x1024xf32, #tpu.memory_space<vmem>>
    %dma_wait3A_127 = arith.constant 32 : i32
    %dma_wait3A_128 = tpu.memref_slice %arg5[%dma_wait3A_127] : memref<64xi32, #tpu.memory_space<vmem>> -> memref<16xi32, #tpu.memory_space<vmem>>
    %dma_wait3A_129 = arith.constant 0 : i32
    %dma_wait3A_130 = arith.constant 0 : i32
    %dma_wait3A_131 = tpu.memref_slice %arg2[%dma_wait3A_121, %dma_wait3A_129, %dma_wait3A_130] : memref<2x1024x1024xf32, #tpu.memory_space<hbm>> -> memref<1x1024x1024xf32, #tpu.memory_space<hbm>>
    %dma_wait3A_132 = tpu.memref_squeeze %dma_wait3A_131 : memref<1x1024x1024xf32, #tpu.memory_space<hbm>> -> memref<1024x1024xf32, #tpu.memory_space<hbm>>
    %dma_wait3A_133 = arith.constant 0 : i32
    %dma_wait3A_134 = arith.constant 0 : i32
    %dma_wait3A_135 = tpu.memref_slice %dma_wait3A_132[%dma_wait3A_133, %dma_wait3A_134] : memref<1024x1024xf32, #tpu.memory_space<hbm>> -> memref<1024x1024xf32, #tpu.memory_space<hbm>>
    tpu.wait_indirect_dma semaphore(%arg7 : memref<!tpu.dma_semaphore, #tpu.memory_space<semaphore_mem>>) src(%dma_wait3A_135 : memref<1024x1024xf32, #tpu.memory_space<hbm>>) dst(%dma_wait3A_126 : memref<16x1024xf32, #tpu.memory_space<vmem>>)
    %add3A_136 = arith.constant 32 : i32
    %add3A_137 = arith.addi %mul3A_2, %add3A_136 : i32
    %dma_start3A_138 = arith.constant 2 : i32
    %dma_start3A_139 = arith.constant 0 : i32
    %dma_start3A_140 = arith.constant 0 : i32
    %dma_start3A_141 = tpu.memref_slice %arg6[%dma_start3A_138, %dma_start3A_139, %dma_start3A_140] : memref<4x16x1024xf32, #tpu.memory_space<vmem>> -> memref<1x16x1024xf32, #tpu.memory_space<vmem>>
    %dma_start3A_142 = tpu.memref_squeeze %dma_start3A_141 : memref<1x16x1024xf32, #tpu.memory_space<vmem>> -> memref<16x1024xf32, #tpu.memory_space<vmem>>
    %dma_start3A_143 = arith.constant 0 : i32
    %dma_start3A_144 = tpu.memref_slice %arg4[%add3A_137, %dma_start3A_143] : memref<2048x1024xf32, #tpu.memory_space<hbm>> -> memref<16x1024xf32, #tpu.memory_space<hbm>>
    %dma_start3A_145 = arith.constant 0 : i32
    %dma_start3A_146 = tpu.memref_slice %arg4[%add3A_137, %dma_start3A_145] : memref<2048x1024xf32, #tpu.memory_space<hbm>> -> memref<16x1024xf32, #tpu.memory_space<hbm>>
    %dma_start3A_147 = arith.constant 0 : i32
    %dma_start3A_148 = arith.constant 0 : i32
    %dma_start3A_149 = tpu.memref_slice %arg6[%dma_start3A_138, %dma_start3A_147, %dma_start3A_148] : memref<4x16x1024xf32, #tpu.memory_space<vmem>> -> memref<1x16x1024xf32, #tpu.memory_space<vmem>>
    %dma_start3A_150 = tpu.memref_squeeze %dma_start3A_149 : memref<1x16x1024xf32, #tpu.memory_space<vmem>> -> memref<16x1024xf32, #tpu.memory_space<vmem>>
    tpu.enqueue_dma source(%dma_start3A_150 : memref<16x1024xf32, #tpu.memory_space<vmem>>) target(%dma_start3A_146 : memref<16x1024xf32, #tpu.memory_space<hbm>>) target_semaphore(%arg8 : memref<!tpu.dma_semaphore, #tpu.memory_space<semaphore_mem>>)
    %dma_wait3A_151 = arith.constant 0 : i32
    %dma_wait3A_152 = arith.constant 3 : i32
    %dma_wait3A_153 = arith.constant 0 : i32
    %dma_wait3A_154 = arith.constant 0 : i32
    %dma_wait3A_155 = tpu.memref_slice %arg6[%dma_wait3A_152, %dma_wait3A_153, %dma_wait3A_154] : memref<4x16x1024xf32, #tpu.memory_space<vmem>> -> memref<1x16x1024xf32, #tpu.memory_space<vmem>>
    %dma_wait3A_156 = tpu.memref_squeeze %dma_wait3A_155 : memref<1x16x1024xf32, #tpu.memory_space<vmem>> -> memref<16x1024xf32, #tpu.memory_space<vmem>>
    %dma_wait3A_157 = arith.constant 48 : i32
    %dma_wait3A_158 = tpu.memref_slice %arg5[%dma_wait3A_157] : memref<64xi32, #tpu.memory_space<vmem>> -> memref<16xi32, #tpu.memory_space<vmem>>
    %dma_wait3A_159 = arith.constant 0 : i32
    %dma_wait3A_160 = arith.constant 0 : i32
    %dma_wait3A_161 = tpu.memref_slice %arg2[%dma_wait3A_151, %dma_wait3A_159, %dma_wait3A_160] : memref<2x1024x1024xf32, #tpu.memory_space<hbm>> -> memref<1x1024x1024xf32, #tpu.memory_space<hbm>>
    %dma_wait3A_162 = tpu.memref_squeeze %dma_wait3A_161 : memref<1x1024x1024xf32, #tpu.memory_space<hbm>> -> memref<1024x1024xf32, #tpu.memory_space<hbm>>
    %dma_wait3A_163 = arith.constant 0 : i32
    %dma_wait3A_164 = arith.constant 0 : i32
    %dma_wait3A_165 = tpu.memref_slice %dma_wait3A_162[%dma_wait3A_163, %dma_wait3A_164] : memref<1024x1024xf32, #tpu.memory_space<hbm>> -> memref<1024x1024xf32, #tpu.memory_space<hbm>>
    tpu.wait_indirect_dma semaphore(%arg7 : memref<!tpu.dma_semaphore, #tpu.memory_space<semaphore_mem>>) src(%dma_wait3A_165 : memref<1024x1024xf32, #tpu.memory_space<hbm>>) dst(%dma_wait3A_156 : memref<16x1024xf32, #tpu.memory_space<vmem>>)
    %add3A_166 = arith.constant 48 : i32
    %add3A_167 = arith.addi %mul3A_2, %add3A_166 : i32
    %dma_start3A_168 = arith.constant 3 : i32
    %dma_start3A_169 = arith.constant 0 : i32
    %dma_start3A_170 = arith.constant 0 : i32
    %dma_start3A_171 = tpu.memref_slice %arg6[%dma_start3A_168, %dma_start3A_169, %dma_start3A_170] : memref<4x16x1024xf32, #tpu.memory_space<vmem>> -> memref<1x16x1024xf32, #tpu.memory_space<vmem>>
    %dma_start3A_172 = tpu.memref_squeeze %dma_start3A_171 : memref<1x16x1024xf32, #tpu.memory_space<vmem>> -> memref<16x1024xf32, #tpu.memory_space<vmem>>
    %dma_start3A_173 = arith.constant 0 : i32
    %dma_start3A_174 = tpu.memref_slice %arg4[%add3A_167, %dma_start3A_173] : memref<2048x1024xf32, #tpu.memory_space<hbm>> -> memref<16x1024xf32, #tpu.memory_space<hbm>>
    %dma_start3A_175 = arith.constant 0 : i32
    %dma_start3A_176 = tpu.memref_slice %arg4[%add3A_167, %dma_start3A_175] : memref<2048x1024xf32, #tpu.memory_space<hbm>> -> memref<16x1024xf32, #tpu.memory_space<hbm>>
    %dma_start3A_177 = arith.constant 0 : i32
    %dma_start3A_178 = arith.constant 0 : i32
    %dma_start3A_179 = tpu.memref_slice %arg6[%dma_start3A_168, %dma_start3A_177, %dma_start3A_178] : memref<4x16x1024xf32, #tpu.memory_space<vmem>> -> memref<1x16x1024xf32, #tpu.memory_space<vmem>>
    %dma_start3A_180 = tpu.memref_squeeze %dma_start3A_179 : memref<1x16x1024xf32, #tpu.memory_space<vmem>> -> memref<16x1024xf32, #tpu.memory_space<vmem>>
    tpu.enqueue_dma source(%dma_start3A_180 : memref<16x1024xf32, #tpu.memory_space<vmem>>) target(%dma_start3A_176 : memref<16x1024xf32, #tpu.memory_space<hbm>>) target_semaphore(%arg8 : memref<!tpu.dma_semaphore, #tpu.memory_space<semaphore_mem>>)
    %dma_wait3A_181 = arith.constant 0 : i32
    %dma_wait3A_182 = arith.constant 0 : i32
    %dma_wait3A_183 = arith.constant 0 : i32
    %dma_wait3A_184 = tpu.memref_slice %arg6[%dma_wait3A_181, %dma_wait3A_182, %dma_wait3A_183] : memref<4x16x1024xf32, #tpu.memory_space<vmem>> -> memref<1x16x1024xf32, #tpu.memory_space<vmem>>
    %dma_wait3A_185 = tpu.memref_squeeze %dma_wait3A_184 : memref<1x16x1024xf32, #tpu.memory_space<vmem>> -> memref<16x1024xf32, #tpu.memory_space<vmem>>
    %dma_wait3A_186 = arith.constant 0 : i32
    %dma_wait3A_187 = tpu.memref_slice %arg4[%add3A_77, %dma_wait3A_186] : memref<2048x1024xf32, #tpu.memory_space<hbm>> -> memref<16x1024xf32, #tpu.memory_space<hbm>>
    %dma_wait3A_188 = arith.constant 0 : i32
    %dma_wait3A_189 = tpu.memref_slice %arg4[%add3A_77, %dma_wait3A_188] : memref<2048x1024xf32, #tpu.memory_space<hbm>> -> memref<16x1024xf32, #tpu.memory_space<hbm>>
    %dma_wait3A_190 = arith.constant 0 : i32
    %dma_wait3A_191 = arith.constant 0 : i32
    %dma_wait3A_192 = tpu.memref_slice %arg6[%dma_wait3A_181, %dma_wait3A_190, %dma_wait3A_191] : memref<4x16x1024xf32, #tpu.memory_space<vmem>> -> memref<1x16x1024xf32, #tpu.memory_space<vmem>>
    %dma_wait3A_193 = tpu.memref_squeeze %dma_wait3A_192 : memref<1x16x1024xf32, #tpu.memory_space<vmem>> -> memref<16x1024xf32, #tpu.memory_space<vmem>>
    tpu.wait_dma2 semaphore(%arg8 : memref<!tpu.dma_semaphore, #tpu.memory_space<semaphore_mem>>) src(%dma_wait3A_193 : memref<16x1024xf32, #tpu.memory_space<vmem>>) dst(%dma_wait3A_189 : memref<16x1024xf32, #tpu.memory_space<hbm>>)
    %dma_wait3A_194 = arith.constant 1 : i32
    %dma_wait3A_195 = arith.constant 0 : i32
    %dma_wait3A_196 = arith.constant 0 : i32
    %dma_wait3A_197 = tpu.memref_slice %arg6[%dma_wait3A_194, %dma_wait3A_195, %dma_wait3A_196] : memref<4x16x1024xf32, #tpu.memory_space<vmem>> -> memref<1x16x1024xf32, #tpu.memory_space<vmem>>
    %dma_wait3A_198 = tpu.memref_squeeze %dma_wait3A_197 : memref<1x16x1024xf32, #tpu.memory_space<vmem>> -> memref<16x1024xf32, #tpu.memory_space<vmem>>
    %dma_wait3A_199 = arith.constant 0 : i32
    %dma_wait3A_200 = tpu.memref_slice %arg4[%add3A_107, %dma_wait3A_199] : memref<2048x1024xf32, #tpu.memory_space<hbm>> -> memref<16x1024xf32, #tpu.memory_space<hbm>>
    %dma_wait3A_201 = arith.constant 0 : i32
    %dma_wait3A_202 = tpu.memref_slice %arg4[%add3A_107, %dma_wait3A_201] : memref<2048x1024xf32, #tpu.memory_space<hbm>> -> memref<16x1024xf32, #tpu.memory_space<hbm>>
    %dma_wait3A_203 = arith.constant 0 : i32
    %dma_wait3A_204 = arith.constant 0 : i32
    %dma_wait3A_205 = tpu.memref_slice %arg6[%dma_wait3A_194, %dma_wait3A_203, %dma_wait3A_204] : memref<4x16x1024xf32, #tpu.memory_space<vmem>> -> memref<1x16x1024xf32, #tpu.memory_space<vmem>>
    %dma_wait3A_206 = tpu.memref_squeeze %dma_wait3A_205 : memref<1x16x1024xf32, #tpu.memory_space<vmem>> -> memref<16x1024xf32, #tpu.memory_space<vmem>>
    tpu.wait_dma2 semaphore(%arg8 : memref<!tpu.dma_semaphore, #tpu.memory_space<semaphore_mem>>) src(%dma_wait3A_206 : memref<16x1024xf32, #tpu.memory_space<vmem>>) dst(%dma_wait3A_202 : memref<16x1024xf32, #tpu.memory_space<hbm>>)
    %dma_wait3A_207 = arith.constant 2 : i32
    %dma_wait3A_208 = arith.constant 0 : i32
    %dma_wait3A_209 = arith.constant 0 : i32
    %dma_wait3A_210 = tpu.memref_slice %arg6[%dma_wait3A_207, %dma_wait3A_208, %dma_wait3A_209] : memref<4x16x1024xf32, #tpu.memory_space<vmem>> -> memref<1x16x1024xf32, #tpu.memory_space<vmem>>
    %dma_wait3A_211 = tpu.memref_squeeze %dma_wait3A_210 : memref<1x16x1024xf32, #tpu.memory_space<vmem>> -> memref<16x1024xf32, #tpu.memory_space<vmem>>
    %dma_wait3A_212 = arith.constant 0 : i32
    %dma_wait3A_213 = tpu.memref_slice %arg4[%add3A_137, %dma_wait3A_212] : memref<2048x1024xf32, #tpu.memory_space<hbm>> -> memref<16x1024xf32, #tpu.memory_space<hbm>>
    %dma_wait3A_214 = arith.constant 0 : i32
    %dma_wait3A_215 = tpu.memref_slice %arg4[%add3A_137, %dma_wait3A_214] : memref<2048x1024xf32, #tpu.memory_space<hbm>> -> memref<16x1024xf32, #tpu.memory_space<hbm>>
    %dma_wait3A_216 = arith.constant 0 : i32
    %dma_wait3A_217 = arith.constant 0 : i32
    %dma_wait3A_218 = tpu.memref_slice %arg6[%dma_wait3A_207, %dma_wait3A_216, %dma_wait3A_217] : memref<4x16x1024xf32, #tpu.memory_space<vmem>> -> memref<1x16x1024xf32, #tpu.memory_space<vmem>>
    %dma_wait3A_219 = tpu.memref_squeeze %dma_wait3A_218 : memref<1x16x1024xf32, #tpu.memory_space<vmem>> -> memref<16x1024xf32, #tpu.memory_space<vmem>>
    tpu.wait_dma2 semaphore(%arg8 : memref<!tpu.dma_semaphore, #tpu.memory_space<semaphore_mem>>) src(%dma_wait3A_219 : memref<16x1024xf32, #tpu.memory_space<vmem>>) dst(%dma_wait3A_215 : memref<16x1024xf32, #tpu.memory_space<hbm>>)
    %dma_wait3A_220 = arith.constant 3 : i32
    %dma_wait3A_221 = arith.constant 0 : i32
    %dma_wait3A_222 = arith.constant 0 : i32
    %dma_wait3A_223 = tpu.memref_slice %arg6[%dma_wait3A_220, %dma_wait3A_221, %dma_wait3A_222] : memref<4x16x1024xf32, #tpu.memory_space<vmem>> -> memref<1x16x1024xf32, #tpu.memory_space<vmem>>
    %dma_wait3A_224 = tpu.memref_squeeze %dma_wait3A_223 : memref<1x16x1024xf32, #tpu.memory_space<vmem>> -> memref<16x1024xf32, #tpu.memory_space<vmem>>
    %dma_wait3A_225 = arith.constant 0 : i32
    %dma_wait3A_226 = tpu.memref_slice %arg4[%add3A_167, %dma_wait3A_225] : memref<2048x1024xf32, #tpu.memory_space<hbm>> -> memref<16x1024xf32, #tpu.memory_space<hbm>>
    %dma_wait3A_227 = arith.constant 0 : i32
    %dma_wait3A_228 = tpu.memref_slice %arg4[%add3A_167, %dma_wait3A_227] : memref<2048x1024xf32, #tpu.memory_space<hbm>> -> memref<16x1024xf32, #tpu.memory_space<hbm>>
    %dma_wait3A_229 = arith.constant 0 : i32
    %dma_wait3A_230 = arith.constant 0 : i32
    %dma_wait3A_231 = tpu.memref_slice %arg6[%dma_wait3A_220, %dma_wait3A_229, %dma_wait3A_230] : memref<4x16x1024xf32, #tpu.memory_space<vmem>> -> memref<1x16x1024xf32, #tpu.memory_space<vmem>>
    %dma_wait3A_232 = tpu.memref_squeeze %dma_wait3A_231 : memref<1x16x1024xf32, #tpu.memory_space<vmem>> -> memref<16x1024xf32, #tpu.memory_space<vmem>>
    tpu.wait_dma2 semaphore(%arg8 : memref<!tpu.dma_semaphore, #tpu.memory_space<semaphore_mem>>) src(%dma_wait3A_232 : memref<16x1024xf32, #tpu.memory_space<vmem>>) dst(%dma_wait3A_228 : memref<16x1024xf32, #tpu.memory_space<hbm>>)
    return
  }
}

#map = affine_map<(d0, d1) -> (0, 0, 0)>
#map1 = affine_map<(d0, d1) -> (0)>
#map2 = affine_map<(d0, d1) -> (0, 0)>
module attributes {stable_mosaic.version = 14 : i64} {
  func.func @k(%arg0: i32, %arg1: i32, %arg2: memref<2x1024x1024xf32, #tpu.memory_space<hbm>>, %arg3: memref<2048xi32, #tpu.memory_space<hbm>>, %arg4: memref<2048x1024xf32, #tpu.memory_space<hbm>>, %arg5: memref<64xi32, #tpu.memory_space<vmem>>, %arg6: memref<4x16x1024xf32, #tpu.memory_space<vmem>>, %arg7: memref<!tpu.dma_semaphore, #tpu.memory_space<semaphore_mem>>, %arg8: memref<!tpu.dma_semaphore, #tpu.memory_space<semaphore_mem>>) attributes {dimension_semantics = [#tpu.dimension_semantics<core_parallel>, #tpu.dimension_semantics<subcore_parallel>], iteration_bounds = array<i64: 2, 16>, scalar_prefetch = 0 : i64, scratch_operands = 4 : i64, tpu.core_type = #tpu.core_type<sc_vector_subcore>, window_params = [{transform_indices = #map}, {transform_indices = #map1}, {transform_indices = #map2}]} {
    %mul3A = arith.constant 2 : i32
    %mul3A_0 = arith.muli %arg1, %mul3A : i32
    %add3A = arith.addi %mul3A_0, %arg0 : i32
    %mul3A_1 = arith.constant 64 : i32
    %mul3A_2 = arith.muli %add3A, %mul3A_1 : i32
    "tpu.region"() ({
      %run_scoped3A = tpu.sem_alloc : memref<!tpu.dma_semaphore, #tpu.memory_space<semaphore_mem>>
      %dma_start3A_233 = tpu.memref_slice %arg3[%mul3A_2] : memref<2048xi32, #tpu.memory_space<hbm>> -> memref<64xi32, #tpu.memory_space<hbm>>
      %dma_start3A_234 = tpu.memref_slice %arg3[%mul3A_2] : memref<2048xi32, #tpu.memory_space<hbm>> -> memref<64xi32, #tpu.memory_space<hbm>>
      tpu.enqueue_dma source(%dma_start3A_234 : memref<64xi32, #tpu.memory_space<hbm>>) target(%arg5 : memref<64xi32, #tpu.memory_space<vmem>>) target_semaphore(%run_scoped3A : memref<!tpu.dma_semaphore, #tpu.memory_space<semaphore_mem>>)
      %dma_wait3A_235 = tpu.memref_slice %arg3[%mul3A_2] : memref<2048xi32, #tpu.memory_space<hbm>> -> memref<64xi32, #tpu.memory_space<hbm>>
      %dma_wait3A_236 = tpu.memref_slice %arg3[%mul3A_2] : memref<2048xi32, #tpu.memory_space<hbm>> -> memref<64xi32, #tpu.memory_space<hbm>>
      tpu.wait_dma2 semaphore(%run_scoped3A : memref<!tpu.dma_semaphore, #tpu.memory_space<semaphore_mem>>) src(%dma_wait3A_236 : memref<64xi32, #tpu.memory_space<hbm>>) dst(%arg5 : memref<64xi32, #tpu.memory_space<vmem>>)
      tpu.yield
    }) : () -> ()
    %dma_start3A = arith.constant 1 : i32
    %dma_start3A_3 = arith.constant 0 : i32
    %dma_start3A_4 = arith.constant 0 : i32
    %dma_start3A_5 = arith.constant 0 : i32
    %dma_start3A_6 = tpu.memref_slice %arg6[%dma_start3A_3, %dma_start3A_4, %dma_start3A_5] : memref<4x16x1024xf32, #tpu.memory_space<vmem>> -> memref<1x16x1024xf32, #tpu.memory_space<vmem>>
    %dma_start3A_7 = tpu.memref_squeeze %dma_start3A_6 : memref<1x16x1024xf32, #tpu.memory_space<vmem>> -> memref<16x1024xf32, #tpu.memory_space<vmem>>
    %dma_start3A_8 = arith.constant 0 : i32
    %dma_start3A_9 = tpu.memref_slice %arg5[%dma_start3A_8] : memref<64xi32, #tpu.memory_space<vmem>> -> memref<16xi32, #tpu.memory_space<vmem>>
    %dma_start3A_10 = arith.constant 0 : i32
    %dma_start3A_11 = arith.constant 0 : i32
    %dma_start3A_12 = tpu.memref_slice %arg2[%dma_start3A, %dma_start3A_10, %dma_start3A_11] : memref<2x1024x1024xf32, #tpu.memory_space<hbm>> -> memref<1x1024x1024xf32, #tpu.memory_space<hbm>>
    %dma_start3A_13 = tpu.memref_squeeze %dma_start3A_12 : memref<1x1024x1024xf32, #tpu.memory_space<hbm>> -> memref<1024x1024xf32, #tpu.memory_space<hbm>>
    %dma_start3A_14 = arith.constant 0 : i32
    %dma_start3A_15 = arith.constant 0 : i32
    %dma_start3A_16 = tpu.memref_slice %dma_start3A_13[%dma_start3A_14, %dma_start3A_15] : memref<1024x1024xf32, #tpu.memory_space<hbm>> -> memref<1024x1024xf32, #tpu.memory_space<hbm>>
    tpu.enqueue_indirect_dma source(%dma_start3A_16 : memref<1024x1024xf32, #tpu.memory_space<hbm>>) target(%dma_start3A_7 : memref<16x1024xf32, #tpu.memory_space<vmem>>) offsets(%dma_start3A_9 : memref<16xi32, #tpu.memory_space<vmem>>) semaphore(%arg7 : memref<!tpu.dma_semaphore, #tpu.memory_space<semaphore_mem>>)
    %dma_start3A_17 = arith.constant 1 : i32
    %dma_start3A_18 = arith.constant 1 : i32
    %dma_start3A_19 = arith.constant 0 : i32
    %dma_start3A_20 = arith.constant 0 : i32
    %dma_start3A_21 = tpu.memref_slice %arg6[%dma_start3A_18, %dma_start3A_19, %dma_start3A_20] : memref<4x16x1024xf32, #tpu.memory_space<vmem>> -> memref<1x16x1024xf32, #tpu.memory_space<vmem>>
    %dma_start3A_22 = tpu.memref_squeeze %dma_start3A_21 : memref<1x16x1024xf32, #tpu.memory_space<vmem>> -> memref<16x1024xf32, #tpu.memory_space<vmem>>
    %dma_start3A_23 = arith.constant 16 : i32
    %dma_start3A_24 = tpu.memref_slice %arg5[%dma_start3A_23] : memref<64xi32, #tpu.memory_space<vmem>> -> memref<16xi32, #tpu.memory_space<vmem>>
    %dma_start3A_25 = arith.constant 0 : i32
    %dma_start3A_26 = arith.constant 0 : i32
    %dma_start3A_27 = tpu.memref_slice %arg2[%dma_start3A_17, %dma_start3A_25, %dma_start3A_26] : memref<2x1024x1024xf32, #tpu.memory_space<hbm>> -> memref<1x1024x1024xf32, #tpu.memory_space<hbm>>
    %dma_start3A_28 = tpu.memref_squeeze %dma_start3A_27 : memref<1x1024x1024xf32, #tpu.memory_space<hbm>> -> memref<1024x1024xf32, #tpu.memory_space<hbm>>
    %dma_start3A_29 = arith.constant 0 : i32
    %dma_start3A_30 = arith.constant 0 : i32
    %dma_start3A_31 = tpu.memref_slice %dma_start3A_28[%dma_start3A_29, %dma_start3A_30] : memref<1024x1024xf32, #tpu.memory_space<hbm>> -> memref<1024x1024xf32, #tpu.memory_space<hbm>>
    tpu.enqueue_indirect_dma source(%dma_start3A_31 : memref<1024x1024xf32, #tpu.memory_space<hbm>>) target(%dma_start3A_22 : memref<16x1024xf32, #tpu.memory_space<vmem>>) offsets(%dma_start3A_24 : memref<16xi32, #tpu.memory_space<vmem>>) semaphore(%arg7 : memref<!tpu.dma_semaphore, #tpu.memory_space<semaphore_mem>>)
    %dma_start3A_32 = arith.constant 1 : i32
    %dma_start3A_33 = arith.constant 2 : i32
    %dma_start3A_34 = arith.constant 0 : i32
    %dma_start3A_35 = arith.constant 0 : i32
    %dma_start3A_36 = tpu.memref_slice %arg6[%dma_start3A_33, %dma_start3A_34, %dma_start3A_35] : memref<4x16x1024xf32, #tpu.memory_space<vmem>> -> memref<1x16x1024xf32, #tpu.memory_space<vmem>>
    %dma_start3A_37 = tpu.memref_squeeze %dma_start3A_36 : memref<1x16x1024xf32, #tpu.memory_space<vmem>> -> memref<16x1024xf32, #tpu.memory_space<vmem>>
    %dma_start3A_38 = arith.constant 32 : i32
    %dma_start3A_39 = tpu.memref_slice %arg5[%dma_start3A_38] : memref<64xi32, #tpu.memory_space<vmem>> -> memref<16xi32, #tpu.memory_space<vmem>>
    %dma_start3A_40 = arith.constant 0 : i32
    %dma_start3A_41 = arith.constant 0 : i32
    %dma_start3A_42 = tpu.memref_slice %arg2[%dma_start3A_32, %dma_start3A_40, %dma_start3A_41] : memref<2x1024x1024xf32, #tpu.memory_space<hbm>> -> memref<1x1024x1024xf32, #tpu.memory_space<hbm>>
    %dma_start3A_43 = tpu.memref_squeeze %dma_start3A_42 : memref<1x1024x1024xf32, #tpu.memory_space<hbm>> -> memref<1024x1024xf32, #tpu.memory_space<hbm>>
    %dma_start3A_44 = arith.constant 0 : i32
    %dma_start3A_45 = arith.constant 0 : i32
    %dma_start3A_46 = tpu.memref_slice %dma_start3A_43[%dma_start3A_44, %dma_start3A_45] : memref<1024x1024xf32, #tpu.memory_space<hbm>> -> memref<1024x1024xf32, #tpu.memory_space<hbm>>
    tpu.enqueue_indirect_dma source(%dma_start3A_46 : memref<1024x1024xf32, #tpu.memory_space<hbm>>) target(%dma_start3A_37 : memref<16x1024xf32, #tpu.memory_space<vmem>>) offsets(%dma_start3A_39 : memref<16xi32, #tpu.memory_space<vmem>>) semaphore(%arg7 : memref<!tpu.dma_semaphore, #tpu.memory_space<semaphore_mem>>)
    %dma_start3A_47 = arith.constant 1 : i32
    %dma_start3A_48 = arith.constant 3 : i32
    %dma_start3A_49 = arith.constant 0 : i32
    %dma_start3A_50 = arith.constant 0 : i32
    %dma_start3A_51 = tpu.memref_slice %arg6[%dma_start3A_48, %dma_start3A_49, %dma_start3A_50] : memref<4x16x1024xf32, #tpu.memory_space<vmem>> -> memref<1x16x1024xf32, #tpu.memory_space<vmem>>
    %dma_start3A_52 = tpu.memref_squeeze %dma_start3A_51 : memref<1x16x1024xf32, #tpu.memory_space<vmem>> -> memref<16x1024xf32, #tpu.memory_space<vmem>>
    %dma_start3A_53 = arith.constant 48 : i32
    %dma_start3A_54 = tpu.memref_slice %arg5[%dma_start3A_53] : memref<64xi32, #tpu.memory_space<vmem>> -> memref<16xi32, #tpu.memory_space<vmem>>
    %dma_start3A_55 = arith.constant 0 : i32
    %dma_start3A_56 = arith.constant 0 : i32
    %dma_start3A_57 = tpu.memref_slice %arg2[%dma_start3A_47, %dma_start3A_55, %dma_start3A_56] : memref<2x1024x1024xf32, #tpu.memory_space<hbm>> -> memref<1x1024x1024xf32, #tpu.memory_space<hbm>>
    %dma_start3A_58 = tpu.memref_squeeze %dma_start3A_57 : memref<1x1024x1024xf32, #tpu.memory_space<hbm>> -> memref<1024x1024xf32, #tpu.memory_space<hbm>>
    %dma_start3A_59 = arith.constant 0 : i32
    %dma_start3A_60 = arith.constant 0 : i32
    %dma_start3A_61 = tpu.memref_slice %dma_start3A_58[%dma_start3A_59, %dma_start3A_60] : memref<1024x1024xf32, #tpu.memory_space<hbm>> -> memref<1024x1024xf32, #tpu.memory_space<hbm>>
    tpu.enqueue_indirect_dma source(%dma_start3A_61 : memref<1024x1024xf32, #tpu.memory_space<hbm>>) target(%dma_start3A_52 : memref<16x1024xf32, #tpu.memory_space<vmem>>) offsets(%dma_start3A_54 : memref<16xi32, #tpu.memory_space<vmem>>) semaphore(%arg7 : memref<!tpu.dma_semaphore, #tpu.memory_space<semaphore_mem>>)
    %dma_wait3A = arith.constant 1 : i32
    %dma_wait3A_62 = arith.constant 0 : i32
    %dma_wait3A_63 = arith.constant 0 : i32
    %dma_wait3A_64 = arith.constant 0 : i32
    %dma_wait3A_65 = tpu.memref_slice %arg6[%dma_wait3A_62, %dma_wait3A_63, %dma_wait3A_64] : memref<4x16x1024xf32, #tpu.memory_space<vmem>> -> memref<1x16x1024xf32, #tpu.memory_space<vmem>>
    %dma_wait3A_66 = tpu.memref_squeeze %dma_wait3A_65 : memref<1x16x1024xf32, #tpu.memory_space<vmem>> -> memref<16x1024xf32, #tpu.memory_space<vmem>>
    %dma_wait3A_67 = arith.constant 0 : i32
    %dma_wait3A_68 = tpu.memref_slice %arg5[%dma_wait3A_67] : memref<64xi32, #tpu.memory_space<vmem>> -> memref<16xi32, #tpu.memory_space<vmem>>
    %dma_wait3A_69 = arith.constant 0 : i32
    %dma_wait3A_70 = arith.constant 0 : i32
    %dma_wait3A_71 = tpu.memref_slice %arg2[%dma_wait3A, %dma_wait3A_69, %dma_wait3A_70] : memref<2x1024x1024xf32, #tpu.memory_space<hbm>> -> memref<1x1024x1024xf32, #tpu.memory_space<hbm>>
    %dma_wait3A_72 = tpu.memref_squeeze %dma_wait3A_71 : memref<1x1024x1024xf32, #tpu.memory_space<hbm>> -> memref<1024x1024xf32, #tpu.memory_space<hbm>>
    %dma_wait3A_73 = arith.constant 0 : i32
    %dma_wait3A_74 = arith.constant 0 : i32
    %dma_wait3A_75 = tpu.memref_slice %dma_wait3A_72[%dma_wait3A_73, %dma_wait3A_74] : memref<1024x1024xf32, #tpu.memory_space<hbm>> -> memref<1024x1024xf32, #tpu.memory_space<hbm>>
    tpu.wait_indirect_dma semaphore(%arg7 : memref<!tpu.dma_semaphore, #tpu.memory_space<semaphore_mem>>) src(%dma_wait3A_75 : memref<1024x1024xf32, #tpu.memory_space<hbm>>) dst(%dma_wait3A_66 : memref<16x1024xf32, #tpu.memory_space<vmem>>)
    %add3A_76 = arith.constant 0 : i32
    %add3A_77 = arith.addi %mul3A_2, %add3A_76 : i32
    %dma_start3A_78 = arith.constant 0 : i32
    %dma_start3A_79 = arith.constant 0 : i32
    %dma_start3A_80 = arith.constant 0 : i32
    %dma_start3A_81 = tpu.memref_slice %arg6[%dma_start3A_78, %dma_start3A_79, %dma_start3A_80] : memref<4x16x1024xf32, #tpu.memory_space<vmem>> -> memref<1x16x1024xf32, #tpu.memory_space<vmem>>
    %dma_start3A_82 = tpu.memref_squeeze %dma_start3A_81 : memref<1x16x1024xf32, #tpu.memory_space<vmem>> -> memref<16x1024xf32, #tpu.memory_space<vmem>>
    %dma_start3A_83 = arith.constant 0 : i32
    %dma_start3A_84 = tpu.memref_slice %arg4[%add3A_77, %dma_start3A_83] : memref<2048x1024xf32, #tpu.memory_space<hbm>> -> memref<16x1024xf32, #tpu.memory_space<hbm>>
    %dma_start3A_85 = arith.constant 0 : i32
    %dma_start3A_86 = tpu.memref_slice %arg4[%add3A_77, %dma_start3A_85] : memref<2048x1024xf32, #tpu.memory_space<hbm>> -> memref<16x1024xf32, #tpu.memory_space<hbm>>
    %dma_start3A_87 = arith.constant 0 : i32
    %dma_start3A_88 = arith.constant 0 : i32
    %dma_start3A_89 = tpu.memref_slice %arg6[%dma_start3A_78, %dma_start3A_87, %dma_start3A_88] : memref<4x16x1024xf32, #tpu.memory_space<vmem>> -> memref<1x16x1024xf32, #tpu.memory_space<vmem>>
    %dma_start3A_90 = tpu.memref_squeeze %dma_start3A_89 : memref<1x16x1024xf32, #tpu.memory_space<vmem>> -> memref<16x1024xf32, #tpu.memory_space<vmem>>
    tpu.enqueue_dma source(%dma_start3A_90 : memref<16x1024xf32, #tpu.memory_space<vmem>>) target(%dma_start3A_86 : memref<16x1024xf32, #tpu.memory_space<hbm>>) target_semaphore(%arg8 : memref<!tpu.dma_semaphore, #tpu.memory_space<semaphore_mem>>)
    %dma_wait3A_91 = arith.constant 1 : i32
    %dma_wait3A_92 = arith.constant 1 : i32
    %dma_wait3A_93 = arith.constant 0 : i32
    %dma_wait3A_94 = arith.constant 0 : i32
    %dma_wait3A_95 = tpu.memref_slice %arg6[%dma_wait3A_92, %dma_wait3A_93, %dma_wait3A_94] : memref<4x16x1024xf32, #tpu.memory_space<vmem>> -> memref<1x16x1024xf32, #tpu.memory_space<vmem>>
    %dma_wait3A_96 = tpu.memref_squeeze %dma_wait3A_95 : memref<1x16x1024xf32, #tpu.memory_space<vmem>> -> memref<16x1024xf32, #tpu.memory_space<vmem>>
    %dma_wait3A_97 = arith.constant 16 : i32
    %dma_wait3A_98 = tpu.memref_slice %arg5[%dma_wait3A_97] : memref<64xi32, #tpu.memory_space<vmem>> -> memref<16xi32, #tpu.memory_space<vmem>>
    %dma_wait3A_99 = arith.constant 0 : i32
    %dma_wait3A_100 = arith.constant 0 : i32
    %dma_wait3A_101 = tpu.memref_slice %arg2[%dma_wait3A_91, %dma_wait3A_99, %dma_wait3A_100] : memref<2x1024x1024xf32, #tpu.memory_space<hbm>> -> memref<1x1024x1024xf32, #tpu.memory_space<hbm>>
    %dma_wait3A_102 = tpu.memref_squeeze %dma_wait3A_101 : memref<1x1024x1024xf32, #tpu.memory_space<hbm>> -> memref<1024x1024xf32, #tpu.memory_space<hbm>>
    %dma_wait3A_103 = arith.constant 0 : i32
    %dma_wait3A_104 = arith.constant 0 : i32
    %dma_wait3A_105 = tpu.memref_slice %dma_wait3A_102[%dma_wait3A_103, %dma_wait3A_104] : memref<1024x1024xf32, #tpu.memory_space<hbm>> -> memref<1024x1024xf32, #tpu.memory_space<hbm>>
    tpu.wait_indirect_dma semaphore(%arg7 : memref<!tpu.dma_semaphore, #tpu.memory_space<semaphore_mem>>) src(%dma_wait3A_105 : memref<1024x1024xf32, #tpu.memory_space<hbm>>) dst(%dma_wait3A_96 : memref<16x1024xf32, #tpu.memory_space<vmem>>)
    %add3A_106 = arith.constant 16 : i32
    %add3A_107 = arith.addi %mul3A_2, %add3A_106 : i32
    %dma_start3A_108 = arith.constant 1 : i32
    %dma_start3A_109 = arith.constant 0 : i32
    %dma_start3A_110 = arith.constant 0 : i32
    %dma_start3A_111 = tpu.memref_slice %arg6[%dma_start3A_108, %dma_start3A_109, %dma_start3A_110] : memref<4x16x1024xf32, #tpu.memory_space<vmem>> -> memref<1x16x1024xf32, #tpu.memory_space<vmem>>
    %dma_start3A_112 = tpu.memref_squeeze %dma_start3A_111 : memref<1x16x1024xf32, #tpu.memory_space<vmem>> -> memref<16x1024xf32, #tpu.memory_space<vmem>>
    %dma_start3A_113 = arith.constant 0 : i32
    %dma_start3A_114 = tpu.memref_slice %arg4[%add3A_107, %dma_start3A_113] : memref<2048x1024xf32, #tpu.memory_space<hbm>> -> memref<16x1024xf32, #tpu.memory_space<hbm>>
    %dma_start3A_115 = arith.constant 0 : i32
    %dma_start3A_116 = tpu.memref_slice %arg4[%add3A_107, %dma_start3A_115] : memref<2048x1024xf32, #tpu.memory_space<hbm>> -> memref<16x1024xf32, #tpu.memory_space<hbm>>
    %dma_start3A_117 = arith.constant 0 : i32
    %dma_start3A_118 = arith.constant 0 : i32
    %dma_start3A_119 = tpu.memref_slice %arg6[%dma_start3A_108, %dma_start3A_117, %dma_start3A_118] : memref<4x16x1024xf32, #tpu.memory_space<vmem>> -> memref<1x16x1024xf32, #tpu.memory_space<vmem>>
    %dma_start3A_120 = tpu.memref_squeeze %dma_start3A_119 : memref<1x16x1024xf32, #tpu.memory_space<vmem>> -> memref<16x1024xf32, #tpu.memory_space<vmem>>
    tpu.enqueue_dma source(%dma_start3A_120 : memref<16x1024xf32, #tpu.memory_space<vmem>>) target(%dma_start3A_116 : memref<16x1024xf32, #tpu.memory_space<hbm>>) target_semaphore(%arg8 : memref<!tpu.dma_semaphore, #tpu.memory_space<semaphore_mem>>)
    %dma_wait3A_121 = arith.constant 1 : i32
    %dma_wait3A_122 = arith.constant 2 : i32
    %dma_wait3A_123 = arith.constant 0 : i32
    %dma_wait3A_124 = arith.constant 0 : i32
    %dma_wait3A_125 = tpu.memref_slice %arg6[%dma_wait3A_122, %dma_wait3A_123, %dma_wait3A_124] : memref<4x16x1024xf32, #tpu.memory_space<vmem>> -> memref<1x16x1024xf32, #tpu.memory_space<vmem>>
    %dma_wait3A_126 = tpu.memref_squeeze %dma_wait3A_125 : memref<1x16x1024xf32, #tpu.memory_space<vmem>> -> memref<16x1024xf32, #tpu.memory_space<vmem>>
    %dma_wait3A_127 = arith.constant 32 : i32
    %dma_wait3A_128 = tpu.memref_slice %arg5[%dma_wait3A_127] : memref<64xi32, #tpu.memory_space<vmem>> -> memref<16xi32, #tpu.memory_space<vmem>>
    %dma_wait3A_129 = arith.constant 0 : i32
    %dma_wait3A_130 = arith.constant 0 : i32
    %dma_wait3A_131 = tpu.memref_slice %arg2[%dma_wait3A_121, %dma_wait3A_129, %dma_wait3A_130] : memref<2x1024x1024xf32, #tpu.memory_space<hbm>> -> memref<1x1024x1024xf32, #tpu.memory_space<hbm>>
    %dma_wait3A_132 = tpu.memref_squeeze %dma_wait3A_131 : memref<1x1024x1024xf32, #tpu.memory_space<hbm>> -> memref<1024x1024xf32, #tpu.memory_space<hbm>>
    %dma_wait3A_133 = arith.constant 0 : i32
    %dma_wait3A_134 = arith.constant 0 : i32
    %dma_wait3A_135 = tpu.memref_slice %dma_wait3A_132[%dma_wait3A_133, %dma_wait3A_134] : memref<1024x1024xf32, #tpu.memory_space<hbm>> -> memref<1024x1024xf32, #tpu.memory_space<hbm>>
    tpu.wait_indirect_dma semaphore(%arg7 : memref<!tpu.dma_semaphore, #tpu.memory_space<semaphore_mem>>) src(%dma_wait3A_135 : memref<1024x1024xf32, #tpu.memory_space<hbm>>) dst(%dma_wait3A_126 : memref<16x1024xf32, #tpu.memory_space<vmem>>)
    %add3A_136 = arith.constant 32 : i32
    %add3A_137 = arith.addi %mul3A_2, %add3A_136 : i32
    %dma_start3A_138 = arith.constant 2 : i32
    %dma_start3A_139 = arith.constant 0 : i32
    %dma_start3A_140 = arith.constant 0 : i32
    %dma_start3A_141 = tpu.memref_slice %arg6[%dma_start3A_138, %dma_start3A_139, %dma_start3A_140] : memref<4x16x1024xf32, #tpu.memory_space<vmem>> -> memref<1x16x1024xf32, #tpu.memory_space<vmem>>
    %dma_start3A_142 = tpu.memref_squeeze %dma_start3A_141 : memref<1x16x1024xf32, #tpu.memory_space<vmem>> -> memref<16x1024xf32, #tpu.memory_space<vmem>>
    %dma_start3A_143 = arith.constant 0 : i32
    %dma_start3A_144 = tpu.memref_slice %arg4[%add3A_137, %dma_start3A_143] : memref<2048x1024xf32, #tpu.memory_space<hbm>> -> memref<16x1024xf32, #tpu.memory_space<hbm>>
    %dma_start3A_145 = arith.constant 0 : i32
    %dma_start3A_146 = tpu.memref_slice %arg4[%add3A_137, %dma_start3A_145] : memref<2048x1024xf32, #tpu.memory_space<hbm>> -> memref<16x1024xf32, #tpu.memory_space<hbm>>
    %dma_start3A_147 = arith.constant 0 : i32
    %dma_start3A_148 = arith.constant 0 : i32
    %dma_start3A_149 = tpu.memref_slice %arg6[%dma_start3A_138, %dma_start3A_147, %dma_start3A_148] : memref<4x16x1024xf32, #tpu.memory_space<vmem>> -> memref<1x16x1024xf32, #tpu.memory_space<vmem>>
    %dma_start3A_150 = tpu.memref_squeeze %dma_start3A_149 : memref<1x16x1024xf32, #tpu.memory_space<vmem>> -> memref<16x1024xf32, #tpu.memory_space<vmem>>
    tpu.enqueue_dma source(%dma_start3A_150 : memref<16x1024xf32, #tpu.memory_space<vmem>>) target(%dma_start3A_146 : memref<16x1024xf32, #tpu.memory_space<hbm>>) target_semaphore(%arg8 : memref<!tpu.dma_semaphore, #tpu.memory_space<semaphore_mem>>)
    %dma_wait3A_151 = arith.constant 1 : i32
    %dma_wait3A_152 = arith.constant 3 : i32
    %dma_wait3A_153 = arith.constant 0 : i32
    %dma_wait3A_154 = arith.constant 0 : i32
    %dma_wait3A_155 = tpu.memref_slice %arg6[%dma_wait3A_152, %dma_wait3A_153, %dma_wait3A_154] : memref<4x16x1024xf32, #tpu.memory_space<vmem>> -> memref<1x16x1024xf32, #tpu.memory_space<vmem>>
    %dma_wait3A_156 = tpu.memref_squeeze %dma_wait3A_155 : memref<1x16x1024xf32, #tpu.memory_space<vmem>> -> memref<16x1024xf32, #tpu.memory_space<vmem>>
    %dma_wait3A_157 = arith.constant 48 : i32
    %dma_wait3A_158 = tpu.memref_slice %arg5[%dma_wait3A_157] : memref<64xi32, #tpu.memory_space<vmem>> -> memref<16xi32, #tpu.memory_space<vmem>>
    %dma_wait3A_159 = arith.constant 0 : i32
    %dma_wait3A_160 = arith.constant 0 : i32
    %dma_wait3A_161 = tpu.memref_slice %arg2[%dma_wait3A_151, %dma_wait3A_159, %dma_wait3A_160] : memref<2x1024x1024xf32, #tpu.memory_space<hbm>> -> memref<1x1024x1024xf32, #tpu.memory_space<hbm>>
    %dma_wait3A_162 = tpu.memref_squeeze %dma_wait3A_161 : memref<1x1024x1024xf32, #tpu.memory_space<hbm>> -> memref<1024x1024xf32, #tpu.memory_space<hbm>>
    %dma_wait3A_163 = arith.constant 0 : i32
    %dma_wait3A_164 = arith.constant 0 : i32
    %dma_wait3A_165 = tpu.memref_slice %dma_wait3A_162[%dma_wait3A_163, %dma_wait3A_164] : memref<1024x1024xf32, #tpu.memory_space<hbm>> -> memref<1024x1024xf32, #tpu.memory_space<hbm>>
    tpu.wait_indirect_dma semaphore(%arg7 : memref<!tpu.dma_semaphore, #tpu.memory_space<semaphore_mem>>) src(%dma_wait3A_165 : memref<1024x1024xf32, #tpu.memory_space<hbm>>) dst(%dma_wait3A_156 : memref<16x1024xf32, #tpu.memory_space<vmem>>)
    %add3A_166 = arith.constant 48 : i32
    %add3A_167 = arith.addi %mul3A_2, %add3A_166 : i32
    %dma_start3A_168 = arith.constant 3 : i32
    %dma_start3A_169 = arith.constant 0 : i32
    %dma_start3A_170 = arith.constant 0 : i32
    %dma_start3A_171 = tpu.memref_slice %arg6[%dma_start3A_168, %dma_start3A_169, %dma_start3A_170] : memref<4x16x1024xf32, #tpu.memory_space<vmem>> -> memref<1x16x1024xf32, #tpu.memory_space<vmem>>
    %dma_start3A_172 = tpu.memref_squeeze %dma_start3A_171 : memref<1x16x1024xf32, #tpu.memory_space<vmem>> -> memref<16x1024xf32, #tpu.memory_space<vmem>>
    %dma_start3A_173 = arith.constant 0 : i32
    %dma_start3A_174 = tpu.memref_slice %arg4[%add3A_167, %dma_start3A_173] : memref<2048x1024xf32, #tpu.memory_space<hbm>> -> memref<16x1024xf32, #tpu.memory_space<hbm>>
    %dma_start3A_175 = arith.constant 0 : i32
    %dma_start3A_176 = tpu.memref_slice %arg4[%add3A_167, %dma_start3A_175] : memref<2048x1024xf32, #tpu.memory_space<hbm>> -> memref<16x1024xf32, #tpu.memory_space<hbm>>
    %dma_start3A_177 = arith.constant 0 : i32
    %dma_start3A_178 = arith.constant 0 : i32
    %dma_start3A_179 = tpu.memref_slice %arg6[%dma_start3A_168, %dma_start3A_177, %dma_start3A_178] : memref<4x16x1024xf32, #tpu.memory_space<vmem>> -> memref<1x16x1024xf32, #tpu.memory_space<vmem>>
    %dma_start3A_180 = tpu.memref_squeeze %dma_start3A_179 : memref<1x16x1024xf32, #tpu.memory_space<vmem>> -> memref<16x1024xf32, #tpu.memory_space<vmem>>
    tpu.enqueue_dma source(%dma_start3A_180 : memref<16x1024xf32, #tpu.memory_space<vmem>>) target(%dma_start3A_176 : memref<16x1024xf32, #tpu.memory_space<hbm>>) target_semaphore(%arg8 : memref<!tpu.dma_semaphore, #tpu.memory_space<semaphore_mem>>)
    %dma_wait3A_181 = arith.constant 0 : i32
    %dma_wait3A_182 = arith.constant 0 : i32
    %dma_wait3A_183 = arith.constant 0 : i32
    %dma_wait3A_184 = tpu.memref_slice %arg6[%dma_wait3A_181, %dma_wait3A_182, %dma_wait3A_183] : memref<4x16x1024xf32, #tpu.memory_space<vmem>> -> memref<1x16x1024xf32, #tpu.memory_space<vmem>>
    %dma_wait3A_185 = tpu.memref_squeeze %dma_wait3A_184 : memref<1x16x1024xf32, #tpu.memory_space<vmem>> -> memref<16x1024xf32, #tpu.memory_space<vmem>>
    %dma_wait3A_186 = arith.constant 0 : i32
    %dma_wait3A_187 = tpu.memref_slice %arg4[%add3A_77, %dma_wait3A_186] : memref<2048x1024xf32, #tpu.memory_space<hbm>> -> memref<16x1024xf32, #tpu.memory_space<hbm>>
    %dma_wait3A_188 = arith.constant 0 : i32
    %dma_wait3A_189 = tpu.memref_slice %arg4[%add3A_77, %dma_wait3A_188] : memref<2048x1024xf32, #tpu.memory_space<hbm>> -> memref<16x1024xf32, #tpu.memory_space<hbm>>
    %dma_wait3A_190 = arith.constant 0 : i32
    %dma_wait3A_191 = arith.constant 0 : i32
    %dma_wait3A_192 = tpu.memref_slice %arg6[%dma_wait3A_181, %dma_wait3A_190, %dma_wait3A_191] : memref<4x16x1024xf32, #tpu.memory_space<vmem>> -> memref<1x16x1024xf32, #tpu.memory_space<vmem>>
    %dma_wait3A_193 = tpu.memref_squeeze %dma_wait3A_192 : memref<1x16x1024xf32, #tpu.memory_space<vmem>> -> memref<16x1024xf32, #tpu.memory_space<vmem>>
    tpu.wait_dma2 semaphore(%arg8 : memref<!tpu.dma_semaphore, #tpu.memory_space<semaphore_mem>>) src(%dma_wait3A_193 : memref<16x1024xf32, #tpu.memory_space<vmem>>) dst(%dma_wait3A_189 : memref<16x1024xf32, #tpu.memory_space<hbm>>)
    %dma_wait3A_194 = arith.constant 1 : i32
    %dma_wait3A_195 = arith.constant 0 : i32
    %dma_wait3A_196 = arith.constant 0 : i32
    %dma_wait3A_197 = tpu.memref_slice %arg6[%dma_wait3A_194, %dma_wait3A_195, %dma_wait3A_196] : memref<4x16x1024xf32, #tpu.memory_space<vmem>> -> memref<1x16x1024xf32, #tpu.memory_space<vmem>>
    %dma_wait3A_198 = tpu.memref_squeeze %dma_wait3A_197 : memref<1x16x1024xf32, #tpu.memory_space<vmem>> -> memref<16x1024xf32, #tpu.memory_space<vmem>>
    %dma_wait3A_199 = arith.constant 0 : i32
    %dma_wait3A_200 = tpu.memref_slice %arg4[%add3A_107, %dma_wait3A_199] : memref<2048x1024xf32, #tpu.memory_space<hbm>> -> memref<16x1024xf32, #tpu.memory_space<hbm>>
    %dma_wait3A_201 = arith.constant 0 : i32
    %dma_wait3A_202 = tpu.memref_slice %arg4[%add3A_107, %dma_wait3A_201] : memref<2048x1024xf32, #tpu.memory_space<hbm>> -> memref<16x1024xf32, #tpu.memory_space<hbm>>
    %dma_wait3A_203 = arith.constant 0 : i32
    %dma_wait3A_204 = arith.constant 0 : i32
    %dma_wait3A_205 = tpu.memref_slice %arg6[%dma_wait3A_194, %dma_wait3A_203, %dma_wait3A_204] : memref<4x16x1024xf32, #tpu.memory_space<vmem>> -> memref<1x16x1024xf32, #tpu.memory_space<vmem>>
    %dma_wait3A_206 = tpu.memref_squeeze %dma_wait3A_205 : memref<1x16x1024xf32, #tpu.memory_space<vmem>> -> memref<16x1024xf32, #tpu.memory_space<vmem>>
    tpu.wait_dma2 semaphore(%arg8 : memref<!tpu.dma_semaphore, #tpu.memory_space<semaphore_mem>>) src(%dma_wait3A_206 : memref<16x1024xf32, #tpu.memory_space<vmem>>) dst(%dma_wait3A_202 : memref<16x1024xf32, #tpu.memory_space<hbm>>)
    %dma_wait3A_207 = arith.constant 2 : i32
    %dma_wait3A_208 = arith.constant 0 : i32
    %dma_wait3A_209 = arith.constant 0 : i32
    %dma_wait3A_210 = tpu.memref_slice %arg6[%dma_wait3A_207, %dma_wait3A_208, %dma_wait3A_209] : memref<4x16x1024xf32, #tpu.memory_space<vmem>> -> memref<1x16x1024xf32, #tpu.memory_space<vmem>>
    %dma_wait3A_211 = tpu.memref_squeeze %dma_wait3A_210 : memref<1x16x1024xf32, #tpu.memory_space<vmem>> -> memref<16x1024xf32, #tpu.memory_space<vmem>>
    %dma_wait3A_212 = arith.constant 0 : i32
    %dma_wait3A_213 = tpu.memref_slice %arg4[%add3A_137, %dma_wait3A_212] : memref<2048x1024xf32, #tpu.memory_space<hbm>> -> memref<16x1024xf32, #tpu.memory_space<hbm>>
    %dma_wait3A_214 = arith.constant 0 : i32
    %dma_wait3A_215 = tpu.memref_slice %arg4[%add3A_137, %dma_wait3A_214] : memref<2048x1024xf32, #tpu.memory_space<hbm>> -> memref<16x1024xf32, #tpu.memory_space<hbm>>
    %dma_wait3A_216 = arith.constant 0 : i32
    %dma_wait3A_217 = arith.constant 0 : i32
    %dma_wait3A_218 = tpu.memref_slice %arg6[%dma_wait3A_207, %dma_wait3A_216, %dma_wait3A_217] : memref<4x16x1024xf32, #tpu.memory_space<vmem>> -> memref<1x16x1024xf32, #tpu.memory_space<vmem>>
    %dma_wait3A_219 = tpu.memref_squeeze %dma_wait3A_218 : memref<1x16x1024xf32, #tpu.memory_space<vmem>> -> memref<16x1024xf32, #tpu.memory_space<vmem>>
    tpu.wait_dma2 semaphore(%arg8 : memref<!tpu.dma_semaphore, #tpu.memory_space<semaphore_mem>>) src(%dma_wait3A_219 : memref<16x1024xf32, #tpu.memory_space<vmem>>) dst(%dma_wait3A_215 : memref<16x1024xf32, #tpu.memory_space<hbm>>)
    %dma_wait3A_220 = arith.constant 3 : i32
    %dma_wait3A_221 = arith.constant 0 : i32
    %dma_wait3A_222 = arith.constant 0 : i32
    %dma_wait3A_223 = tpu.memref_slice %arg6[%dma_wait3A_220, %dma_wait3A_221, %dma_wait3A_222] : memref<4x16x1024xf32, #tpu.memory_space<vmem>> -> memref<1x16x1024xf32, #tpu.memory_space<vmem>>
    %dma_wait3A_224 = tpu.memref_squeeze %dma_wait3A_223 : memref<1x16x1024xf32, #tpu.memory_space<vmem>> -> memref<16x1024xf32, #tpu.memory_space<vmem>>
    %dma_wait3A_225 = arith.constant 0 : i32
    %dma_wait3A_226 = tpu.memref_slice %arg4[%add3A_167, %dma_wait3A_225] : memref<2048x1024xf32, #tpu.memory_space<hbm>> -> memref<16x1024xf32, #tpu.memory_space<hbm>>
    %dma_wait3A_227 = arith.constant 0 : i32
    %dma_wait3A_228 = tpu.memref_slice %arg4[%add3A_167, %dma_wait3A_227] : memref<2048x1024xf32, #tpu.memory_space<hbm>> -> memref<16x1024xf32, #tpu.memory_space<hbm>>
    %dma_wait3A_229 = arith.constant 0 : i32
    %dma_wait3A_230 = arith.constant 0 : i32
    %dma_wait3A_231 = tpu.memref_slice %arg6[%dma_wait3A_220, %dma_wait3A_229, %dma_wait3A_230] : memref<4x16x1024xf32, #tpu.memory_space<vmem>> -> memref<1x16x1024xf32, #tpu.memory_space<vmem>>
    %dma_wait3A_232 = tpu.memref_squeeze %dma_wait3A_231 : memref<1x16x1024xf32, #tpu.memory_space<vmem>> -> memref<16x1024xf32, #tpu.memory_space<vmem>>
    tpu.wait_dma2 semaphore(%arg8 : memref<!tpu.dma_semaphore, #tpu.memory_space<semaphore_mem>>) src(%dma_wait3A_232 : memref<16x1024xf32, #tpu.memory_space<vmem>>) dst(%dma_wait3A_228 : memref<16x1024xf32, #tpu.memory_space<hbm>>)
    return
  }
}

module attributes {stable_mosaic.version = 14 : i64} {
  func.func @_stage_a_body(%arg0: i32, %arg1: i32, %arg2: memref<1x1024x1024xf32, #tpu.memory_space<vmem>>, %arg3: memref<1x1024x1024xf32, #tpu.memory_space<vmem>>, %arg4: memref<1x1x1024xi32, #tpu.memory_space<vmem>>, %arg5: memref<1024x1xf32, #tpu.memory_space<vmem>>) attributes {dimension_semantics = [#tpu.dimension_semantics<arbitrary>, #tpu.dimension_semantics<arbitrary>], iteration_bounds = array<i64: 2, 1>, scalar_prefetch = 0 : i64, scratch_operands = 1 : i64, tpu.core_type = #tpu.core_type<tc>, window_params = [{transform_indices = @transform_0, window_bounds = array<i64: 1, 1024, 1024>}, {transform_indices = @transform_1, window_bounds = array<i64: 1, 1024, 1024>}, {transform_indices = @transform_2, window_bounds = array<i64: 1, 1, 1024>}]} {
    %get3A = arith.constant 0 : index
    %get3A_0 = arith.constant 0 : index
    %get3A_1 = arith.constant 0 : index
    %get3A_2 = vector.load %arg2[%get3A, %get3A_0, %get3A_1] : memref<1x1024x1024xf32, #tpu.memory_space<vmem>>, vector<1x1024x1024xf32>
    %get3A_3 = vector.shape_cast %get3A_2 : vector<1x1024x1024xf32> to vector<1024x1024xf32>
    %eq3A = arith.constant 0 : i32
    %eq3A_4 = arith.cmpi eq, %arg0, %eq3A : i32
    %eq3A_5 = arith.constant 0 : i32
    %eq3A_6 = arith.cmpi eq, %arg1, %eq3A_5 : i32
    %and3A = arith.andi %eq3A_4, %eq3A_6 : i1
    %convert_element_type3A = arith.extui %and3A : i1 to i32
    %cond3A = arith.constant 0 : i32
    %cond3A_7 = arith.cmpi ne, %convert_element_type3A, %cond3A : i32
    scf.if %cond3A_7 {
      %get3A_34 = arith.constant 0 : index
      %get3A_35 = arith.constant 0 : index
      %get3A_36 = arith.constant 0 : index
      %get3A_37 = vector.load %arg3[%get3A_34, %get3A_35, %get3A_36] : memref<1x1024x1024xf32, #tpu.memory_space<vmem>>, vector<1x1024x1024xf32>
      %get3A_38 = vector.shape_cast %get3A_37 : vector<1x1024x1024xf32> to vector<1024x1024xf32>
      %mul3A_39 = arith.mulf %get3A_38, %get3A_38 : vector<1024x1024xf32>
      %reduce_sum3A_40 = arith.constant dense<0.000000e+00> : vector<1024xf32>
      %reduce_sum3A_41 = vector.multi_reduction <add>, %mul3A_39, %reduce_sum3A_40 [1] : vector<1024x1024xf32> to vector<1024xf32>
      %broadcast_in_dim3A_42 = vector.shape_cast %reduce_sum3A_41 : vector<1024xf32> to vector<1024x1xf32>
      %swap3A_43 = arith.constant 0 : index
      %swap3A_44 = arith.constant 0 : index
      %swap3A_45 = vector.load %arg5[%swap3A_43, %swap3A_44] : memref<1024x1xf32, #tpu.memory_space<vmem>>, vector<1024x1xf32>
      tpu.vector_store %arg5[%swap3A_43, %swap3A_44], %broadcast_in_dim3A_42 {strides = array<i32>} : memref<1024x1xf32, #tpu.memory_space<vmem>>, vector<1024x1xf32>,
    } else {
    }
    %get3A_8 = arith.constant 0 : index
    %get3A_9 = arith.constant 0 : index
    %get3A_10 = arith.constant 0 : index
    %get3A_11 = vector.load %arg3[%get3A_8, %get3A_9, %get3A_10] : memref<1x1024x1024xf32, #tpu.memory_space<vmem>>, vector<1x1024x1024xf32>
    %get3A_12 = vector.shape_cast %get3A_11 : vector<1x1024x1024xf32> to vector<1024x1024xf32>
    %dot_general3A = arith.constant dense<0.000000e+00> : vector<1024x1024xf32>
    %dot_general3A_13 = tpu.matmul %get3A_12, %get3A_3, %dot_general3A {dimension_numbers = #tpu.dot_dimension_numbers<[1], [0], [0], [1], [0, 0, 1, 1], [], []>, transpose_lhs_hint = false} : vector<1024x1024xf32>, vector<1024x1024xf32>, vector<1024x1024xf32> -> vector<1024x1024xf32>
    %mul3A = arith.mulf %get3A_3, %get3A_3 : vector<1024x1024xf32>
    %reduce_sum3A = arith.constant dense<0.000000e+00> : vector<1024xf32>
    %reduce_sum3A_14 = vector.multi_reduction <add>, %mul3A, %reduce_sum3A [0] : vector<1024x1024xf32> to vector<1024xf32>
    %broadcast_in_dim3A = vector.shape_cast %reduce_sum3A_14 : vector<1024xf32> to vector<1x1024xf32>
    %mul3A_15 = arith.constant 2.000000e+00 : f32
    %mul3A_16 = vector.broadcast %mul3A_15 : f32 to vector<1024x1024xf32>
    %mul3A_17 = arith.mulf %mul3A_16, %dot_general3A_13 : vector<1024x1024xf32>
    %sub3A = vector.broadcast %broadcast_in_dim3A : vector<1x1024xf32> to vector<1024x1024xf32>
    %sub3A_18 = arith.subf %sub3A, %mul3A_17 : vector<1024x1024xf32>
    %get3A_19 = arith.constant 0 : index
    %get3A_20 = arith.constant 0 : index
    %get3A_21 = vector.load %arg5[%get3A_19, %get3A_20] : memref<1024x1xf32, #tpu.memory_space<vmem>>, vector<1024x1xf32>
    %add3A = vector.broadcast %get3A_21 : vector<1024x1xf32> to vector<1024x1024xf32>
    %add3A_22 = arith.addf %sub3A_18, %add3A : vector<1024x1024xf32>
    %reduce_min3A = arith.constant dense<0x7F800000> : vector<1024xf32>
    %reduce_min3A_23 = vector.multi_reduction <minimumf>, %add3A_22, %reduce_min3A [0] : vector<1024x1024xf32> to vector<1024xf32>
    %broadcast_in_dim3A_24 = vector.shape_cast %reduce_min3A_23 : vector<1024xf32> to vector<1x1024xf32>
    %iota3A = tpu.iota {dimensions = array<i32: 0>} : vector<1024x1024xi32>
    %eq3A_25 = vector.broadcast %broadcast_in_dim3A_24 : vector<1x1024xf32> to vector<1024x1024xf32>
    %eq3A_26 = arith.cmpf oeq, %add3A_22, %eq3A_25 : vector<1024x1024xf32>
    %jit3A = arith.constant 1024 : i32
    %broadcast_in_dim3A_27 = vector.broadcast %jit3A : i32 to vector<1024x1024xi32>
    %select_n3A = arith.select %eq3A_26, %iota3A, %broadcast_in_dim3A_27 : vector<1024x1024xi1>, vector<1024x1024xi32>
    %reduce_min3A_28 = arith.constant dense<2147483647> : vector<1024xi32>
    %reduce_min3A_29 = vector.multi_reduction <minsi>, %select_n3A, %reduce_min3A_28 [0] : vector<1024x1024xi32> to vector<1024xi32>
    %broadcast_in_dim3A_30 = vector.shape_cast %reduce_min3A_29 : vector<1024xi32> to vector<1x1024xi32>
    %reshape3A = vector.shape_cast %broadcast_in_dim3A_30 : vector<1x1024xi32> to vector<1x1x1024xi32>
    %swap3A = arith.constant 0 : index
    %swap3A_31 = arith.constant 0 : index
    %swap3A_32 = arith.constant 0 : index
    %swap3A_33 = vector.load %arg4[%swap3A, %swap3A_31, %swap3A_32] : memref<1x1x1024xi32, #tpu.memory_space<vmem>>, vector<1x1x1024xi32>
    tpu.vector_store %arg4[%swap3A, %swap3A_31, %swap3A_32], %reshape3A {strides = array<i32>} : memref<1x1x1024xi32, #tpu.memory_space<vmem>>, vector<1x1x1024xi32>,
    return
  }
  func.func @transform_0(%arg0: i32, %arg1: i32) -> (i32, i32, i32) {
    %add3A = arith.constant 0 : i32
    %add3A_0 = arith.addi %arg0, %add3A : i32
    %c0_i32 = arith.constant 0 : i32
    %c0_i32_1 = arith.constant 0 : i32
    return %add3A_0, %c0_i32, %arg1 : i32, i32, i32
  }
  func.func @transform_1(%arg0: i32, %arg1: i32) -> (i32, i32, i32) {
    %c0_i32 = arith.constant 0 : i32
    %c0_i32_0 = arith.constant 0 : i32
    %c0_i32_1 = arith.constant 0 : i32
    %c0_i32_2 = arith.constant 0 : i32
    return %c0_i32, %c0_i32_0, %c0_i32_1 : i32, i32, i32
  }
  func.func @transform_2(%arg0: i32, %arg1: i32) -> (i32, i32, i32) {
    %mul3A = arith.constant 1 : i32
    %mul3A_0 = arith.muli %arg0, %mul3A : i32
    %add3A = arith.addi %mul3A_0, %arg1 : i32
    %c0_i32 = arith.constant 0 : i32
    %c0_i32_1 = arith.constant 0 : i32
    %c0_i32_2 = arith.constant 0 : i32
    return %add3A, %c0_i32, %c0_i32_1 : i32, i32, i32
  }
}

module attributes {stable_mosaic.version = 14 : i64} {
  func.func @_stage_b_body(%arg0: i32, %arg1: i32, %arg2: memref<1x1024x1024xf32, #tpu.memory_space<vmem>>, %arg3: memref<1024x1024xf32, #tpu.memory_space<vmem>>, %arg4: memref<1x1024x1024xf32, #tpu.memory_space<vmem>>, %arg5: memref<1x1x1024xi32, #tpu.memory_space<vmem>>, %arg6: memref<1024x1xf32, #tpu.memory_space<vmem>>) attributes {dimension_semantics = [#tpu.dimension_semantics<arbitrary>, #tpu.dimension_semantics<arbitrary>], iteration_bounds = array<i64: 2, 1>, scalar_prefetch = 0 : i64, scratch_operands = 1 : i64, tpu.core_type = #tpu.core_type<tc>, window_params = [{transform_indices = @transform_0, window_bounds = array<i64: 1, 1024, 1024>}, {transform_indices = @transform_1, window_bounds = array<i64: 1024, 1024>}, {transform_indices = @transform_2, window_bounds = array<i64: 1, 1024, 1024>}, {transform_indices = @transform_3, window_bounds = array<i64: 1, 1, 1024>}]} {
    %get3A = arith.constant 0 : index
    %get3A_0 = arith.constant 0 : index
    %get3A_1 = arith.constant 0 : index
    %get3A_2 = vector.load %arg2[%get3A, %get3A_0, %get3A_1] : memref<1x1024x1024xf32, #tpu.memory_space<vmem>>, vector<1x1024x1024xf32>
    %get3A_3 = vector.shape_cast %get3A_2 : vector<1x1024x1024xf32> to vector<1024x1024xf32>
    %get3A_4 = arith.constant 0 : index
    %get3A_5 = arith.constant 0 : index
    %get3A_6 = vector.load %arg3[%get3A_4, %get3A_5] : memref<1024x1024xf32, #tpu.memory_space<vmem>>, vector<1024x1024xf32>
    %transpose3A = tpu.transpose %get3A_6, [1, 0] : vector<1024x1024xf32> -> vector<1024x1024xf32>
    %sub3A = arith.subf %get3A_3, %transpose3A : vector<1024x1024xf32>
    %eq3A = arith.constant 0 : i32
    %eq3A_7 = arith.cmpi eq, %arg0, %eq3A : i32
    %eq3A_8 = arith.constant 0 : i32
    %eq3A_9 = arith.cmpi eq, %arg1, %eq3A_8 : i32
    %and3A = arith.andi %eq3A_7, %eq3A_9 : i1
    %convert_element_type3A = arith.extui %and3A : i1 to i32
    %cond3A = arith.constant 0 : i32
    %cond3A_10 = arith.cmpi ne, %convert_element_type3A, %cond3A : i32
    scf.if %cond3A_10 {
      %get3A_38 = arith.constant 0 : index
      %get3A_39 = arith.constant 0 : index
      %get3A_40 = arith.constant 0 : index
      %get3A_41 = vector.load %arg4[%get3A_38, %get3A_39, %get3A_40] : memref<1x1024x1024xf32, #tpu.memory_space<vmem>>, vector<1x1024x1024xf32>
      %get3A_42 = vector.shape_cast %get3A_41 : vector<1x1024x1024xf32> to vector<1024x1024xf32>
      %mul3A_43 = arith.mulf %get3A_42, %get3A_42 : vector<1024x1024xf32>
      %reduce_sum3A_44 = arith.constant dense<0.000000e+00> : vector<1024xf32>
      %reduce_sum3A_45 = vector.multi_reduction <add>, %mul3A_43, %reduce_sum3A_44 [1] : vector<1024x1024xf32> to vector<1024xf32>
      %broadcast_in_dim3A_46 = vector.shape_cast %reduce_sum3A_45 : vector<1024xf32> to vector<1024x1xf32>
      %swap3A_47 = arith.constant 0 : index
      %swap3A_48 = arith.constant 0 : index
      %swap3A_49 = vector.load %arg6[%swap3A_47, %swap3A_48] : memref<1024x1xf32, #tpu.memory_space<vmem>>, vector<1024x1xf32>
      tpu.vector_store %arg6[%swap3A_47, %swap3A_48], %broadcast_in_dim3A_46 {strides = array<i32>} : memref<1024x1xf32, #tpu.memory_space<vmem>>, vector<1024x1xf32>,
    } else {
    }
    %get3A_11 = arith.constant 0 : index
    %get3A_12 = arith.constant 0 : index
    %get3A_13 = arith.constant 0 : index
    %get3A_14 = vector.load %arg4[%get3A_11, %get3A_12, %get3A_13] : memref<1x1024x1024xf32, #tpu.memory_space<vmem>>, vector<1x1024x1024xf32>
    %get3A_15 = vector.shape_cast %get3A_14 : vector<1x1024x1024xf32> to vector<1024x1024xf32>
    %dot_general3A = arith.constant dense<0.000000e+00> : vector<1024x1024xf32>
    %dot_general3A_16 = tpu.matmul %get3A_15, %sub3A, %dot_general3A {dimension_numbers = #tpu.dot_dimension_numbers<[1], [0], [0], [1], [0, 0, 1, 1], [], []>, transpose_lhs_hint = false} : vector<1024x1024xf32>, vector<1024x1024xf32>, vector<1024x1024xf32> -> vector<1024x1024xf32>
    %mul3A = arith.mulf %sub3A, %sub3A : vector<1024x1024xf32>
    %reduce_sum3A = arith.constant dense<0.000000e+00> : vector<1024xf32>
    %reduce_sum3A_17 = vector.multi_reduction <add>, %mul3A, %reduce_sum3A [0] : vector<1024x1024xf32> to vector<1024xf32>
    %broadcast_in_dim3A = vector.shape_cast %reduce_sum3A_17 : vector<1024xf32> to vector<1x1024xf32>
    %mul3A_18 = arith.constant 2.000000e+00 : f32
    %mul3A_19 = vector.broadcast %mul3A_18 : f32 to vector<1024x1024xf32>
    %mul3A_20 = arith.mulf %mul3A_19, %dot_general3A_16 : vector<1024x1024xf32>
    %sub3A_21 = vector.broadcast %broadcast_in_dim3A : vector<1x1024xf32> to vector<1024x1024xf32>
    %sub3A_22 = arith.subf %sub3A_21, %mul3A_20 : vector<1024x1024xf32>
    %get3A_23 = arith.constant 0 : index
    %get3A_24 = arith.constant 0 : index
    %get3A_25 = vector.load %arg6[%get3A_23, %get3A_24] : memref<1024x1xf32, #tpu.memory_space<vmem>>, vector<1024x1xf32>
    %add3A = vector.broadcast %get3A_25 : vector<1024x1xf32> to vector<1024x1024xf32>
    %add3A_26 = arith.addf %sub3A_22, %add3A : vector<1024x1024xf32>
    %reduce_min3A = arith.constant dense<0x7F800000> : vector<1024xf32>
    %reduce_min3A_27 = vector.multi_reduction <minimumf>, %add3A_26, %reduce_min3A [0] : vector<1024x1024xf32> to vector<1024xf32>
    %broadcast_in_dim3A_28 = vector.shape_cast %reduce_min3A_27 : vector<1024xf32> to vector<1x1024xf32>
    %iota3A = tpu.iota {dimensions = array<i32: 0>} : vector<1024x1024xi32>
    %eq3A_29 = vector.broadcast %broadcast_in_dim3A_28 : vector<1x1024xf32> to vector<1024x1024xf32>
    %eq3A_30 = arith.cmpf oeq, %add3A_26, %eq3A_29 : vector<1024x1024xf32>
    %jit3A = arith.constant 1024 : i32
    %broadcast_in_dim3A_31 = vector.broadcast %jit3A : i32 to vector<1024x1024xi32>
    %select_n3A = arith.select %eq3A_30, %iota3A, %broadcast_in_dim3A_31 : vector<1024x1024xi1>, vector<1024x1024xi32>
    %reduce_min3A_32 = arith.constant dense<2147483647> : vector<1024xi32>
    %reduce_min3A_33 = vector.multi_reduction <minsi>, %select_n3A, %reduce_min3A_32 [0] : vector<1024x1024xi32> to vector<1024xi32>
    %broadcast_in_dim3A_34 = vector.shape_cast %reduce_min3A_33 : vector<1024xi32> to vector<1x1024xi32>
    %reshape3A = vector.shape_cast %broadcast_in_dim3A_34 : vector<1x1024xi32> to vector<1x1x1024xi32>
    %swap3A = arith.constant 0 : index
    %swap3A_35 = arith.constant 0 : index
    %swap3A_36 = arith.constant 0 : index
    %swap3A_37 = vector.load %arg5[%swap3A, %swap3A_35, %swap3A_36] : memref<1x1x1024xi32, #tpu.memory_space<vmem>>, vector<1x1x1024xi32>
    tpu.vector_store %arg5[%swap3A, %swap3A_35, %swap3A_36], %reshape3A {strides = array<i32>} : memref<1x1x1024xi32, #tpu.memory_space<vmem>>, vector<1x1x1024xi32>,
    return
  }
  func.func @transform_0(%arg0: i32, %arg1: i32) -> (i32, i32, i32) {
    %add3A = arith.constant 2 : i32
    %add3A_0 = arith.addi %arg0, %add3A : i32
    %c0_i32 = arith.constant 0 : i32
    %c0_i32_1 = arith.constant 0 : i32
    return %add3A_0, %c0_i32, %arg1 : i32, i32, i32
  }
  func.func @transform_1(%arg0: i32, %arg1: i32) -> (i32, i32) {
    %mul3A = arith.constant 1 : i32
    %mul3A_0 = arith.muli %arg0, %mul3A : i32
    %add3A = arith.addi %mul3A_0, %arg1 : i32
    %c0_i32 = arith.constant 0 : i32
    %c0_i32_1 = arith.constant 0 : i32
    return %add3A, %c0_i32 : i32, i32
  }
  func.func @transform_2(%arg0: i32, %arg1: i32) -> (i32, i32, i32) {
    %c1_i32 = arith.constant 1 : i32
    %c0_i32 = arith.constant 0 : i32
    %c0_i32_0 = arith.constant 0 : i32
    %c0_i32_1 = arith.constant 0 : i32
    return %c1_i32, %c0_i32, %c0_i32_0 : i32, i32, i32
  }
  func.func @transform_3(%arg0: i32, %arg1: i32) -> (i32, i32, i32) {
    %mul3A = arith.constant 1 : i32
    %mul3A_0 = arith.muli %arg0, %mul3A : i32
    %add3A = arith.addi %mul3A_0, %arg1 : i32
    %c0_i32 = arith.constant 0 : i32
    %c0_i32_1 = arith.constant 0 : i32
    %c0_i32_2 = arith.constant 0 : i32
    return %add3A, %c0_i32, %c0_i32_1 : i32, i32, i32
  }
}

module attributes {stable_mosaic.version = 14 : i64} {
  func.func @_stage_a_body(%arg0: i32, %arg1: i32, %arg2: memref<1x1024x1024xf32, #tpu.memory_space<vmem>>, %arg3: memref<1x1024x1024xf32, #tpu.memory_space<vmem>>, %arg4: memref<1x1x1024xi32, #tpu.memory_space<vmem>>, %arg5: memref<1024x1xf32, #tpu.memory_space<vmem>>) attributes {dimension_semantics = [#tpu.dimension_semantics<arbitrary>, #tpu.dimension_semantics<arbitrary>], iteration_bounds = array<i64: 2, 1>, scalar_prefetch = 0 : i64, scratch_operands = 1 : i64, tpu.core_type = #tpu.core_type<tc>, window_params = [{transform_indices = @transform_0, window_bounds = array<i64: 1, 1024, 1024>}, {transform_indices = @transform_1, window_bounds = array<i64: 1, 1024, 1024>}, {transform_indices = @transform_2, window_bounds = array<i64: 1, 1, 1024>}]} {
    %get3A = arith.constant 0 : index
    %get3A_0 = arith.constant 0 : index
    %get3A_1 = arith.constant 0 : index
    %get3A_2 = vector.load %arg2[%get3A, %get3A_0, %get3A_1] : memref<1x1024x1024xf32, #tpu.memory_space<vmem>>, vector<1x1024x1024xf32>
    %get3A_3 = vector.shape_cast %get3A_2 : vector<1x1024x1024xf32> to vector<1024x1024xf32>
    %eq3A = arith.constant 0 : i32
    %eq3A_4 = arith.cmpi eq, %arg0, %eq3A : i32
    %eq3A_5 = arith.constant 0 : i32
    %eq3A_6 = arith.cmpi eq, %arg1, %eq3A_5 : i32
    %and3A = arith.andi %eq3A_4, %eq3A_6 : i1
    %convert_element_type3A = arith.extui %and3A : i1 to i32
    %cond3A = arith.constant 0 : i32
    %cond3A_7 = arith.cmpi ne, %convert_element_type3A, %cond3A : i32
    scf.if %cond3A_7 {
      %get3A_34 = arith.constant 0 : index
      %get3A_35 = arith.constant 0 : index
      %get3A_36 = arith.constant 0 : index
      %get3A_37 = vector.load %arg3[%get3A_34, %get3A_35, %get3A_36] : memref<1x1024x1024xf32, #tpu.memory_space<vmem>>, vector<1x1024x1024xf32>
      %get3A_38 = vector.shape_cast %get3A_37 : vector<1x1024x1024xf32> to vector<1024x1024xf32>
      %mul3A_39 = arith.mulf %get3A_38, %get3A_38 : vector<1024x1024xf32>
      %reduce_sum3A_40 = arith.constant dense<0.000000e+00> : vector<1024xf32>
      %reduce_sum3A_41 = vector.multi_reduction <add>, %mul3A_39, %reduce_sum3A_40 [1] : vector<1024x1024xf32> to vector<1024xf32>
      %broadcast_in_dim3A_42 = vector.shape_cast %reduce_sum3A_41 : vector<1024xf32> to vector<1024x1xf32>
      %swap3A_43 = arith.constant 0 : index
      %swap3A_44 = arith.constant 0 : index
      %swap3A_45 = vector.load %arg5[%swap3A_43, %swap3A_44] : memref<1024x1xf32, #tpu.memory_space<vmem>>, vector<1024x1xf32>
      tpu.vector_store %arg5[%swap3A_43, %swap3A_44], %broadcast_in_dim3A_42 {strides = array<i32>} : memref<1024x1xf32, #tpu.memory_space<vmem>>, vector<1024x1xf32>,
    } else {
    }
    %get3A_8 = arith.constant 0 : index
    %get3A_9 = arith.constant 0 : index
    %get3A_10 = arith.constant 0 : index
    %get3A_11 = vector.load %arg3[%get3A_8, %get3A_9, %get3A_10] : memref<1x1024x1024xf32, #tpu.memory_space<vmem>>, vector<1x1024x1024xf32>
    %get3A_12 = vector.shape_cast %get3A_11 : vector<1x1024x1024xf32> to vector<1024x1024xf32>
    %dot_general3A = arith.constant dense<0.000000e+00> : vector<1024x1024xf32>
    %dot_general3A_13 = tpu.matmul %get3A_12, %get3A_3, %dot_general3A {dimension_numbers = #tpu.dot_dimension_numbers<[1], [0], [0], [1], [0, 0, 1, 1], [], []>, transpose_lhs_hint = false} : vector<1024x1024xf32>, vector<1024x1024xf32>, vector<1024x1024xf32> -> vector<1024x1024xf32>
    %mul3A = arith.mulf %get3A_3, %get3A_3 : vector<1024x1024xf32>
    %reduce_sum3A = arith.constant dense<0.000000e+00> : vector<1024xf32>
    %reduce_sum3A_14 = vector.multi_reduction <add>, %mul3A, %reduce_sum3A [0] : vector<1024x1024xf32> to vector<1024xf32>
    %broadcast_in_dim3A = vector.shape_cast %reduce_sum3A_14 : vector<1024xf32> to vector<1x1024xf32>
    %mul3A_15 = arith.constant 2.000000e+00 : f32
    %mul3A_16 = vector.broadcast %mul3A_15 : f32 to vector<1024x1024xf32>
    %mul3A_17 = arith.mulf %mul3A_16, %dot_general3A_13 : vector<1024x1024xf32>
    %sub3A = vector.broadcast %broadcast_in_dim3A : vector<1x1024xf32> to vector<1024x1024xf32>
    %sub3A_18 = arith.subf %sub3A, %mul3A_17 : vector<1024x1024xf32>
    %get3A_19 = arith.constant 0 : index
    %get3A_20 = arith.constant 0 : index
    %get3A_21 = vector.load %arg5[%get3A_19, %get3A_20] : memref<1024x1xf32, #tpu.memory_space<vmem>>, vector<1024x1xf32>
    %add3A = vector.broadcast %get3A_21 : vector<1024x1xf32> to vector<1024x1024xf32>
    %add3A_22 = arith.addf %sub3A_18, %add3A : vector<1024x1024xf32>
    %reduce_min3A = arith.constant dense<0x7F800000> : vector<1024xf32>
    %reduce_min3A_23 = vector.multi_reduction <minimumf>, %add3A_22, %reduce_min3A [0] : vector<1024x1024xf32> to vector<1024xf32>
    %broadcast_in_dim3A_24 = vector.shape_cast %reduce_min3A_23 : vector<1024xf32> to vector<1x1024xf32>
    %iota3A = tpu.iota {dimensions = array<i32: 0>} : vector<1024x1024xi32>
    %eq3A_25 = vector.broadcast %broadcast_in_dim3A_24 : vector<1x1024xf32> to vector<1024x1024xf32>
    %eq3A_26 = arith.cmpf oeq, %add3A_22, %eq3A_25 : vector<1024x1024xf32>
    %jit3A = arith.constant 1024 : i32
    %broadcast_in_dim3A_27 = vector.broadcast %jit3A : i32 to vector<1024x1024xi32>
    %select_n3A = arith.select %eq3A_26, %iota3A, %broadcast_in_dim3A_27 : vector<1024x1024xi1>, vector<1024x1024xi32>
    %reduce_min3A_28 = arith.constant dense<2147483647> : vector<1024xi32>
    %reduce_min3A_29 = vector.multi_reduction <minsi>, %select_n3A, %reduce_min3A_28 [0] : vector<1024x1024xi32> to vector<1024xi32>
    %broadcast_in_dim3A_30 = vector.shape_cast %reduce_min3A_29 : vector<1024xi32> to vector<1x1024xi32>
    %reshape3A = vector.shape_cast %broadcast_in_dim3A_30 : vector<1x1024xi32> to vector<1x1x1024xi32>
    %swap3A = arith.constant 0 : index
    %swap3A_31 = arith.constant 0 : index
    %swap3A_32 = arith.constant 0 : index
    %swap3A_33 = vector.load %arg4[%swap3A, %swap3A_31, %swap3A_32] : memref<1x1x1024xi32, #tpu.memory_space<vmem>>, vector<1x1x1024xi32>
    tpu.vector_store %arg4[%swap3A, %swap3A_31, %swap3A_32], %reshape3A {strides = array<i32>} : memref<1x1x1024xi32, #tpu.memory_space<vmem>>, vector<1x1x1024xi32>,
    return
  }
  func.func @transform_0(%arg0: i32, %arg1: i32) -> (i32, i32, i32) {
    %add3A = arith.constant 2 : i32
    %add3A_0 = arith.addi %arg0, %add3A : i32
    %c0_i32 = arith.constant 0 : i32
    %c0_i32_1 = arith.constant 0 : i32
    return %add3A_0, %c0_i32, %arg1 : i32, i32, i32
  }
  func.func @transform_1(%arg0: i32, %arg1: i32) -> (i32, i32, i32) {
    %c0_i32 = arith.constant 0 : i32
    %c0_i32_0 = arith.constant 0 : i32
    %c0_i32_1 = arith.constant 0 : i32
    %c0_i32_2 = arith.constant 0 : i32
    return %c0_i32, %c0_i32_0, %c0_i32_1 : i32, i32, i32
  }
  func.func @transform_2(%arg0: i32, %arg1: i32) -> (i32, i32, i32) {
    %mul3A = arith.constant 1 : i32
    %mul3A_0 = arith.muli %arg0, %mul3A : i32
    %add3A = arith.addi %mul3A_0, %arg1 : i32
    %c0_i32 = arith.constant 0 : i32
    %c0_i32_1 = arith.constant 0 : i32
    %c0_i32_2 = arith.constant 0 : i32
    return %add3A, %c0_i32, %c0_i32_1 : i32, i32, i32
  }
}

module attributes {stable_mosaic.version = 14 : i64} {
  func.func @_stage_b_body(%arg0: i32, %arg1: i32, %arg2: memref<1x1024x1024xf32, #tpu.memory_space<vmem>>, %arg3: memref<1024x1024xf32, #tpu.memory_space<vmem>>, %arg4: memref<1x1024x1024xf32, #tpu.memory_space<vmem>>, %arg5: memref<1x1x1024xi32, #tpu.memory_space<vmem>>, %arg6: memref<1024x1xf32, #tpu.memory_space<vmem>>) attributes {dimension_semantics = [#tpu.dimension_semantics<arbitrary>, #tpu.dimension_semantics<arbitrary>], iteration_bounds = array<i64: 2, 1>, scalar_prefetch = 0 : i64, scratch_operands = 1 : i64, tpu.core_type = #tpu.core_type<tc>, window_params = [{transform_indices = @transform_0, window_bounds = array<i64: 1, 1024, 1024>}, {transform_indices = @transform_1, window_bounds = array<i64: 1024, 1024>}, {transform_indices = @transform_2, window_bounds = array<i64: 1, 1024, 1024>}, {transform_indices = @transform_3, window_bounds = array<i64: 1, 1, 1024>}]} {
    %get3A = arith.constant 0 : index
    %get3A_0 = arith.constant 0 : index
    %get3A_1 = arith.constant 0 : index
    %get3A_2 = vector.load %arg2[%get3A, %get3A_0, %get3A_1] : memref<1x1024x1024xf32, #tpu.memory_space<vmem>>, vector<1x1024x1024xf32>
    %get3A_3 = vector.shape_cast %get3A_2 : vector<1x1024x1024xf32> to vector<1024x1024xf32>
    %get3A_4 = arith.constant 0 : index
    %get3A_5 = arith.constant 0 : index
    %get3A_6 = vector.load %arg3[%get3A_4, %get3A_5] : memref<1024x1024xf32, #tpu.memory_space<vmem>>, vector<1024x1024xf32>
    %transpose3A = tpu.transpose %get3A_6, [1, 0] : vector<1024x1024xf32> -> vector<1024x1024xf32>
    %sub3A = arith.subf %get3A_3, %transpose3A : vector<1024x1024xf32>
    %eq3A = arith.constant 0 : i32
    %eq3A_7 = arith.cmpi eq, %arg0, %eq3A : i32
    %eq3A_8 = arith.constant 0 : i32
    %eq3A_9 = arith.cmpi eq, %arg1, %eq3A_8 : i32
    %and3A = arith.andi %eq3A_7, %eq3A_9 : i1
    %convert_element_type3A = arith.extui %and3A : i1 to i32
    %cond3A = arith.constant 0 : i32
    %cond3A_10 = arith.cmpi ne, %convert_element_type3A, %cond3A : i32
    scf.if %cond3A_10 {
      %get3A_38 = arith.constant 0 : index
      %get3A_39 = arith.constant 0 : index
      %get3A_40 = arith.constant 0 : index
      %get3A_41 = vector.load %arg4[%get3A_38, %get3A_39, %get3A_40] : memref<1x1024x1024xf32, #tpu.memory_space<vmem>>, vector<1x1024x1024xf32>
      %get3A_42 = vector.shape_cast %get3A_41 : vector<1x1024x1024xf32> to vector<1024x1024xf32>
      %mul3A_43 = arith.mulf %get3A_42, %get3A_42 : vector<1024x1024xf32>
      %reduce_sum3A_44 = arith.constant dense<0.000000e+00> : vector<1024xf32>
      %reduce_sum3A_45 = vector.multi_reduction <add>, %mul3A_43, %reduce_sum3A_44 [1] : vector<1024x1024xf32> to vector<1024xf32>
      %broadcast_in_dim3A_46 = vector.shape_cast %reduce_sum3A_45 : vector<1024xf32> to vector<1024x1xf32>
      %swap3A_47 = arith.constant 0 : index
      %swap3A_48 = arith.constant 0 : index
      %swap3A_49 = vector.load %arg6[%swap3A_47, %swap3A_48] : memref<1024x1xf32, #tpu.memory_space<vmem>>, vector<1024x1xf32>
      tpu.vector_store %arg6[%swap3A_47, %swap3A_48], %broadcast_in_dim3A_46 {strides = array<i32>} : memref<1024x1xf32, #tpu.memory_space<vmem>>, vector<1024x1xf32>,
    } else {
    }
    %get3A_11 = arith.constant 0 : index
    %get3A_12 = arith.constant 0 : index
    %get3A_13 = arith.constant 0 : index
    %get3A_14 = vector.load %arg4[%get3A_11, %get3A_12, %get3A_13] : memref<1x1024x1024xf32, #tpu.memory_space<vmem>>, vector<1x1024x1024xf32>
    %get3A_15 = vector.shape_cast %get3A_14 : vector<1x1024x1024xf32> to vector<1024x1024xf32>
    %dot_general3A = arith.constant dense<0.000000e+00> : vector<1024x1024xf32>
    %dot_general3A_16 = tpu.matmul %get3A_15, %sub3A, %dot_general3A {dimension_numbers = #tpu.dot_dimension_numbers<[1], [0], [0], [1], [0, 0, 1, 1], [], []>, transpose_lhs_hint = false} : vector<1024x1024xf32>, vector<1024x1024xf32>, vector<1024x1024xf32> -> vector<1024x1024xf32>
    %mul3A = arith.mulf %sub3A, %sub3A : vector<1024x1024xf32>
    %reduce_sum3A = arith.constant dense<0.000000e+00> : vector<1024xf32>
    %reduce_sum3A_17 = vector.multi_reduction <add>, %mul3A, %reduce_sum3A [0] : vector<1024x1024xf32> to vector<1024xf32>
    %broadcast_in_dim3A = vector.shape_cast %reduce_sum3A_17 : vector<1024xf32> to vector<1x1024xf32>
    %mul3A_18 = arith.constant 2.000000e+00 : f32
    %mul3A_19 = vector.broadcast %mul3A_18 : f32 to vector<1024x1024xf32>
    %mul3A_20 = arith.mulf %mul3A_19, %dot_general3A_16 : vector<1024x1024xf32>
    %sub3A_21 = vector.broadcast %broadcast_in_dim3A : vector<1x1024xf32> to vector<1024x1024xf32>
    %sub3A_22 = arith.subf %sub3A_21, %mul3A_20 : vector<1024x1024xf32>
    %get3A_23 = arith.constant 0 : index
    %get3A_24 = arith.constant 0 : index
    %get3A_25 = vector.load %arg6[%get3A_23, %get3A_24] : memref<1024x1xf32, #tpu.memory_space<vmem>>, vector<1024x1xf32>
    %add3A = vector.broadcast %get3A_25 : vector<1024x1xf32> to vector<1024x1024xf32>
    %add3A_26 = arith.addf %sub3A_22, %add3A : vector<1024x1024xf32>
    %reduce_min3A = arith.constant dense<0x7F800000> : vector<1024xf32>
    %reduce_min3A_27 = vector.multi_reduction <minimumf>, %add3A_26, %reduce_min3A [0] : vector<1024x1024xf32> to vector<1024xf32>
    %broadcast_in_dim3A_28 = vector.shape_cast %reduce_min3A_27 : vector<1024xf32> to vector<1x1024xf32>
    %iota3A = tpu.iota {dimensions = array<i32: 0>} : vector<1024x1024xi32>
    %eq3A_29 = vector.broadcast %broadcast_in_dim3A_28 : vector<1x1024xf32> to vector<1024x1024xf32>
    %eq3A_30 = arith.cmpf oeq, %add3A_26, %eq3A_29 : vector<1024x1024xf32>
    %jit3A = arith.constant 1024 : i32
    %broadcast_in_dim3A_31 = vector.broadcast %jit3A : i32 to vector<1024x1024xi32>
    %select_n3A = arith.select %eq3A_30, %iota3A, %broadcast_in_dim3A_31 : vector<1024x1024xi1>, vector<1024x1024xi32>
    %reduce_min3A_32 = arith.constant dense<2147483647> : vector<1024xi32>
    %reduce_min3A_33 = vector.multi_reduction <minsi>, %select_n3A, %reduce_min3A_32 [0] : vector<1024x1024xi32> to vector<1024xi32>
    %broadcast_in_dim3A_34 = vector.shape_cast %reduce_min3A_33 : vector<1024xi32> to vector<1x1024xi32>
    %reshape3A = vector.shape_cast %broadcast_in_dim3A_34 : vector<1x1024xi32> to vector<1x1x1024xi32>
    %swap3A = arith.constant 0 : index
    %swap3A_35 = arith.constant 0 : index
    %swap3A_36 = arith.constant 0 : index
    %swap3A_37 = vector.load %arg5[%swap3A, %swap3A_35, %swap3A_36] : memref<1x1x1024xi32, #tpu.memory_space<vmem>>, vector<1x1x1024xi32>
    tpu.vector_store %arg5[%swap3A, %swap3A_35, %swap3A_36], %reshape3A {strides = array<i32>} : memref<1x1x1024xi32, #tpu.memory_space<vmem>>, vector<1x1x1024xi32>,
    return
  }
  func.func @transform_0(%arg0: i32, %arg1: i32) -> (i32, i32, i32) {
    %add3A = arith.constant 0 : i32
    %add3A_0 = arith.addi %arg0, %add3A : i32
    %c0_i32 = arith.constant 0 : i32
    %c0_i32_1 = arith.constant 0 : i32
    return %add3A_0, %c0_i32, %arg1 : i32, i32, i32
  }
  func.func @transform_1(%arg0: i32, %arg1: i32) -> (i32, i32) {
    %mul3A = arith.constant 1 : i32
    %mul3A_0 = arith.muli %arg0, %mul3A : i32
    %add3A = arith.addi %mul3A_0, %arg1 : i32
    %c0_i32 = arith.constant 0 : i32
    %c0_i32_1 = arith.constant 0 : i32
    return %add3A, %c0_i32 : i32, i32
  }
  func.func @transform_2(%arg0: i32, %arg1: i32) -> (i32, i32, i32) {
    %c1_i32 = arith.constant 1 : i32
    %c0_i32 = arith.constant 0 : i32
    %c0_i32_0 = arith.constant 0 : i32
    %c0_i32_1 = arith.constant 0 : i32
    return %c1_i32, %c0_i32, %c0_i32_0 : i32, i32, i32
  }
  func.func @transform_3(%arg0: i32, %arg1: i32) -> (i32, i32, i32) {
    %mul3A = arith.constant 1 : i32
    %mul3A_0 = arith.muli %arg0, %mul3A : i32
    %add3A = arith.addi %mul3A_0, %arg1 : i32
    %c0_i32 = arith.constant 0 : i32
    %c0_i32_1 = arith.constant 0 : i32
    %c0_i32_2 = arith.constant 0 : i32
    return %add3A, %c0_i32, %c0_i32_1 : i32, i32, i32
  }
}

module attributes {stable_mosaic.version = 14 : i64} {
  func.func @body(%arg0: i32, %arg1: i32, %arg2: memref<1x1024x1024xf32, #tpu.memory_space<vmem>>, %arg3: memref<1024x1024xf32, #tpu.memory_space<vmem>>, %arg4: memref<1024x1024xf32, #tpu.memory_space<vmem>>, %arg5: memref<1x1024x1024xf32, #tpu.memory_space<vmem>>, %arg6: memref<1x1024x1024xf32, #tpu.memory_space<vmem>>, %arg7: memref<1x1xf32, #tpu.memory_space<vmem>>, %arg8: memref<1x1xf32, #tpu.memory_space<vmem>>) attributes {dimension_semantics = [#tpu.dimension_semantics<arbitrary>, #tpu.dimension_semantics<arbitrary>], iteration_bounds = array<i64: 2, 1>, scalar_prefetch = 0 : i64, scratch_operands = 0 : i64, tpu.core_type = #tpu.core_type<tc>, window_params = [{transform_indices = @transform_0, window_bounds = array<i64: 1, 1024, 1024>}, {transform_indices = @transform_1, window_bounds = array<i64: 1024, 1024>}, {transform_indices = @transform_2, window_bounds = array<i64: 1024, 1024>}, {transform_indices = @transform_3, window_bounds = array<i64: 1, 1024, 1024>}, {transform_indices = @transform_4, window_bounds = array<i64: 1, 1024, 1024>}, {pipeline_mode = #tpu.pipeline_mode<synchronous>, transform_indices = @transform_5, window_bounds = array<i64: 1, 1>}, {pipeline_mode = #tpu.pipeline_mode<synchronous>, transform_indices = @transform_6, window_bounds = array<i64: 1, 1>}]} {
    %get3A = arith.constant 0 : index
    %get3A_0 = arith.constant 0 : index
    %get3A_1 = arith.constant 0 : index
    %get3A_2 = vector.load %arg2[%get3A, %get3A_0, %get3A_1] : memref<1x1024x1024xf32, #tpu.memory_space<vmem>>, vector<1x1024x1024xf32>
    %get3A_3 = vector.shape_cast %get3A_2 : vector<1x1024x1024xf32> to vector<1024x1024xf32>
    %get3A_4 = arith.constant 0 : index
    %get3A_5 = arith.constant 0 : index
    %get3A_6 = vector.load %arg3[%get3A_4, %get3A_5] : memref<1024x1024xf32, #tpu.memory_space<vmem>>, vector<1024x1024xf32>
    %transpose3A = tpu.transpose %get3A_6, [1, 0] : vector<1024x1024xf32> -> vector<1024x1024xf32>
    %sub3A = arith.subf %get3A_3, %transpose3A : vector<1024x1024xf32>
    %get3A_7 = arith.constant 0 : index
    %get3A_8 = arith.constant 0 : index
    %get3A_9 = vector.load %arg4[%get3A_7, %get3A_8] : memref<1024x1024xf32, #tpu.memory_space<vmem>>, vector<1024x1024xf32>
    %transpose3A_10 = tpu.transpose %get3A_9, [1, 0] : vector<1024x1024xf32> -> vector<1024x1024xf32>
    %sub3A_11 = arith.subf %sub3A, %transpose3A_10 : vector<1024x1024xf32>
    %swap3A = arith.constant 0 : index
    %swap3A_12 = arith.constant 0 : index
    %swap3A_13 = arith.constant 0 : index
    %swap3A_14 = vector.load %arg6[%swap3A, %swap3A_12, %swap3A_13] : memref<1x1024x1024xf32, #tpu.memory_space<vmem>>, vector<1x1024x1024xf32>
    %swap3A_15 = vector.shape_cast %swap3A_14 : vector<1x1024x1024xf32> to vector<1024x1024xf32>
    %swap3A_16 = vector.shape_cast %sub3A_11 : vector<1024x1024xf32> to vector<1x1024x1024xf32>
    tpu.vector_store %arg6[%swap3A, %swap3A_12, %swap3A_13], %swap3A_16 {strides = array<i32>} : memref<1x1024x1024xf32, #tpu.memory_space<vmem>>, vector<1x1024x1024xf32>,
    %sub3A_17 = arith.subf %get3A_3, %sub3A_11 : vector<1024x1024xf32>
    %swap3A_18 = arith.constant 0 : index
    %swap3A_19 = arith.constant 0 : index
    %swap3A_20 = arith.constant 0 : index
    %swap3A_21 = vector.load %arg5[%swap3A_18, %swap3A_19, %swap3A_20] : memref<1x1024x1024xf32, #tpu.memory_space<vmem>>, vector<1x1024x1024xf32>
    %swap3A_22 = vector.shape_cast %swap3A_21 : vector<1x1024x1024xf32> to vector<1024x1024xf32>
    %swap3A_23 = vector.shape_cast %sub3A_17 : vector<1024x1024xf32> to vector<1x1024x1024xf32>
    tpu.vector_store %arg5[%swap3A_18, %swap3A_19, %swap3A_20], %swap3A_23 {strides = array<i32>} : memref<1x1024x1024xf32, #tpu.memory_space<vmem>>, vector<1x1024x1024xf32>,
    %eq3A = arith.constant 0 : i32
    %eq3A_24 = arith.cmpi eq, %arg0, %eq3A : i32
    %eq3A_25 = arith.constant 0 : i32
    %eq3A_26 = arith.cmpi eq, %arg1, %eq3A_25 : i32
    %and3A = arith.andi %eq3A_24, %eq3A_26 : i1
    %convert_element_type3A = arith.extui %and3A : i1 to i32
    %cond3A = arith.constant 0 : i32
    %cond3A_27 = arith.cmpi ne, %convert_element_type3A, %cond3A : i32
    scf.if %cond3A_27 {
      %broadcast_in_dim3A = arith.constant 0.000000e+00 : f32
      %broadcast_in_dim3A_52 = vector.broadcast %broadcast_in_dim3A : f32 to vector<1x1xf32>
      %swap3A_53 = arith.constant 0 : index
      %swap3A_54 = arith.constant 0 : index
      %swap3A_55 = vector.load %arg7[%swap3A_53, %swap3A_54] : memref<1x1xf32, #tpu.memory_space<vmem>>, vector<1x1xf32>
      tpu.vector_store %arg7[%swap3A_53, %swap3A_54], %broadcast_in_dim3A_52 {strides = array<i32>} : memref<1x1xf32, #tpu.memory_space<vmem>>, vector<1x1xf32>,
      %broadcast_in_dim3A_56 = arith.constant 0.000000e+00 : f32
      %broadcast_in_dim3A_57 = vector.broadcast %broadcast_in_dim3A_56 : f32 to vector<1x1xf32>
      %swap3A_58 = arith.constant 0 : index
      %swap3A_59 = arith.constant 0 : index
      %swap3A_60 = vector.load %arg8[%swap3A_58, %swap3A_59] : memref<1x1xf32, #tpu.memory_space<vmem>>, vector<1x1xf32>
      tpu.vector_store %arg8[%swap3A_58, %swap3A_59], %broadcast_in_dim3A_57 {strides = array<i32>} : memref<1x1xf32, #tpu.memory_space<vmem>>, vector<1x1xf32>,
    } else {
    }
    %get3A_28 = arith.constant 0 : index
    %get3A_29 = arith.constant 0 : index
    %get3A_30 = vector.load %arg7[%get3A_28, %get3A_29] : memref<1x1xf32, #tpu.memory_space<vmem>>, vector<1x1xf32>
    %mul3A = arith.mulf %sub3A, %sub3A : vector<1024x1024xf32>
    %reduce_sum3A = vector.shape_cast %mul3A : vector<1024x1024xf32> to vector<1x1024x1024xf32>
    %reduce_sum3A_31 = arith.constant dense<0.000000e+00> : vector<1xf32>
    %reduce_sum3A_32 = vector.multi_reduction <add>, %reduce_sum3A, %reduce_sum3A_31 [1, 2] : vector<1x1024x1024xf32> to vector<1xf32>
    %reduce_sum3A_33 = vector.shape_cast %reduce_sum3A_32 : vector<1xf32> to vector<1x1x1xf32>
    %reduce_sum3A_34 = vector.extract %reduce_sum3A_33[0, 0, 0] : f32 from vector<1x1x1xf32>
    %reshape3A = vector.broadcast %reduce_sum3A_34 : f32 to vector<1x1xf32>
    %add3A = arith.addf %get3A_30, %reshape3A : vector<1x1xf32>
    %swap3A_35 = arith.constant 0 : index
    %swap3A_36 = arith.constant 0 : index
    %swap3A_37 = vector.load %arg7[%swap3A_35, %swap3A_36] : memref<1x1xf32, #tpu.memory_space<vmem>>, vector<1x1xf32>
    tpu.vector_store %arg7[%swap3A_35, %swap3A_36], %add3A {strides = array<i32>} : memref<1x1xf32, #tpu.memory_space<vmem>>, vector<1x1xf32>,
    %get3A_38 = arith.constant 0 : index
    %get3A_39 = arith.constant 0 : index
    %get3A_40 = vector.load %arg8[%get3A_38, %get3A_39] : memref<1x1xf32, #tpu.memory_space<vmem>>, vector<1x1xf32>
    %mul3A_41 = arith.mulf %sub3A_11, %sub3A_11 : vector<1024x1024xf32>
    %reduce_sum3A_42 = vector.shape_cast %mul3A_41 : vector<1024x1024xf32> to vector<1x1024x1024xf32>
    %reduce_sum3A_43 = arith.constant dense<0.000000e+00> : vector<1xf32>
    %reduce_sum3A_44 = vector.multi_reduction <add>, %reduce_sum3A_42, %reduce_sum3A_43 [1, 2] : vector<1x1024x1024xf32> to vector<1xf32>
    %reduce_sum3A_45 = vector.shape_cast %reduce_sum3A_44 : vector<1xf32> to vector<1x1x1xf32>
    %reduce_sum3A_46 = vector.extract %reduce_sum3A_45[0, 0, 0] : f32 from vector<1x1x1xf32>
    %reshape3A_47 = vector.broadcast %reduce_sum3A_46 : f32 to vector<1x1xf32>
    %add3A_48 = arith.addf %get3A_40, %reshape3A_47 : vector<1x1xf32>
    %swap3A_49 = arith.constant 0 : index
    %swap3A_50 = arith.constant 0 : index
    %swap3A_51 = vector.load %arg8[%swap3A_49, %swap3A_50] : memref<1x1xf32, #tpu.memory_space<vmem>>, vector<1x1xf32>
    tpu.vector_store %arg8[%swap3A_49, %swap3A_50], %add3A_48 {strides = array<i32>} : memref<1x1xf32, #tpu.memory_space<vmem>>, vector<1x1xf32>,
    return
  }
  func.func @transform_0(%arg0: i32, %arg1: i32) -> (i32, i32, i32) {
    %add3A = arith.constant 0 : i32
    %add3A_0 = arith.addi %arg0, %add3A : i32
    %c0_i32 = arith.constant 0 : i32
    %c0_i32_1 = arith.constant 0 : i32
    return %add3A_0, %c0_i32, %arg1 : i32, i32, i32
  }
  func.func @transform_1(%arg0: i32, %arg1: i32) -> (i32, i32) {
    %mul3A = arith.constant 1 : i32
    %mul3A_0 = arith.muli %arg0, %mul3A : i32
    %add3A = arith.addi %mul3A_0, %arg1 : i32
    %c0_i32 = arith.constant 0 : i32
    %c0_i32_1 = arith.constant 0 : i32
    return %add3A, %c0_i32 : i32, i32
  }
  func.func @transform_2(%arg0: i32, %arg1: i32) -> (i32, i32) {
    %mul3A = arith.constant 1 : i32
    %mul3A_0 = arith.muli %arg0, %mul3A : i32
    %add3A = arith.addi %mul3A_0, %arg1 : i32
    %c0_i32 = arith.constant 0 : i32
    %c0_i32_1 = arith.constant 0 : i32
    return %add3A, %c0_i32 : i32, i32
  }
  func.func @transform_3(%arg0: i32, %arg1: i32) -> (i32, i32, i32) {
    %add3A = arith.constant 0 : i32
    %add3A_0 = arith.addi %arg0, %add3A : i32
    %c0_i32 = arith.constant 0 : i32
    %c0_i32_1 = arith.constant 0 : i32
    return %add3A_0, %c0_i32, %arg1 : i32, i32, i32
  }
  func.func @transform_4(%arg0: i32, %arg1: i32) -> (i32, i32, i32) {
    %add3A = arith.constant 0 : i32
    %add3A_0 = arith.addi %arg0, %add3A : i32
    %c0_i32 = arith.constant 0 : i32
    %c0_i32_1 = arith.constant 0 : i32
    return %add3A_0, %c0_i32, %arg1 : i32, i32, i32
  }
  func.func @transform_5(%arg0: i32, %arg1: i32) -> (i32, i32) {
    %c0_i32 = arith.constant 0 : i32
    %c0_i32_0 = arith.constant 0 : i32
    %c0_i32_1 = arith.constant 0 : i32
    return %c0_i32, %c0_i32_0 : i32, i32
  }
  func.func @transform_6(%arg0: i32, %arg1: i32) -> (i32, i32) {
    %c0_i32 = arith.constant 0 : i32
    %c0_i32_0 = arith.constant 0 : i32
    %c0_i32_1 = arith.constant 0 : i32
    return %c0_i32, %c0_i32_0 : i32, i32
  }
}

module attributes {stable_mosaic.version = 14 : i64} {
  func.func @body(%arg0: i32, %arg1: i32, %arg2: memref<1x1024x1024xf32, #tpu.memory_space<vmem>>, %arg3: memref<1024x1024xf32, #tpu.memory_space<vmem>>, %arg4: memref<1024x1024xf32, #tpu.memory_space<vmem>>, %arg5: memref<4x1024x1024xf32, #tpu.memory_space<any>>, %arg6: memref<4x1024x1024xf32, #tpu.memory_space<any>>, %arg7: memref<1x1024x1024xf32, #tpu.memory_space<vmem>>, %arg8: memref<1x1024x1024xf32, #tpu.memory_space<vmem>>, %arg9: memref<1x1xf32, #tpu.memory_space<vmem>>, %arg10: memref<1x1xf32, #tpu.memory_space<vmem>>) attributes {dimension_semantics = [#tpu.dimension_semantics<arbitrary>, #tpu.dimension_semantics<arbitrary>], iteration_bounds = array<i64: 2, 1>, scalar_prefetch = 0 : i64, scratch_operands = 0 : i64, tpu.core_type = #tpu.core_type<tc>, window_params = [{transform_indices = @transform_0, window_bounds = array<i64: 1, 1024, 1024>}, {transform_indices = @transform_1, window_bounds = array<i64: 1024, 1024>}, {transform_indices = @transform_2, window_bounds = array<i64: 1024, 1024>}, {}, {}, {transform_indices = @transform_5, window_bounds = array<i64: 1, 1024, 1024>}, {transform_indices = @transform_6, window_bounds = array<i64: 1, 1024, 1024>}, {pipeline_mode = #tpu.pipeline_mode<synchronous>, transform_indices = @transform_7, window_bounds = array<i64: 1, 1>}, {pipeline_mode = #tpu.pipeline_mode<synchronous>, transform_indices = @transform_8, window_bounds = array<i64: 1, 1>}]} {
    %get3A = arith.constant 0 : index
    %get3A_0 = arith.constant 0 : index
    %get3A_1 = arith.constant 0 : index
    %get3A_2 = vector.load %arg2[%get3A, %get3A_0, %get3A_1] : memref<1x1024x1024xf32, #tpu.memory_space<vmem>>, vector<1x1024x1024xf32>
    %get3A_3 = vector.shape_cast %get3A_2 : vector<1x1024x1024xf32> to vector<1024x1024xf32>
    %get3A_4 = arith.constant 0 : index
    %get3A_5 = arith.constant 0 : index
    %get3A_6 = vector.load %arg3[%get3A_4, %get3A_5] : memref<1024x1024xf32, #tpu.memory_space<vmem>>, vector<1024x1024xf32>
    %transpose3A = tpu.transpose %get3A_6, [1, 0] : vector<1024x1024xf32> -> vector<1024x1024xf32>
    %sub3A = arith.subf %get3A_3, %transpose3A : vector<1024x1024xf32>
    %get3A_7 = arith.constant 0 : index
    %get3A_8 = arith.constant 0 : index
    %get3A_9 = vector.load %arg4[%get3A_7, %get3A_8] : memref<1024x1024xf32, #tpu.memory_space<vmem>>, vector<1024x1024xf32>
    %transpose3A_10 = tpu.transpose %get3A_9, [1, 0] : vector<1024x1024xf32> -> vector<1024x1024xf32>
    %sub3A_11 = arith.subf %sub3A, %transpose3A_10 : vector<1024x1024xf32>
    %swap3A = arith.constant 0 : index
    %swap3A_12 = arith.constant 0 : index
    %swap3A_13 = arith.constant 0 : index
    %swap3A_14 = vector.load %arg8[%swap3A, %swap3A_12, %swap3A_13] : memref<1x1024x1024xf32, #tpu.memory_space<vmem>>, vector<1x1024x1024xf32>
    %swap3A_15 = vector.shape_cast %swap3A_14 : vector<1x1024x1024xf32> to vector<1024x1024xf32>
    %swap3A_16 = vector.shape_cast %sub3A_11 : vector<1024x1024xf32> to vector<1x1024x1024xf32>
    tpu.vector_store %arg8[%swap3A, %swap3A_12, %swap3A_13], %swap3A_16 {strides = array<i32>} : memref<1x1024x1024xf32, #tpu.memory_space<vmem>>, vector<1x1024x1024xf32>,
    %sub3A_17 = arith.subf %get3A_3, %sub3A_11 : vector<1024x1024xf32>
    %swap3A_18 = arith.constant 0 : index
    %swap3A_19 = arith.constant 0 : index
    %swap3A_20 = arith.constant 0 : index
    %swap3A_21 = vector.load %arg7[%swap3A_18, %swap3A_19, %swap3A_20] : memref<1x1024x1024xf32, #tpu.memory_space<vmem>>, vector<1x1024x1024xf32>
    %swap3A_22 = vector.shape_cast %swap3A_21 : vector<1x1024x1024xf32> to vector<1024x1024xf32>
    %swap3A_23 = vector.shape_cast %sub3A_17 : vector<1024x1024xf32> to vector<1x1024x1024xf32>
    tpu.vector_store %arg7[%swap3A_18, %swap3A_19, %swap3A_20], %swap3A_23 {strides = array<i32>} : memref<1x1024x1024xf32, #tpu.memory_space<vmem>>, vector<1x1024x1024xf32>,
    %eq3A = arith.constant 0 : i32
    %eq3A_24 = arith.cmpi eq, %arg0, %eq3A : i32
    %eq3A_25 = arith.constant 0 : i32
    %eq3A_26 = arith.cmpi eq, %arg1, %eq3A_25 : i32
    %and3A = arith.andi %eq3A_24, %eq3A_26 : i1
    %convert_element_type3A = arith.extui %and3A : i1 to i32
    %cond3A = arith.constant 0 : i32
    %cond3A_27 = arith.cmpi ne, %convert_element_type3A, %cond3A : i32
    scf.if %cond3A_27 {
      %broadcast_in_dim3A = arith.constant 0.000000e+00 : f32
      %broadcast_in_dim3A_52 = vector.broadcast %broadcast_in_dim3A : f32 to vector<1x1xf32>
      %swap3A_53 = arith.constant 0 : index
      %swap3A_54 = arith.constant 0 : index
      %swap3A_55 = vector.load %arg9[%swap3A_53, %swap3A_54] : memref<1x1xf32, #tpu.memory_space<vmem>>, vector<1x1xf32>
      tpu.vector_store %arg9[%swap3A_53, %swap3A_54], %broadcast_in_dim3A_52 {strides = array<i32>} : memref<1x1xf32, #tpu.memory_space<vmem>>, vector<1x1xf32>,
      %broadcast_in_dim3A_56 = arith.constant 0.000000e+00 : f32
      %broadcast_in_dim3A_57 = vector.broadcast %broadcast_in_dim3A_56 : f32 to vector<1x1xf32>
      %swap3A_58 = arith.constant 0 : index
      %swap3A_59 = arith.constant 0 : index
      %swap3A_60 = vector.load %arg10[%swap3A_58, %swap3A_59] : memref<1x1xf32, #tpu.memory_space<vmem>>, vector<1x1xf32>
      tpu.vector_store %arg10[%swap3A_58, %swap3A_59], %broadcast_in_dim3A_57 {strides = array<i32>} : memref<1x1xf32, #tpu.memory_space<vmem>>, vector<1x1xf32>,
    } else {
    }
    %get3A_28 = arith.constant 0 : index
    %get3A_29 = arith.constant 0 : index
    %get3A_30 = vector.load %arg9[%get3A_28, %get3A_29] : memref<1x1xf32, #tpu.memory_space<vmem>>, vector<1x1xf32>
    %mul3A = arith.mulf %sub3A, %sub3A : vector<1024x1024xf32>
    %reduce_sum3A = vector.shape_cast %mul3A : vector<1024x1024xf32> to vector<1x1024x1024xf32>
    %reduce_sum3A_31 = arith.constant dense<0.000000e+00> : vector<1xf32>
    %reduce_sum3A_32 = vector.multi_reduction <add>, %reduce_sum3A, %reduce_sum3A_31 [1, 2] : vector<1x1024x1024xf32> to vector<1xf32>
    %reduce_sum3A_33 = vector.shape_cast %reduce_sum3A_32 : vector<1xf32> to vector<1x1x1xf32>
    %reduce_sum3A_34 = vector.extract %reduce_sum3A_33[0, 0, 0] : f32 from vector<1x1x1xf32>
    %reshape3A = vector.broadcast %reduce_sum3A_34 : f32 to vector<1x1xf32>
    %add3A = arith.addf %get3A_30, %reshape3A : vector<1x1xf32>
    %swap3A_35 = arith.constant 0 : index
    %swap3A_36 = arith.constant 0 : index
    %swap3A_37 = vector.load %arg9[%swap3A_35, %swap3A_36] : memref<1x1xf32, #tpu.memory_space<vmem>>, vector<1x1xf32>
    tpu.vector_store %arg9[%swap3A_35, %swap3A_36], %add3A {strides = array<i32>} : memref<1x1xf32, #tpu.memory_space<vmem>>, vector<1x1xf32>,
    %get3A_38 = arith.constant 0 : index
    %get3A_39 = arith.constant 0 : index
    %get3A_40 = vector.load %arg10[%get3A_38, %get3A_39] : memref<1x1xf32, #tpu.memory_space<vmem>>, vector<1x1xf32>
    %mul3A_41 = arith.mulf %sub3A_11, %sub3A_11 : vector<1024x1024xf32>
    %reduce_sum3A_42 = vector.shape_cast %mul3A_41 : vector<1024x1024xf32> to vector<1x1024x1024xf32>
    %reduce_sum3A_43 = arith.constant dense<0.000000e+00> : vector<1xf32>
    %reduce_sum3A_44 = vector.multi_reduction <add>, %reduce_sum3A_42, %reduce_sum3A_43 [1, 2] : vector<1x1024x1024xf32> to vector<1xf32>
    %reduce_sum3A_45 = vector.shape_cast %reduce_sum3A_44 : vector<1xf32> to vector<1x1x1xf32>
    %reduce_sum3A_46 = vector.extract %reduce_sum3A_45[0, 0, 0] : f32 from vector<1x1x1xf32>
    %reshape3A_47 = vector.broadcast %reduce_sum3A_46 : f32 to vector<1x1xf32>
    %add3A_48 = arith.addf %get3A_40, %reshape3A_47 : vector<1x1xf32>
    %swap3A_49 = arith.constant 0 : index
    %swap3A_50 = arith.constant 0 : index
    %swap3A_51 = vector.load %arg10[%swap3A_49, %swap3A_50] : memref<1x1xf32, #tpu.memory_space<vmem>>, vector<1x1xf32>
    tpu.vector_store %arg10[%swap3A_49, %swap3A_50], %add3A_48 {strides = array<i32>} : memref<1x1xf32, #tpu.memory_space<vmem>>, vector<1x1xf32>,
    return
  }
  func.func @transform_0(%arg0: i32, %arg1: i32) -> (i32, i32, i32) {
    %add3A = arith.constant 2 : i32
    %add3A_0 = arith.addi %arg0, %add3A : i32
    %c0_i32 = arith.constant 0 : i32
    %c0_i32_1 = arith.constant 0 : i32
    return %add3A_0, %c0_i32, %arg1 : i32, i32, i32
  }
  func.func @transform_1(%arg0: i32, %arg1: i32) -> (i32, i32) {
    %mul3A = arith.constant 1 : i32
    %mul3A_0 = arith.muli %arg0, %mul3A : i32
    %add3A = arith.addi %mul3A_0, %arg1 : i32
    %c0_i32 = arith.constant 0 : i32
    %c0_i32_1 = arith.constant 0 : i32
    return %add3A, %c0_i32 : i32, i32
  }
  func.func @transform_2(%arg0: i32, %arg1: i32) -> (i32, i32) {
    %mul3A = arith.constant 1 : i32
    %mul3A_0 = arith.muli %arg0, %mul3A : i32
    %add3A = arith.addi %mul3A_0, %arg1 : i32
    %c0_i32 = arith.constant 0 : i32
    %c0_i32_1 = arith.constant 0 : i32
    return %add3A, %c0_i32 : i32, i32
  }
  func.func @transform_5(%arg0: i32, %arg1: i32) -> (i32, i32, i32) {
    %add3A = arith.constant 2 : i32
    %add3A_0 = arith.addi %arg0, %add3A : i32
    %c0_i32 = arith.constant 0 : i32
    %c0_i32_1 = arith.constant 0 : i32
    return %add3A_0, %c0_i32, %arg1 : i32, i32, i32
  }
  func.func @transform_6(%arg0: i32, %arg1: i32) -> (i32, i32, i32) {
    %add3A = arith.constant 2 : i32
    %add3A_0 = arith.addi %arg0, %add3A : i32
    %c0_i32 = arith.constant 0 : i32
    %c0_i32_1 = arith.constant 0 : i32
    return %add3A_0, %c0_i32, %arg1 : i32, i32, i32
  }
  func.func @transform_7(%arg0: i32, %arg1: i32) -> (i32, i32) {
    %c0_i32 = arith.constant 0 : i32
    %c0_i32_0 = arith.constant 0 : i32
    %c0_i32_1 = arith.constant 0 : i32
    return %c0_i32, %c0_i32_0 : i32, i32
  }
  func.func @transform_8(%arg0: i32, %arg1: i32) -> (i32, i32) {
    %c0_i32 = arith.constant 0 : i32
    %c0_i32_0 = arith.constant 0 : i32
    %c0_i32_1 = arith.constant 0 : i32
    return %c0_i32, %c0_i32_0 : i32, i32
  }
}

</mosaic_0001>

<sc_bundles>
// kernel: kernel.12.cloned.1.call-start
scs
__scs_entry_jumppad:
0x0: {  	(pc) =	sbr.rel $0x88, $3  }
0x1: {  	(tag) =	ssettag $0x0;
	lr =	simm.s32 $0x1  }
0x2: {  	[smem:$0x3F9F] =	sst lr;
	_ =	strace $0xD0000000  }
0x3: {  	_ = 	snop  }
0x4: {  	_ = 	snop  }
0x5: {  	_ = 	snop  }
0x6: {  	_ = 	snop  }
0x7: {  	_ = 	snop  }
__scs_overlays_trampoline_lowered:
0x8: {  	[smem:$0x3FAE] =	sst s0  }
0x9: {  	[smem:$0x3FAF] =	sst s1  }
0xa: {  	[smem:$0x3FB0] =	sst s2  }
0xb: {  	[smem:$0x3FB1] =	sst s3  }
0xc: {  	[smem:$0x3FB2] =	sst s4  }
0xd: {  	[smem:$0x3FB3] =	sst s5  }
0xe: {  	[smem:$0x3FB4] =	sst s6  }
0xf: {  	[smem:$0x3FB5] =	sst s7  }
0x10: {  	[smem:$0x3FB6] =	sst s8  }
0x11: {  	[smem:$0x3FB7] =	sst s9;
	s0 =	simm.s32 @!p0 $0x0  }
0x12: {  	s1 =	sld [smem:$0x3F9D];
	s0 =	simm.s32 @p0 $0x1  }
0x13: {  	[smem:$0x3FB8] =	sst s0;
	s0 =	simm.s32 @!p1 $0x0  }
0x14: {  	s2 =	sld [smem:$0x3F9C];
	s0 =	simm.s32 @p1 $0x1  }
0x15: {  	[smem:$0x3FB9] =	sst s0;
	s0 =	simm.s32 @!p2 $0x0  }
0x16: {  	s3 =	sld [smem:$0x3FDB];
	s0 =	simm.s32 @p2 $0x1  }
0x17: {  	s4 =	simm.s32 $0x1BF5;
	[smem:$0x3FBB] =	sst s0  }
0x18: {  	s0 =	sld [smem:$0x3F9E];
	_ =	swait.ge [sflag:s4], $0x0  }
0x19: {  	s7 =	sld [smem:$0x3F9F]  }
0x1a: {  	s8 =	sadd.s32 $0xFFFFE003, lr  }
0x1b: {  	s9 =	sadd.s32 $0xFFFFFEF7, lr;
	s5 =	simm.s32 $0xFFFFFFFF;
	p2 =	slt.u32 s8, $0xFFFFF086  }
0x1c: {  	p1 =	slt.u32 s9, $0xF7A;
	s5 =	simm.s32 @!p2 $0x0  }
0x1d: {  	s5 =	simm.s32 @p1 $0x1;
	p0 =	seq.s32 s7, s2  }
0x1e: {  	s7 =	smul.u32 @!p0 $0xF7A, s2;
	p2 =	seq.s32 @!p0 s5, $0x0  }
0x1f: {  	s9 =	smul.u32 $0xF7A, s1;
	s8 =	simm.s32 @!p0 $0x1BF5;
	p2 =	por !p2, p0  }
0x20: {  	[sflag:s8] =	ssyncset.s32 @!p0 $0xFFFFF086;
	s6 =	sadd.s32 @!p0 s3, s7;
	s7 =	simm.s32 @!p0 $0x108  }
0x21: {  	s3 =	sadd.s32 s3, s9;
	s6 =	sadd.s32 @!p0 $0x88, s6;
	s7 =	simm.s32 @p2 $0x1082  }
0x22: {  	[simem:s7], [sflag:s8] =	dma.local @!p0 [hbm:s6], $0xF7A  }
0x23: {  	s9 =	sor.u32 $0xD0000000, s2;
	s6 =	simm.s32 $0x108;
	_ =	swait.ge @!p0 [sflag:s8], $0x0  }
0x24: {  	s3 =	sadd.s32 $0x88, s3;
	s6 =	simm.s32 @!p1 $0x1082;
	[sflag:s4] =	ssyncset.s32 $0xFFFFF086  }
0x25: {  	[simem:s6], [sflag:s4] =	dma.local [hbm:s3], $0xF7A  }
0x26: {  	[smem:$0x3F9F] =	sst s1;
	(tag) =	ssettag s2;
	_ =	strace s9  }
0x27: {  	s1 =	sld [smem:$0x3FAF]  }
0x28: {  	s2 =	sld [smem:$0x3FB0]  }
0x29: {  	s4 =	sld [smem:$0x3FB2]  }
0x2a: {  	p0 =	seq.s32 s5, $0x0;
	s5 =	sld [smem:$0x3FB3]  }
0x2b: {  	s6 =	sld [smem:$0x3FB4]  }
0x2c: {  	s7 =	sld [smem:$0x3FB5]  }
0x2d: {  	s3 =	simm.s32 $0x108;
	s8 =	sld [smem:$0x3FB6]  }
0x2e: {  	s3 =	simm.s32 @!p0 $0x1082;
	s9 =	sld [smem:$0x3FB7]  }
0x2f: {  	lr =	sadd.s32 s0, s3;
	s0 =	sld [smem:$0x3FAE]  }
0x30: {  	s3 =	sld [smem:$0x3FB1]  }
0x31: {  	[smem:$0x3FBA] =	sst s10  }
0x32: {  	s10 =	sld [smem:$0x3FB8];
	_ =	sdelay $0x3  }
0x33: {  	p0 =	seq.s32 s10, $0x1;
	s10 =	sld [smem:$0x3FBA];
	_ =	sdelay $0x3  }
0x34: {  	[smem:$0x3FBA] =	sst s10  }
0x35: {  	s10 =	sld [smem:$0x3FB9];
	_ =	sdelay $0x3  }
0x36: {  	p1 =	seq.s32 s10, $0x1;
	s10 =	sld [smem:$0x3FBA];
	_ =	sdelay $0x3  }
0x37: {  	[smem:$0x3FBA] =	sst s10  }
0x38: {  	s10 =	sld [smem:$0x3FBB]  }
0x39: {  	_ = 	snop;
	(pc) =	sbr.ind lr, $3  }
0x3a: {  	_ = 	snop  }
0x3b: {  	_ = 	snop  }
0x3c: {  	p2 =	seq.s32 s10, $0x1;
	s10 =	sld [smem:$0x3FBA]  }
0x3d: {  	_ =	shalt  }
0x3e: {  	_ =	shalt  }
0x3f: {  	_ =	shalt  }
0x40: {  	_ =	shalt  }
0x41: {  	_ =	shalt  }
0x42: {  	_ =	shalt  }
0x43: {  	_ =	shalt  }
0x44: {  	_ =	shalt  }
0x45: {  	_ =	shalt  }
0x46: {  	_ =	shalt  }
0x47: {  	_ =	shalt  }
0x48: {  	_ =	shalt  }
0x49: {  	_ =	shalt  }
0x4a: {  	_ =	shalt  }
0x4b: {  	_ =	shalt  }
0x4c: {  	_ =	shalt  }
0x4d: {  	_ =	shalt  }
0x4e: {  	_ =	shalt  }
0x4f: {  	_ =	shalt  }
0x50: {  	_ =	shalt  }
0x51: {  	_ =	shalt  }
0x52: {  	_ =	shalt  }
0x53: {  	_ =	shalt  }
0x54: {  	_ =	shalt  }
0x55: {  	_ =	shalt  }
0x56: {  	_ =	shalt  }
0x57: {  	_ =	shalt  }
0x58: {  	_ =	shalt  }
0x59: {  	_ =	shalt  }
0x5a: {  	_ =	shalt  }
0x5b: {  	_ =	shalt  }
0x5c: {  	_ =	shalt  }
0x5d: {  	_ =	shalt  }
0x5e: {  	_ =	shalt  }
0x5f: {  	_ =	shalt  }
0x60: {  	_ =	shalt  }
0x61: {  	_ =	shalt  }
0x62: {  	_ =	shalt  }
0x63: {  	_ =	shalt  }
0x64: {  	_ =	shalt  }
0x65: {  	_ =	shalt  }
0x66: {  	_ =	shalt  }
0x67: {  	_ =	shalt  }
0x68: {  	_ =	shalt  }
0x69: {  	_ =	shalt  }
0x6a: {  	_ =	shalt  }
0x6b: {  	_ =	shalt  }
0x6c: {  	_ =	shalt  }
0x6d: {  	_ =	shalt  }
0x6e: {  	_ =	shalt  }
0x6f: {  	_ =	shalt  }
0x70: {  	_ =	shalt  }
0x71: {  	_ =	shalt  }
0x72: {  	_ =	shalt  }
0x73: {  	_ =	shalt  }
0x74: {  	_ =	shalt  }
0x75: {  	_ =	shalt  }
0x76: {  	_ =	shalt  }
0x77: {  	_ =	shalt  }
0x78: {  	_ =	shalt  }
0x79: {  	_ =	shalt  }
0x7a: {  	_ =	shalt  }
0x7b: {  	_ =	shalt  }
0x7c: {  	_ =	shalt  }
0x7d: {  	_ =	shalt  }
0x7e: {  	_ =	shalt  }
0x7f: {  	_ =	shalt  }
0x80: {  	_ =	shalt  }
0x81: {  	_ =	shalt  }
0x82: {  	_ =	shalt  }
0x83: {  	_ =	shalt  }
0x84: {  	_ =	shalt  }
0x85: {  	_ =	shalt  }
0x86: {  	_ =	shalt  }
0x87: {  	_ =	shalt  }
.Lfunc_end0:
.L_simem_size_0:
called_computation_lowered:
.L_overlay_start_0:
0x88: {  	s2 =	sld [smem:$0x3FD9]  }
0x89: {  	s3 =	sld [smem:$0x3FFE];
	_ =	sdelay $0x1  }
0x8a: {  	s1 =	srdreg.scid  }
0x8b: {  	s0 =	sand.u32 $0x1, s1  }
0x8c: {  	s15 =	sshll.u32 s0, $0xA;
	s2 =	sadd.s32 s3, s2  }
0x8d: {  	s2 =	sadd.s32 s2, s15  }
0x8e: {  	[smem:$0x3FC6] =	sst s2  }
0x8f: {  	_ = 	snop  }
0x90: {  	s2 =	sld [smem:$0x3FD0];
	_ =	sdelay $0x2  }
0x91: {  	s4 =	simm.s32 $0xB;
	s5 =	simm.s32 $0x10;
	s16 =	sld [smem:$0x3FC8]  }
0x92: {  	[smem:s5], [sflag:s4] =	dma.local [hbm:s2], $0x1  }
0x93: {  	_ =	swait.eq [sflag:s4], $0x1  }
0x94: {  	[sflag:s4] =	ssyncset.done $0x0  }
0x95: {  	s17 =	sld [smem:$0x10];
	[sflag:s4] =	ssyncadd.s32 $0xFFFFFFFF  }
0x96: {  	s18 =	sld [smem:$0x11];
	(tm) =	ssettm $0x1  }
0x97: {  	s19 =	sld [smem:$0x3FFB];
	_ =	sdelay $0x3  }
0x98: {  	_ =	strace s19  }
0x99: {  	s5 =	sld [smem:$0x3FFC];
	_ =	sdelay $0x3  }
0x9a: {  	_ =	strace s5  }
0x9b: {  	s5 =	sld [smem:$0x3FFD];
	_ =	sdelay $0x3  }
0x9c: {  	_ =	strace s5  }
0x9d: {  	_ =	strace $0x8FFFFFFF  }
0x9e: {  	s20 =	sld [smem:$0x3FDB];
	_ =	sdelay $0x1  }
0x9f: {  	s6 =	simm.s32 $_scs_section_size  }
0xa0: {  	s7 =	simm.s32 $_size__tile_overlayer_lowered;
	s8 =	simm.s32 $_tile_overlayer_lowered  }
0xa1: {  	s23 =	simm.s32 $0x1BFF;
	s22 =	sshll.u32 s8, $0x1;
	s5 =	sadd.s32 s6, s20  }
0xa2: {  	s9 =	simm.s32 $0x0;
	s21 =	sshll.u32 s7, $0x1;
	s7 =	sadd.s32 s22, s5  }
0xa3: {  	[timem:s9], [sflag:s23] =	dma.local [hbm:s7], s21  }
0xa4: {  	_ =	swait.ge [sflag:s23], s21  }
0xa5: {  	s6 =	ssub.s32 $0x0, s21;
	[sflag:s23] =	ssyncset.done $0x0  }
0xa6: {  	[sflag:s23] =	ssyncadd.s32 s6;
	_ =	sdelay $0x1  }
0xa7: {  	s24 =	simm.s32 $0x1B8B  }
0xa8: {  	_ =	swait.ge [sflag:s24], $0x1  }
0xa9: {  	[sflag:s24] =	ssyncset.done $0x0  }
0xaa: {  	s25 =	simm.s32 $0x1B8E;
	[sflag:s24] =	ssyncadd.s32 $0xFFFFFFFF  }
0xab: {  	s26 =	simm.s32 $execute0_lowered;
	[smem:$0x3FD2] =	sst s25  }
0xac: {  	s6 =	sshll.u32 s26, $0x1;
	_ =	strace $0x80000046;
	[dreg:$0x1] =	wrdreg $0xFFFFFFFF  }
0xad: {  	s28 =	simm.s32 $_size_execute0_lowered;
	s5 =	sadd.s32 s5, s6;
	[dreg:$0x0] =	wrdreg $0x0  }
0xae: {  	s6 =	sshll.u32 s28, $0x1;
	[dreg:$0x2] =	wrdreg s5  }
0xaf: {  	[dreg:$0x3] =	wrdreg s6  }
0xb0: {  	[dreg:$0x4] =	wrdreg $0xC0  }
0xb1: {  	_ =	task [dreg:s9], $0x5FFFF  }
0xb2: {  	[dreg:$0x1] =	wrdreg $0xFFFFFFFF  }
0xb3: {  	[dreg:$0x0] =	wrdreg $0x60  }
0xb4: {  	[dreg:$0x2] =	wrdreg s16  }
0xb5: {  	[dreg:$0x3] =	wrdreg s17  }
0xb6: {  	[dreg:$0x4] =	wrdreg s18  }
0xb7: {  	[dreg:$0x5] =	wrdreg $0xA  }
0xb8: {  	_ =	task.clear_ibuf [dreg:s9], $0x6FFFF;
	_ =	strace $0x90000046  }
0xb9: {  	s29 =	simm.s32 $0xA;
	_ =	strace $0x80000048  }
0xba: {  	_ =	swait.ge [sflag:s29], $0x1  }
0xbb: {  	[sflag:s29] =	ssyncadd.s32 $0xFFFFFFFF  }
0xbc: {  	_ =	strace $0x90000048  }
0xbd: {  	_ =	sfence  }
0xbe: {  	s30 =	sld [smem:$0x0];
	_ =	sdelay $0x2  }
0xbf: {  	s31 =	sshll.u32 s1, $0xD;
	s1 =	sshrl.u32 s1, $0x2  }
0xc0: {  	s3 =	sand.u32 $0x4000, s31;
	s1 =	sadd.s32 s1, s30  }
0xc1: {  	s0 =	sor.u32 s3, s0;
	s1 =	sshll.u32 s1, $0x11  }
0xc2: {  	s0 =	sor.u32 s1, s0  }
0xc3: {  	s0 =	sadd.s32 $0x8F2B, s0  }
0xc4: {  	[sflag:s0] =	ssyncadd.remote.s32 $0x1  }
0xc5: {  	_ =	sfence.sel $0xFFFF  }
0xc6: {  	[dreg:$0x0] =	wrdreg $0xFFFFFFFF;
	(pc) =	sbr.abs _section_cstart, $3  }
0xc7: {  	[dreg:$0x1] =	wrdreg $0xFFFFFFFF  }
0xc8: {  	_ =	task.clear_ibuf [dreg:s9], $0x2FFFF;
	_ =	strace $0x9FFFFFFF  }
0xc9: {  	(tm) =	ssettm $0x7FFFFFFF  }
tec
execute0_lowered:
.L_overlay_start_1:
0x0: {  	(tag) =	ssettag $0x1  }
0x1: {  	s1 =	rddreg [dreg:$0x0];
	s2 =	srdreg.scid  }
0x2: {  	s4 =	rddreg [dreg:$0x1];
	s0 =	stileid.u32  }
0x3: {  	s5 =	rddreg [dreg:$0x2];
	s3 =	simm.s32 $0x0;
	s16 =	simm.s32 $0x880  }
0x4: {  	s17 =	simm.s32 $0x1080;
	s18 =	simm.s32 $0x1880;
	[smem:$0x7FF] =	sst s3  }
0x5: {  	s20 =	simm.s32 $0x2080;
	_ =	strace $0x80000047;
	[dreg:$0x8] =	wrdreg s16  }
0x6: {  	s21 =	simm.s32 $0x2880;
	s22 =	simm.s32 $0x3080;
	[dreg:$0x9] =	wrdreg s17  }
0x7: {  	s8 =	simm.s32 $0x3880;
	s9 =	simm.s32 $0x4880;
	[dreg:$0xa] =	wrdreg s18  }
0x8: {  	s23 =	simm.s32 $0x5080;
	s24 =	simm.s32 $0x5880;
	[dreg:$0xb] =	wrdreg s20  }
0x9: {  	s10 =	simm.s32 $0x80;
	s25 =	simm.s32 $0x6080;
	[dreg:$0xc] =	wrdreg s21  }
0xa: {  	s11 =	simm.s32 $0x4080;
	s26 =	simm.s32 $0x6880;
	[dreg:$0xd] =	wrdreg s22  }
0xb: {  	s13 =	simm.s32 $0x7880;
	s28 =	simm.s32 $0xE880;
	[dreg:$0xe] =	wrdreg s8  }
0xc: {  	s29 =	simm.s32 $0xF080;
	s30 =	simm.s32 $0xF880;
	[dreg:$0xf] =	wrdreg s9  }
0xd: {  	s31 =	simm.s32 $0x1;
	s2 =	sand.u32 $0x1, s2;
	[dreg:$0x10] =	wrdreg s23  }
0xe: {  	s6 =	sshll.u32 s0, $0x7;
	s7 =	sshll.u32 s2, $0x6;
	[dreg:$0x11] =	wrdreg s24  }
0xf: {  	s2 =	ssub.s32 $0x2, s2;
	s9 =	simm.s32 $0x3;
	[dreg:$0x12] =	wrdreg s25  }
0x10: {  	[dreg:$0x13] =	wrdreg s26;
	s16 =	simm.s32 $0x9080;
	s17 =	simm.s32 $0x9880  }
0x11: {  	s18 =	simm.s32 $0xA080;
	s20 =	simm.s32 $0xB080;
	s21 =	simm.s32 $0xB880  }
0x12: {  	s22 =	simm.s32 $0xC080;
	s23 =	simm.s32 $0xC880;
	s24 =	simm.s32 $0xD080  }
0x13: {  	s25 =	simm.s32 $0xD880;
	s26 =	simm.s32 $0xE080;
	s6 =	sor.u32 s7, s6  }
0x14: {  	s19 =	sshrl.u32 s2, $0x1;
	s7 =	sshrl.u32 s6, $0x3;
	s6 =	sshll.u32 s6, $0x7  }
0x15: {  	s2 =	ssub.s32 s2, s19;
	s7 =	sadd.s32 s4, s7;
	s4 =	sadd.s32 s5, s6  }
0x16: {  	s19 =	simm.s32 $0xA880;
	[dreg:$0x4] =	wrdreg s7;
	s5 =	sadd.s32 $0x800, s4  }
0x17: {  	s6 =	sadd.s32 $0x200, s1;
	s14 =	sadd.s32 $0x1000, s4;
	[dreg:$0x5] =	wrdreg s5  }
0x18: {  	v2 =	vlaneseq.u32;
	s8 =	smax.u32 s2, $0x1;
	s15 =	sadd.s32 $0x1800, s4;
	[dreg:$0x6] =	wrdreg s14  }
0x19: {  	vm0 =	vmmov $0xffff;
	v1 =	vshrl.u32 v2, $0x3;
	s2 =	simm.s32 $0x2;
	s7 =	sadd.s32 $0x300, s1;
	[dreg:$0x7] =	wrdreg s15  }
0x1a: {  	v0 =	vand.u32 $0x7, v2;
	v2 =	vor.u32 $0x8, v2;
	v1 =	vmul.u32 $0x8, v1;
	s5 =	sadd.s32 $0x100, s1;
	s14 =	simm.s32 $0x8080;
	s15 =	simm.s32 $0x8880  }
.LBB2_1:
0x1b: {  	s0 =	rddreg [dreg:$0x4]  }
0x1c: {  	[tilespmem:s3], [sflag:$0x3] =	stream.linear.gather [hbm4b:s0+s3], $0x40, $0x38;
	[tilespmem:$0x10080] =	vst v63  }
0x1d: {  	_ =	swait.ge [sflag:s9], $0x40  }
0x1e: {  	[sflag:s9] =	ssyncset.done $0x0  }
0x1f: {  	[sflag:s9] =	ssyncadd.s32 $0xFFFFFFC0  }
0x20: {  	v3 =	vld [tilespmem:$0x0];
	_ =	sdelay $0x4  }
0x21: {  	v4 =	vshll.u32 v3, $0x3  }
0x22: {  	v3 =	vand.u32 $0x7, v3;
	v4 =	vand.u32 $0xFFFFFFC0, v4  }
0x23: {  	v3 =	vor.u32 v3, v4  }
0x24: {  	v4 =	vperm.xlane v3, v0;
	_ =	sdelay $0x1  }
0x25: {  	v4 =	vadd.s32 v1, v4;
	_ =	sdelay $0x4  }
0x26: {  	[tilespmem:s10], [sflag:$0x1] =	stream.indirect_vreg.gather [hbm4b:s1+s3], $0x80, v4, vm0, $0xb8;
	[tilespmem:$0x10080] =	vst v63  }
0x27: {  	s0 =	rddreg [dreg:$0x8];
	v3 =	vperm.xlane v3, v2  }
0x28: {  	[tilespmem:s0], [sflag:$0x1] =	stream.indirect_vreg.gather [hbm4b:s5+s3], $0x80, v4, vm0, $0xb8;
	[tilespmem:$0x10080] =	vst v63  }
0x29: {  	s12 =	rddreg [dreg:$0x9];
	v3 =	vadd.s32 v1, v3  }
0x2a: {  	[tilespmem:s12], [sflag:$0x1] =	stream.indirect_vreg.gather [hbm4b:s6+s3], $0x80, v4, vm0, $0xb8;
	[tilespmem:$0x10080] =	vst v63  }
0x2b: {  	s0 =	rddreg [dreg:$0xa]  }
0x2c: {  	[tilespmem:s0], [sflag:$0x1] =	stream.indirect_vreg.gather [hbm4b:s7+s3], $0x80, v4, vm0, $0xb8;
	[tilespmem:$0x10080] =	vst v63  }
0x2d: {  	s12 =	rddreg [dreg:$0xb]  }
0x2e: {  	[tilespmem:s12], [sflag:$0x1] =	stream.indirect_vreg.gather [hbm4b:s1+s3], $0x80, v3, vm0, $0xb8;
	[tilespmem:$0x10080] =	vst v63  }
0x2f: {  	s0 =	rddreg [dreg:$0xc]  }
0x30: {  	[tilespmem:s0], [sflag:$0x1] =	stream.indirect_vreg.gather [hbm4b:s5+s3], $0x80, v3, vm0, $0xb8;
	[tilespmem:$0x10080] =	vst v63  }
0x31: {  	s12 =	rddreg [dreg:$0xd]  }
0x32: {  	[tilespmem:s12], [sflag:$0x1] =	stream.indirect_vreg.gather [hbm4b:s6+s3], $0x80, v3, vm0, $0xb8;
	[tilespmem:$0x10080] =	vst v63  }
0x33: {  	s0 =	rddreg [dreg:$0xe]  }
0x34: {  	[tilespmem:s0], [sflag:$0x1] =	stream.indirect_vreg.gather [hbm4b:s7+s3], $0x80, v3, vm0, $0xb8;
	[tilespmem:$0x10080] =	vst v63  }
0x35: {  	v3 =	vld [tilespmem:$0x10];
	_ =	sdelay $0x4  }
0x36: {  	v61 =	vshll.u32 v3, $0x3  }
0x37: {  	v3 =	vand.u32 $0x7, v3;
	v4 =	vand.u32 $0xFFFFFFC0, v61  }
0x38: {  	v3 =	vor.u32 v3, v4  }
0x39: {  	v4 =	vperm.xlane v3, v0;
	_ =	sdelay $0x1  }
0x3a: {  	v4 =	vadd.s32 v1, v4;
	_ =	sdelay $0x4  }
0x3b: {  	[tilespmem:s11], [sflag:$0x1] =	stream.indirect_vreg.gather [hbm4b:s1+s3], $0x80, v4, vm0, $0xb8;
	[tilespmem:$0x10080] =	vst v63  }
0x3c: {  	s0 =	rddreg [dreg:$0xf];
	v3 =	vperm.xlane v3, v2  }
0x3d: {  	[tilespmem:s0], [sflag:$0x1] =	stream.indirect_vreg.gather [hbm4b:s5+s3], $0x80, v4, vm0, $0xb8;
	[tilespmem:$0x10080] =	vst v63  }
0x3e: {  	s12 =	rddreg [dreg:$0x10];
	v3 =	vadd.s32 v1, v3  }
0x3f: {  	[tilespmem:s12], [sflag:$0x1] =	stream.indirect_vreg.gather [hbm4b:s6+s3], $0x80, v4, vm0, $0xb8;
	[tilespmem:$0x10080] =	vst v63  }
0x40: {  	s0 =	rddreg [dreg:$0x11]  }
0x41: {  	[tilespmem:s0], [sflag:$0x1] =	stream.indirect_vreg.gather [hbm4b:s7+s3], $0x80, v4, vm0, $0xb8;
	[tilespmem:$0x10080] =	vst v63  }
0x42: {  	s12 =	rddreg [dreg:$0x12]  }
0x43: {  	[tilespmem:s12], [sflag:$0x1] =	stream.indirect_vreg.gather [hbm4b:s1+s3], $0x80, v3, vm0, $0xb8;
	[tilespmem:$0x10080] =	vst v63  }
0x44: {  	s0 =	rddreg [dreg:$0x13]  }
0x45: {  	[tilespmem:s0], [sflag:$0x1] =	stream.indirect_vreg.gather [hbm4b:s5+s3], $0x80, v3, vm0, $0xb8;
	[tilespmem:$0x10080] =	vst v63  }
0x46: {  	s12 =	simm.s32 $0x7080  }
0x47: {  	[tilespmem:s12], [sflag:$0x1] =	stream.indirect_vreg.gather [hbm4b:s6+s3], $0x80, v3, vm0, $0xb8;
	[tilespmem:$0x10080] =	vst v63  }
0x48: {  	_ = 	snop  }
0x49: {  	[tilespmem:s13], [sflag:$0x1] =	stream.indirect_vreg.gather [hbm4b:s7+s3], $0x80, v3, vm0, $0xb8;
	[tilespmem:$0x10080] =	vst v63  }
0x4a: {  	v3 =	vld [tilespmem:$0x20];
	_ =	sdelay $0x4  }
0x4b: {  	v62 =	vshll.u32 v3, $0x3  }
0x4c: {  	v3 =	vand.u32 $0x7, v3;
	v4 =	vand.u32 $0xFFFFFFC0, v62  }
0x4d: {  	v3 =	vor.u32 v3, v4  }
0x4e: {  	v4 =	vperm.xlane v3, v0;
	_ =	sdelay $0x1  }
0x4f: {  	v4 =	vadd.s32 v1, v4;
	_ =	sdelay $0x4  }
0x50: {  	[tilespmem:s14], [sflag:$0x1] =	stream.indirect_vreg.gather [hbm4b:s1+s3], $0x80, v4, vm0, $0xb8;
	[tilespmem:$0x10080] =	vst v63  }
0x51: {  	v3 =	vperm.xlane v3, v2  }
0x52: {  	[tilespmem:s15], [sflag:$0x1] =	stream.indirect_vreg.gather [hbm4b:s5+s3], $0x80, v4, vm0, $0xb8;
	[tilespmem:$0x10080] =	vst v63  }
0x53: {  	v3 =	vadd.s32 v1, v3  }
0x54: {  	[tilespmem:s16], [sflag:$0x1] =	stream.indirect_vreg.gather [hbm4b:s6+s3], $0x80, v4, vm0, $0xb8;
	[tilespmem:$0x10080] =	vst v63  }
0x55: {  	_ = 	snop  }
0x56: {  	[tilespmem:s17], [sflag:$0x1] =	stream.indirect_vreg.gather [hbm4b:s7+s3], $0x80, v4, vm0, $0xb8;
	[tilespmem:$0x10080] =	vst v63  }
0x57: {  	_ = 	snop  }
0x58: {  	[tilespmem:s18], [sflag:$0x1] =	stream.indirect_vreg.gather [hbm4b:s1+s3], $0x80, v3, vm0, $0xb8;
	[tilespmem:$0x10080] =	vst v63  }
0x59: {  	_ = 	snop  }
0x5a: {  	[tilespmem:s19], [sflag:$0x1] =	stream.indirect_vreg.gather [hbm4b:s5+s3], $0x80, v3, vm0, $0xb8;
	[tilespmem:$0x10080] =	vst v63  }
0x5b: {  	_ = 	snop  }
0x5c: {  	[tilespmem:s20], [sflag:$0x1] =	stream.indirect_vreg.gather [hbm4b:s6+s3], $0x80, v3, vm0, $0xb8;
	[tilespmem:$0x10080] =	vst v63  }
0x5d: {  	_ = 	snop  }
0x5e: {  	[tilespmem:s21], [sflag:$0x1] =	stream.indirect_vreg.gather [hbm4b:s7+s3], $0x80, v3, vm0, $0xb8;
	[tilespmem:$0x10080] =	vst v63  }
0x5f: {  	v3 =	vld [tilespmem:$0x30];
	_ =	sdelay $0x4  }
0x60: {  	v63 =	vshll.u32 v3, $0x3  }
0x61: {  	v3 =	vand.u32 $0x7, v3;
	v4 =	vand.u32 $0xFFFFFFC0, v63  }
0x62: {  	v3 =	vor.u32 v3, v4  }
0x63: {  	v4 =	vperm.xlane v3, v0;
	_ =	sdelay $0x1  }
0x64: {  	v4 =	vadd.s32 v1, v4;
	_ =	sdelay $0x4  }
0x65: {  	[tilespmem:s22], [sflag:$0x1] =	stream.indirect_vreg.gather [hbm4b:s1+s3], $0x80, v4, vm0, $0xb8;
	[tilespmem:$0x10080] =	vst v63  }
0x66: {  	v3 =	vperm.xlane v3, v2  }
0x67: {  	[tilespmem:s23], [sflag:$0x1] =	stream.indirect_vreg.gather [hbm4b:s5+s3], $0x80, v4, vm0, $0xb8;
	[tilespmem:$0x10080] =	vst v63  }
0x68: {  	v3 =	vadd.s32 v1, v3  }
0x69: {  	[tilespmem:s24], [sflag:$0x1] =	stream.indirect_vreg.gather [hbm4b:s6+s3], $0x80, v4, vm0, $0xb8;
	[tilespmem:$0x10080] =	vst v63  }
0x6a: {  	_ = 	snop  }
0x6b: {  	[tilespmem:s25], [sflag:$0x1] =	stream.indirect_vreg.gather [hbm4b:s7+s3], $0x80, v4, vm0, $0xb8;
	[tilespmem:$0x10080] =	vst v63  }
0x6c: {  	_ = 	snop  }
0x6d: {  	[tilespmem:s26], [sflag:$0x1] =	stream.indirect_vreg.gather [hbm4b:s1+s3], $0x80, v3, vm0, $0xb8;
	[tilespmem:$0x10080] =	vst v63  }
0x6e: {  	_ = 	snop  }
0x6f: {  	[tilespmem:s28], [sflag:$0x1] =	stream.indirect_vreg.gather [hbm4b:s5+s3], $0x80, v3, vm0, $0xb8;
	[tilespmem:$0x10080] =	vst v63  }
0x70: {  	_ = 	snop  }
0x71: {  	[tilespmem:s29], [sflag:$0x1] =	stream.indirect_vreg.gather [hbm4b:s6+s3], $0x80, v3, vm0, $0xb8;
	[tilespmem:$0x10080] =	vst v63  }
0x72: {  	_ = 	snop  }
0x73: {  	[tilespmem:s30], [sflag:$0x1] =	stream.indirect_vreg.gather [hbm4b:s7+s3], $0x80, v3, vm0, $0xb8;
	[tilespmem:$0x10080] =	vst v63  }
0x74: {  	_ =	swait.ge [sflag:s31], $0x4000  }
0x75: {  	[sflag:s31] =	ssyncset.done $0x0  }
0x76: {  	[sflag:s31] =	ssyncadd.s32 $0xFFFFC000  }
0x77: {  	[hbm4b:s4+s3] =	stream.linear.scatter [tilespmem:s10], [sflag:$0x2], $0x4000, $0x38;
	[tilespmem:$0x10080] =	vst v63  }
0x78: {  	_ =	swait.ge [sflag:s31], $0x4000  }
0x79: {  	[sflag:s31] =	ssyncset.done $0x0  }
0x7a: {  	s12 =	rddreg [dreg:$0x5];
	[sflag:s31] =	ssyncadd.s32 $0xFFFFC000  }
0x7b: {  	[hbm4b:s12+s3] =	stream.linear.scatter [tilespmem:s11], [sflag:$0x2], $0x4000, $0x38;
	[tilespmem:$0x10080] =	vst v63  }
0x7c: {  	_ =	swait.ge [sflag:s31], $0x4000  }
0x7d: {  	[sflag:s31] =	ssyncset.done $0x0  }
0x7e: {  	s12 =	rddreg [dreg:$0x6];
	[sflag:s31] =	ssyncadd.s32 $0xFFFFC000  }
0x7f: {  	[hbm4b:s12+s3] =	stream.linear.scatter [tilespmem:s14], [sflag:$0x2], $0x4000, $0x38;
	[tilespmem:$0x10080] =	vst v63  }
0x80: {  	_ =	swait.ge [sflag:s31], $0x4000  }
0x81: {  	[sflag:s31] =	ssyncset.done $0x0  }
0x82: {  	s12 =	rddreg [dreg:$0x7];
	[sflag:s31] =	ssyncadd.s32 $0xFFFFC000  }
0x83: {  	[hbm4b:s12+s3] =	stream.linear.scatter [tilespmem:s22], [sflag:$0x2], $0x4000, $0x38;
	[tilespmem:$0x10080] =	vst v63  }
0x84: {  	_ =	swait.ge [sflag:s2], $0x4000  }
0x85: {  	[sflag:s2] =	ssyncset.done $0x0  }
0x86: {  	[sflag:s2] =	ssyncadd.s32 $0xFFFFC000  }
0x87: {  	_ =	swait.ge [sflag:s2], $0x4000  }
0x88: {  	[sflag:s2] =	ssyncset.done $0x0  }
0x89: {  	[sflag:s2] =	ssyncadd.s32 $0xFFFFC000  }
0x8a: {  	p0 =	sne.s32 s8, $0x1;
	_ =	swait.ge [sflag:s2], $0x4000  }
.Ltmp0:
0x8b: {  	[sflag:s2] =	ssyncset.done $0x0;
	(pc) =	sbr.rel @p0 .LBB2_1-.Ltmp0, $4  }
0x8c: {  	[sflag:s2] =	ssyncadd.s32 $0xFFFFC000  }
0x8d: {  	_ =	swait.ge [sflag:s2], $0x4000  }
0x8e: {  	[sflag:s2] =	ssyncset.done $0x0  }
0x8f: {  	s8 =	sadd.s32 $0xFFFFFFFF, s8;
	[sflag:s2] =	ssyncadd.s32 $0xFFFFC000  }
0x90: {  	_ =	sfence.sel $0x180000  }
0x91: {  	[bflag:$0x0] =	sbarrier.arrive $0xFFFF  }
0x92: {  	_ =	strace $0x90000047  }
0x93: {  	s0 =	stileid.u32;
	[bflag:$0x2] =	sbarrier.arrive $0xFFFF  }
0x94: {  	p0 =	sne.s32 s0, $0x0;
	s0 =	rddreg [dreg:$0x3]  }
0x95: {  	s0 =	sadd.s32 @!p0 $0x100000, s0  }
0x96: {  	[sflag:s0] =	ssyncadd.tile.s32 @!p0 $0x1;
	_ =	shalt  }
.Lfunc_end2:
_tile_overlayer_lowered:
.L_overlay_start_2:
0x97: {  	(tag) =	ssettag $0x2  }
0x98: {  	s0 =	rddreg [dreg:$0x0];
	s2 =	stileid.u32  }
0x99: {  	s1 =	rddreg [dreg:$0x1];
	p0 =	sne.s32 s2, $0x0  }
0x9a: {  	s3 =	rddreg [dreg:$0x2];
	[bflag:$0x3] =	sbarrier.arrive $0xFFFF;
	s2 =	simm.s32 @!p0 $0x1C03  }
0x9b: {  	[timem:s3], [sflag:s2] =	dma.local @!p0 [hbm:s0], s1  }
0x9c: {  	s0 =	simm.s32 @!p0 $0x3  }
0x9d: {  	_ =	swait.ge @!p0 [sflag:s0], s1  }
0x9e: {  	s1 =	ssub.s32 @!p0 $0x0, s1;
	[sflag:s0] =	ssyncset.done @!p0 $0x0  }
0x9f: {  	[sflag:s0] =	ssyncadd.s32 @!p0 s1  }
0xa0: {  	[bflag:$0x3] =	sbarrier.arrive $0xFFFF  }
0xa1: {  	_ =	shalt  }

// kernel: kernel.15.cloned.1.call-start
scs
__scs_entry_jumppad:
0x0: {  	(pc) =	sbr.rel $0x88, $3  }
0x1: {  	(tag) =	ssettag $0x0;
	lr =	simm.s32 $0x1  }
0x2: {  	[smem:$0x3F9F] =	sst lr;
	_ =	strace $0xD0000000  }
0x3: {  	_ = 	snop  }
0x4: {  	_ = 	snop  }
0x5: {  	_ = 	snop  }
0x6: {  	_ = 	snop  }
0x7: {  	_ = 	snop  }
__scs_overlays_trampoline_lowered:
0x8: {  	[smem:$0x3FAE] =	sst s0  }
0x9: {  	[smem:$0x3FAF] =	sst s1  }
0xa: {  	[smem:$0x3FB0] =	sst s2  }
0xb: {  	[smem:$0x3FB1] =	sst s3  }
0xc: {  	[smem:$0x3FB2] =	sst s4  }
0xd: {  	[smem:$0x3FB3] =	sst s5  }
0xe: {  	[smem:$0x3FB4] =	sst s6  }
0xf: {  	[smem:$0x3FB5] =	sst s7  }
0x10: {  	[smem:$0x3FB6] =	sst s8  }
0x11: {  	[smem:$0x3FB7] =	sst s9;
	s0 =	simm.s32 @!p0 $0x0  }
0x12: {  	s1 =	sld [smem:$0x3F9D];
	s0 =	simm.s32 @p0 $0x1  }
0x13: {  	[smem:$0x3FB8] =	sst s0;
	s0 =	simm.s32 @!p1 $0x0  }
0x14: {  	s2 =	sld [smem:$0x3F9C];
	s0 =	simm.s32 @p1 $0x1  }
0x15: {  	[smem:$0x3FB9] =	sst s0;
	s0 =	simm.s32 @!p2 $0x0  }
0x16: {  	s3 =	sld [smem:$0x3FDB];
	s0 =	simm.s32 @p2 $0x1  }
0x17: {  	s4 =	simm.s32 $0x1BF5;
	[smem:$0x3FBB] =	sst s0  }
0x18: {  	s0 =	sld [smem:$0x3F9E];
	_ =	swait.ge [sflag:s4], $0x0  }
0x19: {  	s7 =	sld [smem:$0x3F9F]  }
0x1a: {  	s8 =	sadd.s32 $0xFFFFE003, lr  }
0x1b: {  	s9 =	sadd.s32 $0xFFFFFEF7, lr;
	s5 =	simm.s32 $0xFFFFFFFF;
	p2 =	slt.u32 s8, $0xFFFFF086  }
0x1c: {  	p1 =	slt.u32 s9, $0xF7A;
	s5 =	simm.s32 @!p2 $0x0  }
0x1d: {  	s5 =	simm.s32 @p1 $0x1;
	p0 =	seq.s32 s7, s2  }
0x1e: {  	s7 =	smul.u32 @!p0 $0xF7A, s2;
	p2 =	seq.s32 @!p0 s5, $0x0  }
0x1f: {  	s9 =	smul.u32 $0xF7A, s1;
	s8 =	simm.s32 @!p0 $0x1BF5;
	p2 =	por !p2, p0  }
0x20: {  	[sflag:s8] =	ssyncset.s32 @!p0 $0xFFFFF086;
	s6 =	sadd.s32 @!p0 s3, s7;
	s7 =	simm.s32 @!p0 $0x108  }
0x21: {  	s3 =	sadd.s32 s3, s9;
	s6 =	sadd.s32 @!p0 $0x88, s6;
	s7 =	simm.s32 @p2 $0x1082  }
0x22: {  	[simem:s7], [sflag:s8] =	dma.local @!p0 [hbm:s6], $0xF7A  }
0x23: {  	s9 =	sor.u32 $0xD0000000, s2;
	s6 =	simm.s32 $0x108;
	_ =	swait.ge @!p0 [sflag:s8], $0x0  }
0x24: {  	s3 =	sadd.s32 $0x88, s3;
	s6 =	simm.s32 @!p1 $0x1082;
	[sflag:s4] =	ssyncset.s32 $0xFFFFF086  }
0x25: {  	[simem:s6], [sflag:s4] =	dma.local [hbm:s3], $0xF7A  }
0x26: {  	[smem:$0x3F9F] =	sst s1;
	(tag) =	ssettag s2;
	_ =	strace s9  }
0x27: {  	s1 =	sld [smem:$0x3FAF]  }
0x28: {  	s2 =	sld [smem:$0x3FB0]  }
0x29: {  	s4 =	sld [smem:$0x3FB2]  }
0x2a: {  	p0 =	seq.s32 s5, $0x0;
	s5 =	sld [smem:$0x3FB3]  }
0x2b: {  	s6 =	sld [smem:$0x3FB4]  }
0x2c: {  	s7 =	sld [smem:$0x3FB5]  }
0x2d: {  	s3 =	simm.s32 $0x108;
	s8 =	sld [smem:$0x3FB6]  }
0x2e: {  	s3 =	simm.s32 @!p0 $0x1082;
	s9 =	sld [smem:$0x3FB7]  }
0x2f: {  	lr =	sadd.s32 s0, s3;
	s0 =	sld [smem:$0x3FAE]  }
0x30: {  	s3 =	sld [smem:$0x3FB1]  }
0x31: {  	[smem:$0x3FBA] =	sst s10  }
0x32: {  	s10 =	sld [smem:$0x3FB8];
	_ =	sdelay $0x3  }
0x33: {  	p0 =	seq.s32 s10, $0x1;
	s10 =	sld [smem:$0x3FBA];
	_ =	sdelay $0x3  }
0x34: {  	[smem:$0x3FBA] =	sst s10  }
0x35: {  	s10 =	sld [smem:$0x3FB9];
	_ =	sdelay $0x3  }
0x36: {  	p1 =	seq.s32 s10, $0x1;
	s10 =	sld [smem:$0x3FBA];
	_ =	sdelay $0x3  }
0x37: {  	[smem:$0x3FBA] =	sst s10  }
0x38: {  	s10 =	sld [smem:$0x3FBB]  }
0x39: {  	_ = 	snop;
	(pc) =	sbr.ind lr, $3  }
0x3a: {  	_ = 	snop  }
0x3b: {  	_ = 	snop  }
0x3c: {  	p2 =	seq.s32 s10, $0x1;
	s10 =	sld [smem:$0x3FBA]  }
0x3d: {  	_ =	shalt  }
0x3e: {  	_ =	shalt  }
0x3f: {  	_ =	shalt  }
0x40: {  	_ =	shalt  }
0x41: {  	_ =	shalt  }
0x42: {  	_ =	shalt  }
0x43: {  	_ =	shalt  }
0x44: {  	_ =	shalt  }
0x45: {  	_ =	shalt  }
0x46: {  	_ =	shalt  }
0x47: {  	_ =	shalt  }
0x48: {  	_ =	shalt  }
0x49: {  	_ =	shalt  }
0x4a: {  	_ =	shalt  }
0x4b: {  	_ =	shalt  }
0x4c: {  	_ =	shalt  }
0x4d: {  	_ =	shalt  }
0x4e: {  	_ =	shalt  }
0x4f: {  	_ =	shalt  }
0x50: {  	_ =	shalt  }
0x51: {  	_ =	shalt  }
0x52: {  	_ =	shalt  }
0x53: {  	_ =	shalt  }
0x54: {  	_ =	shalt  }
0x55: {  	_ =	shalt  }
0x56: {  	_ =	shalt  }
0x57: {  	_ =	shalt  }
0x58: {  	_ =	shalt  }
0x59: {  	_ =	shalt  }
0x5a: {  	_ =	shalt  }
0x5b: {  	_ =	shalt  }
0x5c: {  	_ =	shalt  }
0x5d: {  	_ =	shalt  }
0x5e: {  	_ =	shalt  }
0x5f: {  	_ =	shalt  }
0x60: {  	_ =	shalt  }
0x61: {  	_ =	shalt  }
0x62: {  	_ =	shalt  }
0x63: {  	_ =	shalt  }
0x64: {  	_ =	shalt  }
0x65: {  	_ =	shalt  }
0x66: {  	_ =	shalt  }
0x67: {  	_ =	shalt  }
0x68: {  	_ =	shalt  }
0x69: {  	_ =	shalt  }
0x6a: {  	_ =	shalt  }
0x6b: {  	_ =	shalt  }
0x6c: {  	_ =	shalt  }
0x6d: {  	_ =	shalt  }
0x6e: {  	_ =	shalt  }
0x6f: {  	_ =	shalt  }
0x70: {  	_ =	shalt  }
0x71: {  	_ =	shalt  }
0x72: {  	_ =	shalt  }
0x73: {  	_ =	shalt  }
0x74: {  	_ =	shalt  }
0x75: {  	_ =	shalt  }
0x76: {  	_ =	shalt  }
0x77: {  	_ =	shalt  }
0x78: {  	_ =	shalt  }
0x79: {  	_ =	shalt  }
0x7a: {  	_ =	shalt  }
0x7b: {  	_ =	shalt  }
0x7c: {  	_ =	shalt  }
0x7d: {  	_ =	shalt  }
0x7e: {  	_ =	shalt  }
0x7f: {  	_ =	shalt  }
0x80: {  	_ =	shalt  }
0x81: {  	_ =	shalt  }
0x82: {  	_ =	shalt  }
0x83: {  	_ =	shalt  }
0x84: {  	_ =	shalt  }
0x85: {  	_ =	shalt  }
0x86: {  	_ =	shalt  }
0x87: {  	_ =	shalt  }
.Lfunc_end0:
.L_simem_size_0:
called_computation.1_lowered:
.L_overlay_start_0:
0x88: {  	s2 =	sld [smem:$0x3FD9]  }
0x89: {  	s3 =	sld [smem:$0x3FFE];
	_ =	sdelay $0x1  }
0x8a: {  	s1 =	srdreg.scid  }
0x8b: {  	s0 =	sand.u32 $0x1, s1  }
0x8c: {  	s15 =	sshll.u32 s0, $0xA;
	s2 =	sadd.s32 s3, s2  }
0x8d: {  	s2 =	sadd.s32 s2, s15  }
0x8e: {  	[smem:$0x3FC6] =	sst s2  }
0x8f: {  	_ = 	snop  }
0x90: {  	s16 =	sld [smem:$0x3FD0];
	_ =	sdelay $0x2  }
0x91: {  	s4 =	simm.s32 $0xB;
	s5 =	simm.s32 $0x10;
	s2 =	sld [smem:$0x3FC8]  }
0x92: {  	[smem:s5], [sflag:s4] =	dma.local [hbm:s16], $0x1  }
0x93: {  	_ =	swait.eq [sflag:s4], $0x1  }
0x94: {  	[sflag:s4] =	ssyncset.done $0x0  }
0x95: {  	[sflag:s4] =	ssyncadd.s32 $0xFFFFFFFF  }
0x96: {  	s17 =	sld [smem:$0x13];
	(tm) =	ssettm $0x1  }
0x97: {  	s18 =	sld [smem:$0x3FFB];
	_ =	sdelay $0x3  }
0x98: {  	_ =	strace s18  }
0x99: {  	s3 =	sld [smem:$0x3FFC];
	_ =	sdelay $0x3  }
0x9a: {  	_ =	strace s3  }
0x9b: {  	s3 =	sld [smem:$0x3FFD];
	_ =	sdelay $0x3  }
0x9c: {  	_ =	strace s3  }
0x9d: {  	_ =	strace $0x8FFFFFFF  }
0x9e: {  	s19 =	sld [smem:$0x3FDB];
	_ =	sdelay $0x1  }
0x9f: {  	s20 =	simm.s32 $_scs_section_size  }
0xa0: {  	s6 =	simm.s32 $_size__tile_overlayer_lowered;
	s7 =	simm.s32 $_tile_overlayer_lowered  }
0xa1: {  	s8 =	simm.s32 $0x1BFF;
	s21 =	sshll.u32 s7, $0x1;
	s5 =	sadd.s32 s20, s19  }
0xa2: {  	s22 =	simm.s32 $0x0;
	s6 =	sshll.u32 s6, $0x1;
	s7 =	sadd.s32 s21, s5  }
0xa3: {  	[timem:s22], [sflag:s8] =	dma.local [hbm:s7], s6  }
0xa4: {  	_ =	swait.ge [sflag:s8], s6  }
0xa5: {  	s6 =	ssub.s32 $0x0, s6;
	[sflag:s8] =	ssyncset.done $0x0  }
0xa6: {  	[sflag:s8] =	ssyncadd.s32 s6;
	_ =	sdelay $0x1  }
0xa7: {  	s23 =	simm.s32 $0x1B8B  }
0xa8: {  	_ =	swait.ge [sflag:s23], $0x1  }
0xa9: {  	[sflag:s23] =	ssyncset.done $0x0  }
0xaa: {  	[sflag:s23] =	ssyncadd.s32 $0xFFFFFFFF  }
0xab: {  	s6 =	sld [smem:$0x0]  }
0xac: {  	s7 =	sand.u32 $0xFFFFFFFE, s1  }
0xad: {  	p0 =	sne.s32 s1, s7  }
0xae: {  	s7 =	sshll.u32 @p0 s7, $0xE  }
0xaf: {  	s7 =	sadd.s32 @p0 $0x11B8D, s7;
	s8 =	sshll.u32 @p0 s6, $0x11  }
0xb0: {  	s7 =	sor.u32 @p0 s8, s7  }
0xb1: {  	[sflag:s7] =	ssyncadd.remote.s32 @p0 $0x1;
	_ =	sdelay $0x1  }
0xb2: {  	s7 =	simm.s32 @p0 $0x1B8D  }
0xb3: {  	_ =	swait.eq @p0 [sflag:s7], $0x1  }
0xb4: {  	[sflag:s7] =	ssyncadd.s32 @p0 $0xFFFFFFFF  }
0xb5: {  	s8 =	sshll.u32 @!p0 s1, $0xE  }
0xb6: {  	s8 =	sor.u32 @!p0 $0x4000, s8;
	s7 =	simm.s32 @!p0 $0x1B8D  }
0xb7: {  	s6 =	sshll.u32 @!p0 s6, $0x11;
	s8 =	sadd.s32 @!p0 $0x11B8D, s8;
	_ =	swait.eq @!p0 [sflag:s7], $0x1  }
0xb8: {  	s6 =	sor.u32 @!p0 s6, s8;
	[sflag:s7] =	ssyncadd.s32 @!p0 $0xFFFFFFFF  }
0xb9: {  	s25 =	simm.s32 $0x1B8E;
	s24 =	sld [smem:$0x3FFE];
	[sflag:s6] =	ssyncadd.remote.s32 @!p0 $0x1  }
0xba: {  	s26 =	simm.s32 $execute0_lowered;
	[smem:$0x3FD2] =	sst s25  }
0xbb: {  	s7 =	sshll.u32 s26, $0x1;
	_ =	strace $0x80000049;
	[dreg:$0x1] =	wrdreg $0xFFFFFFFF  }
0xbc: {  	s28 =	simm.s32 $_size_execute0_lowered;
	s5 =	sadd.s32 s5, s7;
	[dreg:$0x0] =	wrdreg $0x0  }
0xbd: {  	s7 =	sshll.u32 s28, $0x1;
	[dreg:$0x2] =	wrdreg s5  }
0xbe: {  	[dreg:$0x3] =	wrdreg s7  }
0xbf: {  	[dreg:$0x4] =	wrdreg $0xC0  }
0xc0: {  	_ =	task [dreg:s22], $0x5FFFF  }
0xc1: {  	[dreg:$0x1] =	wrdreg $0xFFFFFFFF  }
0xc2: {  	[dreg:$0x0] =	wrdreg $0x60  }
0xc3: {  	[dreg:$0x2] =	wrdreg s2  }
0xc4: {  	[dreg:$0x3] =	wrdreg s17  }
0xc5: {  	[dreg:$0x4] =	wrdreg s24  }
0xc6: {  	[dreg:$0x5] =	wrdreg $0x9  }
0xc7: {  	_ =	task.clear_ibuf [dreg:s22], $0x6FFFF;
	_ =	strace $0x90000049  }
0xc8: {  	s29 =	simm.s32 $0x9;
	_ =	strace $0x8000004B  }
0xc9: {  	_ =	swait.ge [sflag:s29], $0x1  }
0xca: {  	[sflag:s29] =	ssyncadd.s32 $0xFFFFFFFF  }
0xcb: {  	_ =	strace $0x9000004B  }
0xcc: {  	_ =	sfence  }
0xcd: {  	s30 =	sld [smem:$0x0];
	_ =	sdelay $0x2  }
0xce: {  	s31 =	sshll.u32 s1, $0xD;
	s1 =	sshrl.u32 s1, $0x2  }
0xcf: {  	s4 =	sand.u32 $0x4000, s31;
	s1 =	sadd.s32 s1, s30  }
0xd0: {  	s0 =	sor.u32 s4, s0;
	s1 =	sshll.u32 s1, $0x11  }
0xd1: {  	s0 =	sor.u32 s1, s0  }
0xd2: {  	s0 =	sadd.s32 $0x8F2B, s0  }
0xd3: {  	[sflag:s0] =	ssyncadd.remote.s32 $0x1  }
0xd4: {  	_ =	sfence.sel $0xFFFF  }
0xd5: {  	[dreg:$0x0] =	wrdreg $0xFFFFFFFF;
	(pc) =	sbr.abs _section_cstart, $3  }
0xd6: {  	[dreg:$0x1] =	wrdreg $0xFFFFFFFF  }
0xd7: {  	_ =	task.clear_ibuf [dreg:s22], $0x2FFFF;
	_ =	strace $0x9FFFFFFF  }
0xd8: {  	(tm) =	ssettm $0x7FFFFFFF  }
0xd9: {  	_ =	shalt  }
tec
execute0_lowered:
.L_overlay_start_1:
0x0: {  	(tag) =	ssettag $0x1  }
0x1: {  	s1 =	rddreg [dreg:$0x0]  }
0x2: {  	s4 =	rddreg [dreg:$0x1]  }
0x3: {  	s2 =	srdreg.scid;
	s5 =	rddreg [dreg:$0x2];
	s3 =	simm.s32 $0x0  }
0x4: {  	s0 =	stileid.u32;
	s16 =	simm.s32 $0x880;
	[smem:$0x7FF] =	sst s3  }
0x5: {  	s17 =	simm.s32 $0x1080;
	_ =	strace $0x8000004A;
	[dreg:$0x9] =	wrdreg s16  }
0x6: {  	s18 =	simm.s32 $0x1880;
	s19 =	simm.s32 $0x2080;
	[dreg:$0xa] =	wrdreg s17  }
0x7: {  	s21 =	simm.s32 $0x2880;
	s22 =	simm.s32 $0x3080;
	[dreg:$0xb] =	wrdreg s18  }
0x8: {  	s23 =	simm.s32 $0x3880;
	s24 =	simm.s32 $0x4880;
	[dreg:$0xc] =	wrdreg s19  }
0x9: {  	s8 =	simm.s32 $0x5080;
	s25 =	simm.s32 $0x5880;
	[dreg:$0xd] =	wrdreg s21  }
0xa: {  	s26 =	simm.s32 $0x6080;
	s9 =	simm.s32 $0x80;
	[dreg:$0xe] =	wrdreg s22  }
0xb: {  	s10 =	simm.s32 $0x4080;
	s28 =	simm.s32 $0xE880;
	[dreg:$0xf] =	wrdreg s23  }
0xc: {  	s29 =	simm.s32 $0xF080;
	s30 =	simm.s32 $0xF880;
	[dreg:$0x10] =	wrdreg s24  }
0xd: {  	s31 =	simm.s32 $0x1;
	s2 =	sand.u32 $0x1, s2;
	[dreg:$0x11] =	wrdreg s8  }
0xe: {  	s6 =	sshll.u32 s0, $0x7;
	s7 =	sshll.u32 s2, $0x6;
	[dreg:$0x12] =	wrdreg s25  }
0xf: {  	s2 =	ssub.s32 $0x2, s2;
	s8 =	simm.s32 $0x3;
	[dreg:$0x13] =	wrdreg s26  }
0x10: {  	s16 =	simm.s32 $0x9080;
	s17 =	simm.s32 $0x9880;
	s18 =	simm.s32 $0xA080  }
0x11: {  	s19 =	simm.s32 $0xA880;
	s21 =	simm.s32 $0xB880;
	s22 =	simm.s32 $0xC080  }
0x12: {  	s23 =	simm.s32 $0xC880;
	s24 =	simm.s32 $0xD080;
	s25 =	simm.s32 $0xD880  }
0x13: {  	s26 =	simm.s32 $0xE080;
	s6 =	sor.u32 s7, s6;
	s20 =	sshrl.u32 s2, $0x1  }
0x14: {  	s7 =	sshll.u32 s6, $0x7;
	s6 =	sshrl.u32 s6, $0x3;
	s2 =	ssub.s32 s2, s20  }
0x15: {  	s20 =	simm.s32 $0xB080;
	s5 =	sadd.s32 s7, s5;
	s4 =	sadd.s32 s4, s6  }
0x16: {  	s6 =	sadd.s32 $0x300, s1;
	[dreg:$0x4] =	wrdreg s4;
	s12 =	sadd.s32 $0x5200, s5  }
0x17: {  	s7 =	smax.u32 s2, $0x1;
	s13 =	sadd.s32 $0x5A00, s5;
	[dreg:$0x5] =	wrdreg s12  }
0x18: {  	s2 =	simm.s32 $0x2;
	s14 =	sadd.s32 $0x6200, s5;
	[dreg:$0x6] =	wrdreg s13  }
0x19: {  	v2 =	vlaneseq.u32;
	s15 =	sadd.s32 $0x6A00, s5;
	s4 =	sadd.s32 $0x100, s1;
	[dreg:$0x7] =	wrdreg s14  }
0x1a: {  	vm0 =	vmmov $0xffff;
	v1 =	vshrl.u32 v2, $0x3;
	s5 =	sadd.s32 $0x200, s1;
	[dreg:$0x8] =	wrdreg s15;
	s12 =	simm.s32 $0x7080  }
0x1b: {  	v0 =	vand.u32 $0x7, v2;
	v2 =	vor.u32 $0x8, v2;
	v1 =	vmul.u32 $0x8, v1;
	s13 =	simm.s32 $0x7880;
	s14 =	simm.s32 $0x8080;
	s15 =	simm.s32 $0x8880  }
.LBB2_1:
0x1c: {  	s0 =	rddreg [dreg:$0x4]  }
0x1d: {  	[tilespmem:s3], [sflag:$0x3] =	stream.linear.gather [hbm4b:s0+s3], $0x40, $0x38;
	[tilespmem:$0x10080] =	vst v63  }
0x1e: {  	_ =	swait.ge [sflag:s8], $0x40  }
0x1f: {  	[sflag:s8] =	ssyncset.done $0x0  }
0x20: {  	[sflag:s8] =	ssyncadd.s32 $0xFFFFFFC0  }
0x21: {  	v3 =	vld [tilespmem:$0x0];
	_ =	sdelay $0x4  }
0x22: {  	v4 =	vshll.u32 v3, $0x3  }
0x23: {  	v3 =	vand.u32 $0x7, v3;
	v4 =	vand.u32 $0xFFFFFFC0, v4  }
0x24: {  	v3 =	vor.u32 v3, v4  }
0x25: {  	v4 =	vperm.xlane v3, v0;
	_ =	sdelay $0x1  }
0x26: {  	v4 =	vadd.s32 v1, v4;
	_ =	sdelay $0x4  }
0x27: {  	[tilespmem:s9], [sflag:$0x1] =	stream.indirect_vreg.gather [hbm4b:s1+s3], $0x80, v4, vm0, $0xb8;
	[tilespmem:$0x10080] =	vst v63  }
0x28: {  	s0 =	rddreg [dreg:$0x9];
	v3 =	vperm.xlane v3, v2  }
0x29: {  	[tilespmem:s0], [sflag:$0x1] =	stream.indirect_vreg.gather [hbm4b:s4+s3], $0x80, v4, vm0, $0xb8;
	[tilespmem:$0x10080] =	vst v63  }
0x2a: {  	s11 =	rddreg [dreg:$0xa];
	v3 =	vadd.s32 v1, v3  }
0x2b: {  	[tilespmem:s11], [sflag:$0x1] =	stream.indirect_vreg.gather [hbm4b:s5+s3], $0x80, v4, vm0, $0xb8;
	[tilespmem:$0x10080] =	vst v63  }
0x2c: {  	s0 =	rddreg [dreg:$0xb]  }
0x2d: {  	[tilespmem:s0], [sflag:$0x1] =	stream.indirect_vreg.gather [hbm4b:s6+s3], $0x80, v4, vm0, $0xb8;
	[tilespmem:$0x10080] =	vst v63  }
0x2e: {  	s11 =	rddreg [dreg:$0xc]  }
0x2f: {  	[tilespmem:s11], [sflag:$0x1] =	stream.indirect_vreg.gather [hbm4b:s1+s3], $0x80, v3, vm0, $0xb8;
	[tilespmem:$0x10080] =	vst v63  }
0x30: {  	s0 =	rddreg [dreg:$0xd]  }
0x31: {  	[tilespmem:s0], [sflag:$0x1] =	stream.indirect_vreg.gather [hbm4b:s4+s3], $0x80, v3, vm0, $0xb8;
	[tilespmem:$0x10080] =	vst v63  }
0x32: {  	s11 =	rddreg [dreg:$0xe]  }
0x33: {  	[tilespmem:s11], [sflag:$0x1] =	stream.indirect_vreg.gather [hbm4b:s5+s3], $0x80, v3, vm0, $0xb8;
	[tilespmem:$0x10080] =	vst v63  }
0x34: {  	s0 =	rddreg [dreg:$0xf]  }
0x35: {  	[tilespmem:s0], [sflag:$0x1] =	stream.indirect_vreg.gather [hbm4b:s6+s3], $0x80, v3, vm0, $0xb8;
	[tilespmem:$0x10080] =	vst v63  }
0x36: {  	v3 =	vld [tilespmem:$0x10];
	_ =	sdelay $0x4  }
0x37: {  	v61 =	vshll.u32 v3, $0x3  }
0x38: {  	v3 =	vand.u32 $0x7, v3;
	v4 =	vand.u32 $0xFFFFFFC0, v61  }
0x39: {  	v3 =	vor.u32 v3, v4  }
0x3a: {  	v4 =	vperm.xlane v3, v0;
	_ =	sdelay $0x1  }
0x3b: {  	v4 =	vadd.s32 v1, v4;
	_ =	sdelay $0x4  }
0x3c: {  	[tilespmem:s10], [sflag:$0x1] =	stream.indirect_vreg.gather [hbm4b:s1+s3], $0x80, v4, vm0, $0xb8;
	[tilespmem:$0x10080] =	vst v63  }
0x3d: {  	s0 =	rddreg [dreg:$0x10];
	v3 =	vperm.xlane v3, v2  }
0x3e: {  	[tilespmem:s0], [sflag:$0x1] =	stream.indirect_vreg.gather [hbm4b:s4+s3], $0x80, v4, vm0, $0xb8;
	[tilespmem:$0x10080] =	vst v63  }
0x3f: {  	s11 =	rddreg [dreg:$0x11];
	v3 =	vadd.s32 v1, v3  }
0x40: {  	[tilespmem:s11], [sflag:$0x1] =	stream.indirect_vreg.gather [hbm4b:s5+s3], $0x80, v4, vm0, $0xb8;
	[tilespmem:$0x10080] =	vst v63  }
0x41: {  	s0 =	rddreg [dreg:$0x12]  }
0x42: {  	[tilespmem:s0], [sflag:$0x1] =	stream.indirect_vreg.gather [hbm4b:s6+s3], $0x80, v4, vm0, $0xb8;
	[tilespmem:$0x10080] =	vst v63  }
0x43: {  	s11 =	rddreg [dreg:$0x13]  }
0x44: {  	[tilespmem:s11], [sflag:$0x1] =	stream.indirect_vreg.gather [hbm4b:s1+s3], $0x80, v3, vm0, $0xb8;
	[tilespmem:$0x10080] =	vst v63  }
0x45: {  	s11 =	simm.s32 $0x6880  }
0x46: {  	[tilespmem:s11], [sflag:$0x1] =	stream.indirect_vreg.gather [hbm4b:s4+s3], $0x80, v3, vm0, $0xb8;
	[tilespmem:$0x10080] =	vst v63  }
0x47: {  	_ = 	snop  }
0x48: {  	[tilespmem:s12], [sflag:$0x1] =	stream.indirect_vreg.gather [hbm4b:s5+s3], $0x80, v3, vm0, $0xb8;
	[tilespmem:$0x10080] =	vst v63  }
0x49: {  	_ = 	snop  }
0x4a: {  	[tilespmem:s13], [sflag:$0x1] =	stream.indirect_vreg.gather [hbm4b:s6+s3], $0x80, v3, vm0, $0xb8;
	[tilespmem:$0x10080] =	vst v63  }
0x4b: {  	v3 =	vld [tilespmem:$0x20];
	_ =	sdelay $0x4  }
0x4c: {  	v62 =	vshll.u32 v3, $0x3  }
0x4d: {  	v3 =	vand.u32 $0x7, v3;
	v4 =	vand.u32 $0xFFFFFFC0, v62  }
0x4e: {  	v3 =	vor.u32 v3, v4  }
0x4f: {  	v4 =	vperm.xlane v3, v0;
	_ =	sdelay $0x1  }
0x50: {  	v4 =	vadd.s32 v1, v4;
	_ =	sdelay $0x4  }
0x51: {  	[tilespmem:s14], [sflag:$0x1] =	stream.indirect_vreg.gather [hbm4b:s1+s3], $0x80, v4, vm0, $0xb8;
	[tilespmem:$0x10080] =	vst v63  }
0x52: {  	v3 =	vperm.xlane v3, v2  }
0x53: {  	[tilespmem:s15], [sflag:$0x1] =	stream.indirect_vreg.gather [hbm4b:s4+s3], $0x80, v4, vm0, $0xb8;
	[tilespmem:$0x10080] =	vst v63  }
0x54: {  	v3 =	vadd.s32 v1, v3  }
0x55: {  	[tilespmem:s16], [sflag:$0x1] =	stream.indirect_vreg.gather [hbm4b:s5+s3], $0x80, v4, vm0, $0xb8;
	[tilespmem:$0x10080] =	vst v63  }
0x56: {  	_ = 	snop  }
0x57: {  	[tilespmem:s17], [sflag:$0x1] =	stream.indirect_vreg.gather [hbm4b:s6+s3], $0x80, v4, vm0, $0xb8;
	[tilespmem:$0x10080] =	vst v63  }
0x58: {  	_ = 	snop  }
0x59: {  	[tilespmem:s18], [sflag:$0x1] =	stream.indirect_vreg.gather [hbm4b:s1+s3], $0x80, v3, vm0, $0xb8;
	[tilespmem:$0x10080] =	vst v63  }
0x5a: {  	_ = 	snop  }
0x5b: {  	[tilespmem:s19], [sflag:$0x1] =	stream.indirect_vreg.gather [hbm4b:s4+s3], $0x80, v3, vm0, $0xb8;
	[tilespmem:$0x10080] =	vst v63  }
0x5c: {  	_ = 	snop  }
0x5d: {  	[tilespmem:s20], [sflag:$0x1] =	stream.indirect_vreg.gather [hbm4b:s5+s3], $0x80, v3, vm0, $0xb8;
	[tilespmem:$0x10080] =	vst v63  }
0x5e: {  	_ = 	snop  }
0x5f: {  	[tilespmem:s21], [sflag:$0x1] =	stream.indirect_vreg.gather [hbm4b:s6+s3], $0x80, v3, vm0, $0xb8;
	[tilespmem:$0x10080] =	vst v63  }
0x60: {  	v3 =	vld [tilespmem:$0x30];
	_ =	sdelay $0x4  }
0x61: {  	v63 =	vshll.u32 v3, $0x3  }
0x62: {  	v3 =	vand.u32 $0x7, v3;
	v4 =	vand.u32 $0xFFFFFFC0, v63  }
0x63: {  	v3 =	vor.u32 v3, v4  }
0x64: {  	v4 =	vperm.xlane v3, v0;
	_ =	sdelay $0x1  }
0x65: {  	v4 =	vadd.s32 v1, v4;
	_ =	sdelay $0x4  }
0x66: {  	[tilespmem:s22], [sflag:$0x1] =	stream.indirect_vreg.gather [hbm4b:s1+s3], $0x80, v4, vm0, $0xb8;
	[tilespmem:$0x10080] =	vst v63  }
0x67: {  	v3 =	vperm.xlane v3, v2  }
0x68: {  	[tilespmem:s23], [sflag:$0x1] =	stream.indirect_vreg.gather [hbm4b:s4+s3], $0x80, v4, vm0, $0xb8;
	[tilespmem:$0x10080] =	vst v63  }
0x69: {  	v3 =	vadd.s32 v1, v3  }
0x6a: {  	[tilespmem:s24], [sflag:$0x1] =	stream.indirect_vreg.gather [hbm4b:s5+s3], $0x80, v4, vm0, $0xb8;
	[tilespmem:$0x10080] =	vst v63  }
0x6b: {  	_ = 	snop  }
0x6c: {  	[tilespmem:s25], [sflag:$0x1] =	stream.indirect_vreg.gather [hbm4b:s6+s3], $0x80, v4, vm0, $0xb8;
	[tilespmem:$0x10080] =	vst v63  }
0x6d: {  	_ = 	snop  }
0x6e: {  	[tilespmem:s26], [sflag:$0x1] =	stream.indirect_vreg.gather [hbm4b:s1+s3], $0x80, v3, vm0, $0xb8;
	[tilespmem:$0x10080] =	vst v63  }
0x6f: {  	_ = 	snop  }
0x70: {  	[tilespmem:s28], [sflag:$0x1] =	stream.indirect_vreg.gather [hbm4b:s4+s3], $0x80, v3, vm0, $0xb8;
	[tilespmem:$0x10080] =	vst v63  }
0x71: {  	_ = 	snop  }
0x72: {  	[tilespmem:s29], [sflag:$0x1] =	stream.indirect_vreg.gather [hbm4b:s5+s3], $0x80, v3, vm0, $0xb8;
	[tilespmem:$0x10080] =	vst v63  }
0x73: {  	_ = 	snop  }
0x74: {  	[tilespmem:s30], [sflag:$0x1] =	stream.indirect_vreg.gather [hbm4b:s6+s3], $0x80, v3, vm0, $0xb8;
	[tilespmem:$0x10080] =	vst v63  }
0x75: {  	_ =	swait.ge [sflag:s31], $0x4000  }
0x76: {  	[sflag:s31] =	ssyncset.done $0x0  }
0x77: {  	s11 =	rddreg [dreg:$0x5];
	[sflag:s31] =	ssyncadd.s32 $0xFFFFC000  }
0x78: {  	[hbm4b:s11+s3] =	stream.linear.scatter [tilespmem:s9], [sflag:$0x2], $0x4000, $0x38;
	[tilespmem:$0x10080] =	vst v63  }
0x79: {  	_ =	swait.ge [sflag:s31], $0x4000  }
0x7a: {  	[sflag:s31] =	ssyncset.done $0x0  }
0x7b: {  	s11 =	rddreg [dreg:$0x6];
	[sflag:s31] =	ssyncadd.s32 $0xFFFFC000  }
0x7c: {  	[hbm4b:s11+s3] =	stream.linear.scatter [tilespmem:s10], [sflag:$0x2], $0x4000, $0x38;
	[tilespmem:$0x10080] =	vst v63  }
0x7d: {  	_ =	swait.ge [sflag:s31], $0x4000  }
0x7e: {  	[sflag:s31] =	ssyncset.done $0x0  }
0x7f: {  	s11 =	rddreg [dreg:$0x7];
	[sflag:s31] =	ssyncadd.s32 $0xFFFFC000  }
0x80: {  	[hbm4b:s11+s3] =	stream.linear.scatter [tilespmem:s14], [sflag:$0x2], $0x4000, $0x38;
	[tilespmem:$0x10080] =	vst v63  }
0x81: {  	_ =	swait.ge [sflag:s31], $0x4000  }
0x82: {  	[sflag:s31] =	ssyncset.done $0x0  }
0x83: {  	s11 =	rddreg [dreg:$0x8];
	[sflag:s31] =	ssyncadd.s32 $0xFFFFC000  }
0x84: {  	[hbm4b:s11+s3] =	stream.linear.scatter [tilespmem:s22], [sflag:$0x2], $0x4000, $0x38;
	[tilespmem:$0x10080] =	vst v63  }
0x85: {  	_ =	swait.ge [sflag:s2], $0x4000  }
0x86: {  	[sflag:s2] =	ssyncset.done $0x0  }
0x87: {  	[sflag:s2] =	ssyncadd.s32 $0xFFFFC000  }
0x88: {  	_ =	swait.ge [sflag:s2], $0x4000  }
0x89: {  	[sflag:s2] =	ssyncset.done $0x0  }
0x8a: {  	[sflag:s2] =	ssyncadd.s32 $0xFFFFC000  }
0x8b: {  	p0 =	sne.s32 s7, $0x1;
	_ =	swait.ge [sflag:s2], $0x4000  }
.Ltmp0:
0x8c: {  	[sflag:s2] =	ssyncset.done $0x0;
	(pc) =	sbr.rel @p0 .LBB2_1-.Ltmp0, $4  }
0x8d: {  	[sflag:s2] =	ssyncadd.s32 $0xFFFFC000  }
0x8e: {  	_ =	swait.ge [sflag:s2], $0x4000  }
0x8f: {  	[sflag:s2] =	ssyncset.done $0x0  }
0x90: {  	s7 =	sadd.s32 $0xFFFFFFFF, s7;
	[sflag:s2] =	ssyncadd.s32 $0xFFFFC000  }
0x91: {  	_ =	sfence.sel $0x180000  }
0x92: {  	[bflag:$0x0] =	sbarrier.arrive $0xFFFF  }
0x93: {  	_ =	strace $0x9000004A  }
0x94: {  	s0 =	stileid.u32;
	[bflag:$0x2] =	sbarrier.arrive $0xFFFF  }
0x95: {  	p0 =	sne.s32 s0, $0x0;
	s0 =	rddreg [dreg:$0x3]  }
0x96: {  	s0 =	sadd.s32 @!p0 $0x100000, s0  }
0x97: {  	[sflag:s0] =	ssyncadd.tile.s32 @!p0 $0x1;
	_ =	shalt  }
.Lfunc_end2:
_tile_overlayer_lowered:
.L_overlay_start_2:
0x98: {  	(tag) =	ssettag $0x2  }
0x99: {  	s0 =	rddreg [dreg:$0x0];
	s2 =	stileid.u32  }
0x9a: {  	s1 =	rddreg [dreg:$0x1];
	p0 =	sne.s32 s2, $0x0  }
0x9b: {  	s3 =	rddreg [dreg:$0x2];
	[bflag:$0x3] =	sbarrier.arrive $0xFFFF;
	s2 =	simm.s32 @!p0 $0x1C03  }
0x9c: {  	[timem:s3], [sflag:s2] =	dma.local @!p0 [hbm:s0], s1  }
0x9d: {  	s0 =	simm.s32 @!p0 $0x3  }
0x9e: {  	_ =	swait.ge @!p0 [sflag:s0], s1  }
0x9f: {  	s1 =	ssub.s32 @!p0 $0x0, s1;
	[sflag:s0] =	ssyncset.done @!p0 $0x0  }
0xa0: {  	[sflag:s0] =	ssyncadd.s32 @!p0 s1  }
0xa1: {  	[bflag:$0x3] =	sbarrier.arrive $0xFFFF  }
0xa2: {  	_ =	shalt  }

// kernel: kernel.18.cloned.1.call-start
scs
__scs_entry_jumppad:
0x0: {  	(pc) =	sbr.rel $0x88, $3  }
0x1: {  	(tag) =	ssettag $0x0;
	lr =	simm.s32 $0x1  }
0x2: {  	[smem:$0x3F9F] =	sst lr;
	_ =	strace $0xD0000000  }
0x3: {  	_ = 	snop  }
0x4: {  	_ = 	snop  }
0x5: {  	_ = 	snop  }
0x6: {  	_ = 	snop  }
0x7: {  	_ = 	snop  }
__scs_overlays_trampoline_lowered:
0x8: {  	[smem:$0x3FAE] =	sst s0  }
0x9: {  	[smem:$0x3FAF] =	sst s1  }
0xa: {  	[smem:$0x3FB0] =	sst s2  }
0xb: {  	[smem:$0x3FB1] =	sst s3  }
0xc: {  	[smem:$0x3FB2] =	sst s4  }
0xd: {  	[smem:$0x3FB3] =	sst s5  }
0xe: {  	[smem:$0x3FB4] =	sst s6  }
0xf: {  	[smem:$0x3FB5] =	sst s7  }
0x10: {  	[smem:$0x3FB6] =	sst s8  }
0x11: {  	[smem:$0x3FB7] =	sst s9;
	s0 =	simm.s32 @!p0 $0x0  }
0x12: {  	s1 =	sld [smem:$0x3F9D];
	s0 =	simm.s32 @p0 $0x1  }
0x13: {  	[smem:$0x3FB8] =	sst s0;
	s0 =	simm.s32 @!p1 $0x0  }
0x14: {  	s2 =	sld [smem:$0x3F9C];
	s0 =	simm.s32 @p1 $0x1  }
0x15: {  	[smem:$0x3FB9] =	sst s0;
	s0 =	simm.s32 @!p2 $0x0  }
0x16: {  	s3 =	sld [smem:$0x3FDB];
	s0 =	simm.s32 @p2 $0x1  }
0x17: {  	s4 =	simm.s32 $0x1BF5;
	[smem:$0x3FBB] =	sst s0  }
0x18: {  	s0 =	sld [smem:$0x3F9E];
	_ =	swait.ge [sflag:s4], $0x0  }
0x19: {  	s7 =	sld [smem:$0x3F9F]  }
0x1a: {  	s8 =	sadd.s32 $0xFFFFE003, lr  }
0x1b: {  	s9 =	sadd.s32 $0xFFFFFEF7, lr;
	s5 =	simm.s32 $0xFFFFFFFF;
	p2 =	slt.u32 s8, $0xFFFFF086  }
0x1c: {  	p1 =	slt.u32 s9, $0xF7A;
	s5 =	simm.s32 @!p2 $0x0  }
0x1d: {  	s5 =	simm.s32 @p1 $0x1;
	p0 =	seq.s32 s7, s2  }
0x1e: {  	s7 =	smul.u32 @!p0 $0xF7A, s2;
	p2 =	seq.s32 @!p0 s5, $0x0  }
0x1f: {  	s9 =	smul.u32 $0xF7A, s1;
	s8 =	simm.s32 @!p0 $0x1BF5;
	p2 =	por !p2, p0  }
0x20: {  	[sflag:s8] =	ssyncset.s32 @!p0 $0xFFFFF086;
	s6 =	sadd.s32 @!p0 s3, s7;
	s7 =	simm.s32 @!p0 $0x108  }
0x21: {  	s3 =	sadd.s32 s3, s9;
	s6 =	sadd.s32 @!p0 $0x88, s6;
	s7 =	simm.s32 @p2 $0x1082  }
0x22: {  	[simem:s7], [sflag:s8] =	dma.local @!p0 [hbm:s6], $0xF7A  }
0x23: {  	s9 =	sor.u32 $0xD0000000, s2;
	s6 =	simm.s32 $0x108;
	_ =	swait.ge @!p0 [sflag:s8], $0x0  }
0x24: {  	s3 =	sadd.s32 $0x88, s3;
	s6 =	simm.s32 @!p1 $0x1082;
	[sflag:s4] =	ssyncset.s32 $0xFFFFF086  }
0x25: {  	[simem:s6], [sflag:s4] =	dma.local [hbm:s3], $0xF7A  }
0x26: {  	[smem:$0x3F9F] =	sst s1;
	(tag) =	ssettag s2;
	_ =	strace s9  }
0x27: {  	s1 =	sld [smem:$0x3FAF]  }
0x28: {  	s2 =	sld [smem:$0x3FB0]  }
0x29: {  	s4 =	sld [smem:$0x3FB2]  }
0x2a: {  	p0 =	seq.s32 s5, $0x0;
	s5 =	sld [smem:$0x3FB3]  }
0x2b: {  	s6 =	sld [smem:$0x3FB4]  }
0x2c: {  	s7 =	sld [smem:$0x3FB5]  }
0x2d: {  	s3 =	simm.s32 $0x108;
	s8 =	sld [smem:$0x3FB6]  }
0x2e: {  	s3 =	simm.s32 @!p0 $0x1082;
	s9 =	sld [smem:$0x3FB7]  }
0x2f: {  	lr =	sadd.s32 s0, s3;
	s0 =	sld [smem:$0x3FAE]  }
0x30: {  	s3 =	sld [smem:$0x3FB1]  }
0x31: {  	[smem:$0x3FBA] =	sst s10  }
0x32: {  	s10 =	sld [smem:$0x3FB8];
	_ =	sdelay $0x3  }
0x33: {  	p0 =	seq.s32 s10, $0x1;
	s10 =	sld [smem:$0x3FBA];
	_ =	sdelay $0x3  }
0x34: {  	[smem:$0x3FBA] =	sst s10  }
0x35: {  	s10 =	sld [smem:$0x3FB9];
	_ =	sdelay $0x3  }
0x36: {  	p1 =	seq.s32 s10, $0x1;
	s10 =	sld [smem:$0x3FBA];
	_ =	sdelay $0x3  }
0x37: {  	[smem:$0x3FBA] =	sst s10  }
0x38: {  	s10 =	sld [smem:$0x3FBB]  }
0x39: {  	_ = 	snop;
	(pc) =	sbr.ind lr, $3  }
0x3a: {  	_ = 	snop  }
0x3b: {  	_ = 	snop  }
0x3c: {  	p2 =	seq.s32 s10, $0x1;
	s10 =	sld [smem:$0x3FBA]  }
0x3d: {  	_ =	shalt  }
0x3e: {  	_ =	shalt  }
0x3f: {  	_ =	shalt  }
0x40: {  	_ =	shalt  }
0x41: {  	_ =	shalt  }
0x42: {  	_ =	shalt  }
0x43: {  	_ =	shalt  }
0x44: {  	_ =	shalt  }
0x45: {  	_ =	shalt  }
0x46: {  	_ =	shalt  }
0x47: {  	_ =	shalt  }
0x48: {  	_ =	shalt  }
0x49: {  	_ =	shalt  }
0x4a: {  	_ =	shalt  }
0x4b: {  	_ =	shalt  }
0x4c: {  	_ =	shalt  }
0x4d: {  	_ =	shalt  }
0x4e: {  	_ =	shalt  }
0x4f: {  	_ =	shalt  }
0x50: {  	_ =	shalt  }
0x51: {  	_ =	shalt  }
0x52: {  	_ =	shalt  }
0x53: {  	_ =	shalt  }
0x54: {  	_ =	shalt  }
0x55: {  	_ =	shalt  }
0x56: {  	_ =	shalt  }
0x57: {  	_ =	shalt  }
0x58: {  	_ =	shalt  }
0x59: {  	_ =	shalt  }
0x5a: {  	_ =	shalt  }
0x5b: {  	_ =	shalt  }
0x5c: {  	_ =	shalt  }
0x5d: {  	_ =	shalt  }
0x5e: {  	_ =	shalt  }
0x5f: {  	_ =	shalt  }
0x60: {  	_ =	shalt  }
0x61: {  	_ =	shalt  }
0x62: {  	_ =	shalt  }
0x63: {  	_ =	shalt  }
0x64: {  	_ =	shalt  }
0x65: {  	_ =	shalt  }
0x66: {  	_ =	shalt  }
0x67: {  	_ =	shalt  }
0x68: {  	_ =	shalt  }
0x69: {  	_ =	shalt  }
0x6a: {  	_ =	shalt  }
0x6b: {  	_ =	shalt  }
0x6c: {  	_ =	shalt  }
0x6d: {  	_ =	shalt  }
0x6e: {  	_ =	shalt  }
0x6f: {  	_ =	shalt  }
0x70: {  	_ =	shalt  }
0x71: {  	_ =	shalt  }
0x72: {  	_ =	shalt  }
0x73: {  	_ =	shalt  }
0x74: {  	_ =	shalt  }
0x75: {  	_ =	shalt  }
0x76: {  	_ =	shalt  }
0x77: {  	_ =	shalt  }
0x78: {  	_ =	shalt  }
0x79: {  	_ =	shalt  }
0x7a: {  	_ =	shalt  }
0x7b: {  	_ =	shalt  }
0x7c: {  	_ =	shalt  }
0x7d: {  	_ =	shalt  }
0x7e: {  	_ =	shalt  }
0x7f: {  	_ =	shalt  }
0x80: {  	_ =	shalt  }
0x81: {  	_ =	shalt  }
0x82: {  	_ =	shalt  }
0x83: {  	_ =	shalt  }
0x84: {  	_ =	shalt  }
0x85: {  	_ =	shalt  }
0x86: {  	_ =	shalt  }
0x87: {  	_ =	shalt  }
.Lfunc_end0:
.L_simem_size_0:
called_computation.2_lowered:
.L_overlay_start_0:
0x88: {  	s2 =	sld [smem:$0x3FD9]  }
0x89: {  	s3 =	sld [smem:$0x3FFE];
	_ =	sdelay $0x1  }
0x8a: {  	s1 =	srdreg.scid  }
0x8b: {  	s0 =	sand.u32 $0x1, s1  }
0x8c: {  	s15 =	sshll.u32 s0, $0xA;
	s2 =	sadd.s32 s3, s2  }
0x8d: {  	s2 =	sadd.s32 s2, s15  }
0x8e: {  	[smem:$0x3FC6] =	sst s2  }
0x8f: {  	_ = 	snop  }
0x90: {  	s16 =	sld [smem:$0x3FD0];
	_ =	sdelay $0x2  }
0x91: {  	s4 =	simm.s32 $0xB;
	s5 =	simm.s32 $0x10;
	s2 =	sld [smem:$0x3FC8]  }
0x92: {  	[smem:s5], [sflag:s4] =	dma.local [hbm:s16], $0x1  }
0x93: {  	_ =	swait.eq [sflag:s4], $0x1  }
0x94: {  	[sflag:s4] =	ssyncset.done $0x0  }
0x95: {  	[sflag:s4] =	ssyncadd.s32 $0xFFFFFFFF  }
0x96: {  	s17 =	sld [smem:$0x11];
	(tm) =	ssettm $0x1  }
0x97: {  	s18 =	sld [smem:$0x3FFB];
	_ =	sdelay $0x3  }
0x98: {  	_ =	strace s18  }
0x99: {  	s3 =	sld [smem:$0x3FFC];
	_ =	sdelay $0x3  }
0x9a: {  	_ =	strace s3  }
0x9b: {  	s3 =	sld [smem:$0x3FFD];
	_ =	sdelay $0x3  }
0x9c: {  	_ =	strace s3  }
0x9d: {  	_ =	strace $0x8FFFFFFF  }
0x9e: {  	s19 =	sld [smem:$0x3FDB];
	_ =	sdelay $0x1  }
0x9f: {  	s20 =	simm.s32 $_scs_section_size  }
0xa0: {  	s6 =	simm.s32 $_size__tile_overlayer_lowered;
	s7 =	simm.s32 $_tile_overlayer_lowered  }
0xa1: {  	s8 =	simm.s32 $0x1BFF;
	s21 =	sshll.u32 s7, $0x1;
	s5 =	sadd.s32 s20, s19  }
0xa2: {  	s22 =	simm.s32 $0x0;
	s6 =	sshll.u32 s6, $0x1;
	s7 =	sadd.s32 s21, s5  }
0xa3: {  	[timem:s22], [sflag:s8] =	dma.local [hbm:s7], s6  }
0xa4: {  	_ =	swait.ge [sflag:s8], s6  }
0xa5: {  	s6 =	ssub.s32 $0x0, s6;
	[sflag:s8] =	ssyncset.done $0x0  }
0xa6: {  	[sflag:s8] =	ssyncadd.s32 s6;
	_ =	sdelay $0x1  }
0xa7: {  	s23 =	simm.s32 $0x1B8B  }
0xa8: {  	_ =	swait.ge [sflag:s23], $0x1  }
0xa9: {  	[sflag:s23] =	ssyncset.done $0x0  }
0xaa: {  	[sflag:s23] =	ssyncadd.s32 $0xFFFFFFFF  }
0xab: {  	s6 =	sld [smem:$0x0]  }
0xac: {  	s7 =	sand.u32 $0xFFFFFFFE, s1  }
0xad: {  	p0 =	sne.s32 s1, s7  }
0xae: {  	s7 =	sshll.u32 @p0 s7, $0xE  }
0xaf: {  	s7 =	sadd.s32 @p0 $0x11B8D, s7;
	s8 =	sshll.u32 @p0 s6, $0x11  }
0xb0: {  	s7 =	sor.u32 @p0 s8, s7  }
0xb1: {  	[sflag:s7] =	ssyncadd.remote.s32 @p0 $0x1;
	_ =	sdelay $0x1  }
0xb2: {  	s7 =	simm.s32 @p0 $0x1B8D  }
0xb3: {  	_ =	swait.eq @p0 [sflag:s7], $0x1  }
0xb4: {  	[sflag:s7] =	ssyncadd.s32 @p0 $0xFFFFFFFF  }
0xb5: {  	s8 =	sshll.u32 @!p0 s1, $0xE  }
0xb6: {  	s8 =	sor.u32 @!p0 $0x4000, s8;
	s7 =	simm.s32 @!p0 $0x1B8D  }
0xb7: {  	s6 =	sshll.u32 @!p0 s6, $0x11;
	s8 =	sadd.s32 @!p0 $0x11B8D, s8;
	_ =	swait.eq @!p0 [sflag:s7], $0x1  }
0xb8: {  	s6 =	sor.u32 @!p0 s6, s8;
	[sflag:s7] =	ssyncadd.s32 @!p0 $0xFFFFFFFF  }
0xb9: {  	s25 =	simm.s32 $0x1B8E;
	s24 =	sld [smem:$0x3FFE];
	[sflag:s6] =	ssyncadd.remote.s32 @!p0 $0x1  }
0xba: {  	s26 =	simm.s32 $execute0_lowered;
	[smem:$0x3FD2] =	sst s25  }
0xbb: {  	s7 =	sshll.u32 s26, $0x1;
	_ =	strace $0x8000004C;
	[dreg:$0x1] =	wrdreg $0xFFFFFFFF  }
0xbc: {  	s28 =	simm.s32 $_size_execute0_lowered;
	s5 =	sadd.s32 s5, s7;
	[dreg:$0x0] =	wrdreg $0x0  }
0xbd: {  	s7 =	sshll.u32 s28, $0x1;
	[dreg:$0x2] =	wrdreg s5  }
0xbe: {  	[dreg:$0x3] =	wrdreg s7  }
0xbf: {  	[dreg:$0x4] =	wrdreg $0xC0  }
0xc0: {  	_ =	task [dreg:s22], $0x5FFFF  }
0xc1: {  	[dreg:$0x1] =	wrdreg $0xFFFFFFFF  }
0xc2: {  	[dreg:$0x0] =	wrdreg $0x60  }
0xc3: {  	[dreg:$0x2] =	wrdreg s2  }
0xc4: {  	[dreg:$0x3] =	wrdreg s24  }
0xc5: {  	[dreg:$0x4] =	wrdreg s17  }
0xc6: {  	[dreg:$0x5] =	wrdreg $0xA  }
0xc7: {  	_ =	task.clear_ibuf [dreg:s22], $0x6FFFF;
	_ =	strace $0x9000004C  }
0xc8: {  	s29 =	simm.s32 $0xA;
	_ =	strace $0x8000004E  }
0xc9: {  	_ =	swait.ge [sflag:s29], $0x1  }
0xca: {  	[sflag:s29] =	ssyncadd.s32 $0xFFFFFFFF  }
0xcb: {  	_ =	strace $0x9000004E  }
0xcc: {  	_ =	sfence  }
0xcd: {  	s30 =	sld [smem:$0x0];
	_ =	sdelay $0x2  }
0xce: {  	s31 =	sshll.u32 s1, $0xD;
	s1 =	sshrl.u32 s1, $0x2  }
0xcf: {  	s4 =	sand.u32 $0x4000, s31;
	s1 =	sadd.s32 s1, s30  }
0xd0: {  	s0 =	sor.u32 s4, s0;
	s1 =	sshll.u32 s1, $0x11  }
0xd1: {  	s0 =	sor.u32 s1, s0  }
0xd2: {  	s0 =	sadd.s32 $0x8F2B, s0  }
0xd3: {  	[sflag:s0] =	ssyncadd.remote.s32 $0x1  }
0xd4: {  	_ =	sfence.sel $0xFFFF  }
0xd5: {  	[dreg:$0x0] =	wrdreg $0xFFFFFFFF;
	(pc) =	sbr.abs _section_cstart, $3  }
0xd6: {  	[dreg:$0x1] =	wrdreg $0xFFFFFFFF  }
0xd7: {  	_ =	task.clear_ibuf [dreg:s22], $0x2FFFF;
	_ =	strace $0x9FFFFFFF  }
0xd8: {  	(tm) =	ssettm $0x7FFFFFFF  }
0xd9: {  	_ =	shalt  }
tec
execute0_lowered:
.L_overlay_start_1:
0x0: {  	(tag) =	ssettag $0x1  }
0x1: {  	s4 =	rddreg [dreg:$0x0]  }
0x2: {  	s1 =	srdreg.scid;
	s3 =	rddreg [dreg:$0x1]  }
0x3: {  	s0 =	stileid.u32;
	s6 =	rddreg [dreg:$0x2];
	s14 =	simm.s32 $0x880  }
0x4: {  	s15 =	simm.s32 $0x1080;
	s17 =	simm.s32 $0x1880;
	s1 =	sand.u32 $0x1, s1  }
0x5: {  	s18 =	simm.s32 $0x2080;
	s2 =	sshll.u32 s0, $0x7;
	s5 =	sshll.u32 s1, $0x6  }
0x6: {  	s19 =	simm.s32 $0x2880;
	s5 =	sor.u32 s5, s2;
	s2 =	simm.s32 $0x0  }
0x7: {  	s20 =	simm.s32 $0x3080;
	s21 =	simm.s32 $0x3880;
	[smem:$0x7FF] =	sst s2  }
0x8: {  	s22 =	simm.s32 $0x4880;
	_ =	strace $0x8000004D;
	[dreg:$0x8] =	wrdreg s14  }
0x9: {  	s23 =	simm.s32 $0x5080;
	s24 =	simm.s32 $0x5880;
	[dreg:$0x9] =	wrdreg s15  }
0xa: {  	s25 =	simm.s32 $0x6080;
	s11 =	simm.s32 $0x4080;
	[dreg:$0xa] =	wrdreg s17  }
0xb: {  	s26 =	simm.s32 $0x6880;
	s28 =	simm.s32 $0xE880;
	[dreg:$0xb] =	wrdreg s18  }
0xc: {  	s29 =	simm.s32 $0xF080;
	s30 =	simm.s32 $0xF880;
	[dreg:$0xc] =	wrdreg s19  }
0xd: {  	s31 =	simm.s32 $0x1;
	s4 =	sadd.s32 $0x20000, s4;
	[dreg:$0xd] =	wrdreg s20  }
0xe: {  	s1 =	ssub.s32 $0x2, s1;
	s8 =	sadd.s32 $0x100, s4;
	[dreg:$0xe] =	wrdreg s21  }
0xf: {  	s9 =	sadd.s32 $0x200, s4;
	s10 =	sadd.s32 $0x300, s4;
	[dreg:$0xf] =	wrdreg s22  }
0x10: {  	s16 =	sshrl.u32 s1, $0x1;
	s7 =	sshrl.u32 s5, $0x3;
	[dreg:$0x10] =	wrdreg s23  }
0x11: {  	s5 =	sshll.u32 s5, $0x7;
	s1 =	ssub.s32 s1, s16;
	[dreg:$0x11] =	wrdreg s24  }
0x12: {  	s16 =	simm.s32 $0x9080;
	s3 =	sadd.s32 s7, s3;
	[dreg:$0x12] =	wrdreg s25  }
0x13: {  	[dreg:$0x13] =	wrdreg s26;
	s14 =	simm.s32 $0x8080;
	s15 =	simm.s32 $0x8880  }
0x14: {  	s17 =	simm.s32 $0x9880;
	s18 =	simm.s32 $0xA080;
	s19 =	simm.s32 $0xA880  }
0x15: {  	s20 =	simm.s32 $0xB080;
	s21 =	simm.s32 $0xB880;
	s22 =	simm.s32 $0xC080  }
0x16: {  	s23 =	simm.s32 $0xC880;
	s7 =	sadd.s32 $0x45200, s3;
	s3 =	sadd.s32 s6, s5  }
0x17: {  	s24 =	simm.s32 $0xD080;
	[dreg:$0x4] =	wrdreg s7;
	s5 =	sadd.s32 $0x800, s3  }
0x18: {  	s25 =	simm.s32 $0xD880;
	s12 =	sadd.s32 $0x1000, s3;
	[dreg:$0x5] =	wrdreg s5  }
0x19: {  	v2 =	vlaneseq.u32;
	s26 =	simm.s32 $0xE080;
	s13 =	sadd.s32 $0x1800, s3;
	[dreg:$0x6] =	wrdreg s12  }
0x1a: {  	vm0 =	vmmov $0xffff;
	v1 =	vshrl.u32 v2, $0x3;
	s6 =	simm.s32 $0x3;
	s7 =	simm.s32 $0x80;
	[dreg:$0x7] =	wrdreg s13  }
0x1b: {  	v0 =	vand.u32 $0x7, v2;
	v2 =	vor.u32 $0x8, v2;
	v1 =	vmul.u32 $0x8, v1;
	s5 =	smax.u32 s1, $0x1;
	s13 =	simm.s32 $0x7880;
	s1 =	simm.s32 $0x2  }
.LBB2_1:
0x1c: {  	s0 =	rddreg [dreg:$0x4]  }
0x1d: {  	[tilespmem:s2], [sflag:$0x3] =	stream.linear.gather [hbm4b:s0+s2], $0x40, $0x38;
	[tilespmem:$0x10080] =	vst v63  }
0x1e: {  	_ =	swait.ge [sflag:s6], $0x40  }
0x1f: {  	[sflag:s6] =	ssyncset.done $0x0  }
0x20: {  	[sflag:s6] =	ssyncadd.s32 $0xFFFFFFC0  }
0x21: {  	v3 =	vld [tilespmem:$0x0];
	_ =	sdelay $0x4  }
0x22: {  	v4 =	vshll.u32 v3, $0x3  }
0x23: {  	v3 =	vand.u32 $0x7, v3;
	v4 =	vand.u32 $0xFFFFFFC0, v4  }
0x24: {  	v3 =	vor.u32 v3, v4  }
0x25: {  	v4 =	vperm.xlane v3, v0;
	_ =	sdelay $0x1  }
0x26: {  	v4 =	vadd.s32 v1, v4;
	_ =	sdelay $0x4  }
0x27: {  	[tilespmem:s7], [sflag:$0x1] =	stream.indirect_vreg.gather [hbm4b:s4+s2], $0x80, v4, vm0, $0xb8;
	[tilespmem:$0x10080] =	vst v63  }
0x28: {  	s0 =	rddreg [dreg:$0x8];
	v3 =	vperm.xlane v3, v2  }
0x29: {  	[tilespmem:s0], [sflag:$0x1] =	stream.indirect_vreg.gather [hbm4b:s8+s2], $0x80, v4, vm0, $0xb8;
	[tilespmem:$0x10080] =	vst v63  }
0x2a: {  	s12 =	rddreg [dreg:$0x9];
	v3 =	vadd.s32 v1, v3  }
0x2b: {  	[tilespmem:s12], [sflag:$0x1] =	stream.indirect_vreg.gather [hbm4b:s9+s2], $0x80, v4, vm0, $0xb8;
	[tilespmem:$0x10080] =	vst v63  }
0x2c: {  	s0 =	rddreg [dreg:$0xa]  }
0x2d: {  	[tilespmem:s0], [sflag:$0x1] =	stream.indirect_vreg.gather [hbm4b:s10+s2], $0x80, v4, vm0, $0xb8;
	[tilespmem:$0x10080] =	vst v63  }
0x2e: {  	s12 =	rddreg [dreg:$0xb]  }
0x2f: {  	[tilespmem:s12], [sflag:$0x1] =	stream.indirect_vreg.gather [hbm4b:s4+s2], $0x80, v3, vm0, $0xb8;
	[tilespmem:$0x10080] =	vst v63  }
0x30: {  	s0 =	rddreg [dreg:$0xc]  }
0x31: {  	[tilespmem:s0], [sflag:$0x1] =	stream.indirect_vreg.gather [hbm4b:s8+s2], $0x80, v3, vm0, $0xb8;
	[tilespmem:$0x10080] =	vst v63  }
0x32: {  	s12 =	rddreg [dreg:$0xd]  }
0x33: {  	[tilespmem:s12], [sflag:$0x1] =	stream.indirect_vreg.gather [hbm4b:s9+s2], $0x80, v3, vm0, $0xb8;
	[tilespmem:$0x10080] =	vst v63  }
0x34: {  	s0 =	rddreg [dreg:$0xe]  }
0x35: {  	[tilespmem:s0], [sflag:$0x1] =	stream.indirect_vreg.gather [hbm4b:s10+s2], $0x80, v3, vm0, $0xb8;
	[tilespmem:$0x10080] =	vst v63  }
0x36: {  	v3 =	vld [tilespmem:$0x10];
	_ =	sdelay $0x4  }
0x37: {  	v61 =	vshll.u32 v3, $0x3  }
0x38: {  	v3 =	vand.u32 $0x7, v3;
	v4 =	vand.u32 $0xFFFFFFC0, v61  }
0x39: {  	v3 =	vor.u32 v3, v4  }
0x3a: {  	v4 =	vperm.xlane v3, v0;
	_ =	sdelay $0x1  }
0x3b: {  	v4 =	vadd.s32 v1, v4;
	_ =	sdelay $0x4  }
0x3c: {  	[tilespmem:s11], [sflag:$0x1] =	stream.indirect_vreg.gather [hbm4b:s4+s2], $0x80, v4, vm0, $0xb8;
	[tilespmem:$0x10080] =	vst v63  }
0x3d: {  	s0 =	rddreg [dreg:$0xf];
	v3 =	vperm.xlane v3, v2  }
0x3e: {  	[tilespmem:s0], [sflag:$0x1] =	stream.indirect_vreg.gather [hbm4b:s8+s2], $0x80, v4, vm0, $0xb8;
	[tilespmem:$0x10080] =	vst v63  }
0x3f: {  	s12 =	rddreg [dreg:$0x10];
	v3 =	vadd.s32 v1, v3  }
0x40: {  	[tilespmem:s12], [sflag:$0x1] =	stream.indirect_vreg.gather [hbm4b:s9+s2], $0x80, v4, vm0, $0xb8;
	[tilespmem:$0x10080] =	vst v63  }
0x41: {  	s0 =	rddreg [dreg:$0x11]  }
0x42: {  	[tilespmem:s0], [sflag:$0x1] =	stream.indirect_vreg.gather [hbm4b:s10+s2], $0x80, v4, vm0, $0xb8;
	[tilespmem:$0x10080] =	vst v63  }
0x43: {  	s12 =	rddreg [dreg:$0x12]  }
0x44: {  	[tilespmem:s12], [sflag:$0x1] =	stream.indirect_vreg.gather [hbm4b:s4+s2], $0x80, v3, vm0, $0xb8;
	[tilespmem:$0x10080] =	vst v63  }
0x45: {  	s0 =	rddreg [dreg:$0x13]  }
0x46: {  	[tilespmem:s0], [sflag:$0x1] =	stream.indirect_vreg.gather [hbm4b:s8+s2], $0x80, v3, vm0, $0xb8;
	[tilespmem:$0x10080] =	vst v63  }
0x47: {  	s12 =	simm.s32 $0x7080  }
0x48: {  	[tilespmem:s12], [sflag:$0x1] =	stream.indirect_vreg.gather [hbm4b:s9+s2], $0x80, v3, vm0, $0xb8;
	[tilespmem:$0x10080] =	vst v63  }
0x49: {  	_ = 	snop  }
0x4a: {  	[tilespmem:s13], [sflag:$0x1] =	stream.indirect_vreg.gather [hbm4b:s10+s2], $0x80, v3, vm0, $0xb8;
	[tilespmem:$0x10080] =	vst v63  }
0x4b: {  	v3 =	vld [tilespmem:$0x20];
	_ =	sdelay $0x4  }
0x4c: {  	v62 =	vshll.u32 v3, $0x3  }
0x4d: {  	v3 =	vand.u32 $0x7, v3;
	v4 =	vand.u32 $0xFFFFFFC0, v62  }
0x4e: {  	v3 =	vor.u32 v3, v4  }
0x4f: {  	v4 =	vperm.xlane v3, v0;
	_ =	sdelay $0x1  }
0x50: {  	v4 =	vadd.s32 v1, v4;
	_ =	sdelay $0x4  }
0x51: {  	[tilespmem:s14], [sflag:$0x1] =	stream.indirect_vreg.gather [hbm4b:s4+s2], $0x80, v4, vm0, $0xb8;
	[tilespmem:$0x10080] =	vst v63  }
0x52: {  	v3 =	vperm.xlane v3, v2  }
0x53: {  	[tilespmem:s15], [sflag:$0x1] =	stream.indirect_vreg.gather [hbm4b:s8+s2], $0x80, v4, vm0, $0xb8;
	[tilespmem:$0x10080] =	vst v63  }
0x54: {  	v3 =	vadd.s32 v1, v3  }
0x55: {  	[tilespmem:s16], [sflag:$0x1] =	stream.indirect_vreg.gather [hbm4b:s9+s2], $0x80, v4, vm0, $0xb8;
	[tilespmem:$0x10080] =	vst v63  }
0x56: {  	_ = 	snop  }
0x57: {  	[tilespmem:s17], [sflag:$0x1] =	stream.indirect_vreg.gather [hbm4b:s10+s2], $0x80, v4, vm0, $0xb8;
	[tilespmem:$0x10080] =	vst v63  }
0x58: {  	_ = 	snop  }
0x59: {  	[tilespmem:s18], [sflag:$0x1] =	stream.indirect_vreg.gather [hbm4b:s4+s2], $0x80, v3, vm0, $0xb8;
	[tilespmem:$0x10080] =	vst v63  }
0x5a: {  	_ = 	snop  }
0x5b: {  	[tilespmem:s19], [sflag:$0x1] =	stream.indirect_vreg.gather [hbm4b:s8+s2], $0x80, v3, vm0, $0xb8;
	[tilespmem:$0x10080] =	vst v63  }
0x5c: {  	_ = 	snop  }
0x5d: {  	[tilespmem:s20], [sflag:$0x1] =	stream.indirect_vreg.gather [hbm4b:s9+s2], $0x80, v3, vm0, $0xb8;
	[tilespmem:$0x10080] =	vst v63  }
0x5e: {  	_ = 	snop  }
0x5f: {  	[tilespmem:s21], [sflag:$0x1] =	stream.indirect_vreg.gather [hbm4b:s10+s2], $0x80, v3, vm0, $0xb8;
	[tilespmem:$0x10080] =	vst v63  }
0x60: {  	v3 =	vld [tilespmem:$0x30];
	_ =	sdelay $0x4  }
0x61: {  	v63 =	vshll.u32 v3, $0x3  }
0x62: {  	v3 =	vand.u32 $0x7, v3;
	v4 =	vand.u32 $0xFFFFFFC0, v63  }
0x63: {  	v3 =	vor.u32 v3, v4  }
0x64: {  	v4 =	vperm.xlane v3, v0;
	_ =	sdelay $0x1  }
0x65: {  	v4 =	vadd.s32 v1, v4;
	_ =	sdelay $0x4  }
0x66: {  	[tilespmem:s22], [sflag:$0x1] =	stream.indirect_vreg.gather [hbm4b:s4+s2], $0x80, v4, vm0, $0xb8;
	[tilespmem:$0x10080] =	vst v63  }
0x67: {  	v3 =	vperm.xlane v3, v2  }
0x68: {  	[tilespmem:s23], [sflag:$0x1] =	stream.indirect_vreg.gather [hbm4b:s8+s2], $0x80, v4, vm0, $0xb8;
	[tilespmem:$0x10080] =	vst v63  }
0x69: {  	v3 =	vadd.s32 v1, v3  }
0x6a: {  	[tilespmem:s24], [sflag:$0x1] =	stream.indirect_vreg.gather [hbm4b:s9+s2], $0x80, v4, vm0, $0xb8;
	[tilespmem:$0x10080] =	vst v63  }
0x6b: {  	_ = 	snop  }
0x6c: {  	[tilespmem:s25], [sflag:$0x1] =	stream.indirect_vreg.gather [hbm4b:s10+s2], $0x80, v4, vm0, $0xb8;
	[tilespmem:$0x10080] =	vst v63  }
0x6d: {  	_ = 	snop  }
0x6e: {  	[tilespmem:s26], [sflag:$0x1] =	stream.indirect_vreg.gather [hbm4b:s4+s2], $0x80, v3, vm0, $0xb8;
	[tilespmem:$0x10080] =	vst v63  }
0x6f: {  	_ = 	snop  }
0x70: {  	[tilespmem:s28], [sflag:$0x1] =	stream.indirect_vreg.gather [hbm4b:s8+s2], $0x80, v3, vm0, $0xb8;
	[tilespmem:$0x10080] =	vst v63  }
0x71: {  	_ = 	snop  }
0x72: {  	[tilespmem:s29], [sflag:$0x1] =	stream.indirect_vreg.gather [hbm4b:s9+s2], $0x80, v3, vm0, $0xb8;
	[tilespmem:$0x10080] =	vst v63  }
0x73: {  	_ = 	snop  }
0x74: {  	[tilespmem:s30], [sflag:$0x1] =	stream.indirect_vreg.gather [hbm4b:s10+s2], $0x80, v3, vm0, $0xb8;
	[tilespmem:$0x10080] =	vst v63  }
0x75: {  	_ =	swait.ge [sflag:s31], $0x4000  }
0x76: {  	[sflag:s31] =	ssyncset.done $0x0  }
0x77: {  	[sflag:s31] =	ssyncadd.s32 $0xFFFFC000  }
0x78: {  	[hbm4b:s3+s2] =	stream.linear.scatter [tilespmem:s7], [sflag:$0x2], $0x4000, $0x38;
	[tilespmem:$0x10080] =	vst v63  }
0x79: {  	_ =	swait.ge [sflag:s31], $0x4000  }
0x7a: {  	[sflag:s31] =	ssyncset.done $0x0  }
0x7b: {  	s12 =	rddreg [dreg:$0x5];
	[sflag:s31] =	ssyncadd.s32 $0xFFFFC000  }
0x7c: {  	[hbm4b:s12+s2] =	stream.linear.scatter [tilespmem:s11], [sflag:$0x2], $0x4000, $0x38;
	[tilespmem:$0x10080] =	vst v63  }
0x7d: {  	_ =	swait.ge [sflag:s31], $0x4000  }
0x7e: {  	[sflag:s31] =	ssyncset.done $0x0  }
0x7f: {  	s12 =	rddreg [dreg:$0x6];
	[sflag:s31] =	ssyncadd.s32 $0xFFFFC000  }
0x80: {  	[hbm4b:s12+s2] =	stream.linear.scatter [tilespmem:s14], [sflag:$0x2], $0x4000, $0x38;
	[tilespmem:$0x10080] =	vst v63  }
0x81: {  	_ =	swait.ge [sflag:s31], $0x4000  }
0x82: {  	[sflag:s31] =	ssyncset.done $0x0  }
0x83: {  	s12 =	rddreg [dreg:$0x7];
	[sflag:s31] =	ssyncadd.s32 $0xFFFFC000  }
0x84: {  	[hbm4b:s12+s2] =	stream.linear.scatter [tilespmem:s22], [sflag:$0x2], $0x4000, $0x38;
	[tilespmem:$0x10080] =	vst v63  }
0x85: {  	_ =	swait.ge [sflag:s1], $0x4000  }
0x86: {  	[sflag:s1] =	ssyncset.done $0x0  }
0x87: {  	[sflag:s1] =	ssyncadd.s32 $0xFFFFC000  }
0x88: {  	_ =	swait.ge [sflag:s1], $0x4000  }
0x89: {  	[sflag:s1] =	ssyncset.done $0x0  }
0x8a: {  	[sflag:s1] =	ssyncadd.s32 $0xFFFFC000  }
0x8b: {  	p0 =	sne.s32 s5, $0x1;
	_ =	swait.ge [sflag:s1], $0x4000  }
.Ltmp0:
0x8c: {  	[sflag:s1] =	ssyncset.done $0x0;
	(pc) =	sbr.rel @p0 .LBB2_1-.Ltmp0, $4  }
0x8d: {  	[sflag:s1] =	ssyncadd.s32 $0xFFFFC000  }
0x8e: {  	_ =	swait.ge [sflag:s1], $0x4000  }
0x8f: {  	[sflag:s1] =	ssyncset.done $0x0  }
0x90: {  	s5 =	sadd.s32 $0xFFFFFFFF, s5;
	[sflag:s1] =	ssyncadd.s32 $0xFFFFC000  }
0x91: {  	_ =	sfence.sel $0x180000  }
0x92: {  	[bflag:$0x0] =	sbarrier.arrive $0xFFFF  }
0x93: {  	_ =	strace $0x9000004D  }
0x94: {  	s0 =	stileid.u32;
	[bflag:$0x2] =	sbarrier.arrive $0xFFFF  }
0x95: {  	p0 =	sne.s32 s0, $0x0;
	s0 =	rddreg [dreg:$0x3]  }
0x96: {  	s0 =	sadd.s32 @!p0 $0x100000, s0  }
0x97: {  	[sflag:s0] =	ssyncadd.tile.s32 @!p0 $0x1;
	_ =	shalt  }
.Lfunc_end2:
_tile_overlayer_lowered:
.L_overlay_start_2:
0x98: {  	(tag) =	ssettag $0x2  }
0x99: {  	s0 =	rddreg [dreg:$0x0];
	s2 =	stileid.u32  }
0x9a: {  	s1 =	rddreg [dreg:$0x1];
	p0 =	sne.s32 s2, $0x0  }
0x9b: {  	s3 =	rddreg [dreg:$0x2];
	[bflag:$0x3] =	sbarrier.arrive $0xFFFF;
	s2 =	simm.s32 @!p0 $0x1C03  }
0x9c: {  	[timem:s3], [sflag:s2] =	dma.local @!p0 [hbm:s0], s1  }
0x9d: {  	s0 =	simm.s32 @!p0 $0x3  }
0x9e: {  	_ =	swait.ge @!p0 [sflag:s0], s1  }
0x9f: {  	s1 =	ssub.s32 @!p0 $0x0, s1;
	[sflag:s0] =	ssyncset.done @!p0 $0x0  }
0xa0: {  	[sflag:s0] =	ssyncadd.s32 @!p0 s1  }
0xa1: {  	[bflag:$0x3] =	sbarrier.arrive $0xFFFF  }
0xa2: {  	_ =	shalt  }

// kernel: kernel.21.cloned.1.call-start
scs
__scs_entry_jumppad:
0x0: {  	(pc) =	sbr.rel $0x88, $3  }
0x1: {  	(tag) =	ssettag $0x0;
	lr =	simm.s32 $0x1  }
0x2: {  	[smem:$0x3F9F] =	sst lr;
	_ =	strace $0xD0000000  }
0x3: {  	_ = 	snop  }
0x4: {  	_ = 	snop  }
0x5: {  	_ = 	snop  }
0x6: {  	_ = 	snop  }
0x7: {  	_ = 	snop  }
__scs_overlays_trampoline_lowered:
0x8: {  	[smem:$0x3FAE] =	sst s0  }
0x9: {  	[smem:$0x3FAF] =	sst s1  }
0xa: {  	[smem:$0x3FB0] =	sst s2  }
0xb: {  	[smem:$0x3FB1] =	sst s3  }
0xc: {  	[smem:$0x3FB2] =	sst s4  }
0xd: {  	[smem:$0x3FB3] =	sst s5  }
0xe: {  	[smem:$0x3FB4] =	sst s6  }
0xf: {  	[smem:$0x3FB5] =	sst s7  }
0x10: {  	[smem:$0x3FB6] =	sst s8  }
0x11: {  	[smem:$0x3FB7] =	sst s9;
	s0 =	simm.s32 @!p0 $0x0  }
0x12: {  	s1 =	sld [smem:$0x3F9D];
	s0 =	simm.s32 @p0 $0x1  }
0x13: {  	[smem:$0x3FB8] =	sst s0;
	s0 =	simm.s32 @!p1 $0x0  }
0x14: {  	s2 =	sld [smem:$0x3F9C];
	s0 =	simm.s32 @p1 $0x1  }
0x15: {  	[smem:$0x3FB9] =	sst s0;
	s0 =	simm.s32 @!p2 $0x0  }
0x16: {  	s3 =	sld [smem:$0x3FDB];
	s0 =	simm.s32 @p2 $0x1  }
0x17: {  	s4 =	simm.s32 $0x1BF5;
	[smem:$0x3FBB] =	sst s0  }
0x18: {  	s0 =	sld [smem:$0x3F9E];
	_ =	swait.ge [sflag:s4], $0x0  }
0x19: {  	s7 =	sld [smem:$0x3F9F]  }
0x1a: {  	s8 =	sadd.s32 $0xFFFFE003, lr  }
0x1b: {  	s9 =	sadd.s32 $0xFFFFFEF7, lr;
	s5 =	simm.s32 $0xFFFFFFFF;
	p2 =	slt.u32 s8, $0xFFFFF086  }
0x1c: {  	p1 =	slt.u32 s9, $0xF7A;
	s5 =	simm.s32 @!p2 $0x0  }
0x1d: {  	s5 =	simm.s32 @p1 $0x1;
	p0 =	seq.s32 s7, s2  }
0x1e: {  	s7 =	smul.u32 @!p0 $0xF7A, s2;
	p2 =	seq.s32 @!p0 s5, $0x0  }
0x1f: {  	s9 =	smul.u32 $0xF7A, s1;
	s8 =	simm.s32 @!p0 $0x1BF5;
	p2 =	por !p2, p0  }
0x20: {  	[sflag:s8] =	ssyncset.s32 @!p0 $0xFFFFF086;
	s6 =	sadd.s32 @!p0 s3, s7;
	s7 =	simm.s32 @!p0 $0x108  }
0x21: {  	s3 =	sadd.s32 s3, s9;
	s6 =	sadd.s32 @!p0 $0x88, s6;
	s7 =	simm.s32 @p2 $0x1082  }
0x22: {  	[simem:s7], [sflag:s8] =	dma.local @!p0 [hbm:s6], $0xF7A  }
0x23: {  	s9 =	sor.u32 $0xD0000000, s2;
	s6 =	simm.s32 $0x108;
	_ =	swait.ge @!p0 [sflag:s8], $0x0  }
0x24: {  	s3 =	sadd.s32 $0x88, s3;
	s6 =	simm.s32 @!p1 $0x1082;
	[sflag:s4] =	ssyncset.s32 $0xFFFFF086  }
0x25: {  	[simem:s6], [sflag:s4] =	dma.local [hbm:s3], $0xF7A  }
0x26: {  	[smem:$0x3F9F] =	sst s1;
	(tag) =	ssettag s2;
	_ =	strace s9  }
0x27: {  	s1 =	sld [smem:$0x3FAF]  }
0x28: {  	s2 =	sld [smem:$0x3FB0]  }
0x29: {  	s4 =	sld [smem:$0x3FB2]  }
0x2a: {  	p0 =	seq.s32 s5, $0x0;
	s5 =	sld [smem:$0x3FB3]  }
0x2b: {  	s6 =	sld [smem:$0x3FB4]  }
0x2c: {  	s7 =	sld [smem:$0x3FB5]  }
0x2d: {  	s3 =	simm.s32 $0x108;
	s8 =	sld [smem:$0x3FB6]  }
0x2e: {  	s3 =	simm.s32 @!p0 $0x1082;
	s9 =	sld [smem:$0x3FB7]  }
0x2f: {  	lr =	sadd.s32 s0, s3;
	s0 =	sld [smem:$0x3FAE]  }
0x30: {  	s3 =	sld [smem:$0x3FB1]  }
0x31: {  	[smem:$0x3FBA] =	sst s10  }
0x32: {  	s10 =	sld [smem:$0x3FB8];
	_ =	sdelay $0x3  }
0x33: {  	p0 =	seq.s32 s10, $0x1;
	s10 =	sld [smem:$0x3FBA];
	_ =	sdelay $0x3  }
0x34: {  	[smem:$0x3FBA] =	sst s10  }
0x35: {  	s10 =	sld [smem:$0x3FB9];
	_ =	sdelay $0x3  }
0x36: {  	p1 =	seq.s32 s10, $0x1;
	s10 =	sld [smem:$0x3FBA];
	_ =	sdelay $0x3  }
0x37: {  	[smem:$0x3FBA] =	sst s10  }
0x38: {  	s10 =	sld [smem:$0x3FBB]  }
0x39: {  	_ = 	snop;
	(pc) =	sbr.ind lr, $3  }
0x3a: {  	_ = 	snop  }
0x3b: {  	_ = 	snop  }
0x3c: {  	p2 =	seq.s32 s10, $0x1;
	s10 =	sld [smem:$0x3FBA]  }
0x3d: {  	_ =	shalt  }
0x3e: {  	_ =	shalt  }
0x3f: {  	_ =	shalt  }
0x40: {  	_ =	shalt  }
0x41: {  	_ =	shalt  }
0x42: {  	_ =	shalt  }
0x43: {  	_ =	shalt  }
0x44: {  	_ =	shalt  }
0x45: {  	_ =	shalt  }
0x46: {  	_ =	shalt  }
0x47: {  	_ =	shalt  }
0x48: {  	_ =	shalt  }
0x49: {  	_ =	shalt  }
0x4a: {  	_ =	shalt  }
0x4b: {  	_ =	shalt  }
0x4c: {  	_ =	shalt  }
0x4d: {  	_ =	shalt  }
0x4e: {  	_ =	shalt  }
0x4f: {  	_ =	shalt  }
0x50: {  	_ =	shalt  }
0x51: {  	_ =	shalt  }
0x52: {  	_ =	shalt  }
0x53: {  	_ =	shalt  }
0x54: {  	_ =	shalt  }
0x55: {  	_ =	shalt  }
0x56: {  	_ =	shalt  }
0x57: {  	_ =	shalt  }
0x58: {  	_ =	shalt  }
0x59: {  	_ =	shalt  }
0x5a: {  	_ =	shalt  }
0x5b: {  	_ =	shalt  }
0x5c: {  	_ =	shalt  }
0x5d: {  	_ =	shalt  }
0x5e: {  	_ =	shalt  }
0x5f: {  	_ =	shalt  }
0x60: {  	_ =	shalt  }
0x61: {  	_ =	shalt  }
0x62: {  	_ =	shalt  }
0x63: {  	_ =	shalt  }
0x64: {  	_ =	shalt  }
0x65: {  	_ =	shalt  }
0x66: {  	_ =	shalt  }
0x67: {  	_ =	shalt  }
0x68: {  	_ =	shalt  }
0x69: {  	_ =	shalt  }
0x6a: {  	_ =	shalt  }
0x6b: {  	_ =	shalt  }
0x6c: {  	_ =	shalt  }
0x6d: {  	_ =	shalt  }
0x6e: {  	_ =	shalt  }
0x6f: {  	_ =	shalt  }
0x70: {  	_ =	shalt  }
0x71: {  	_ =	shalt  }
0x72: {  	_ =	shalt  }
0x73: {  	_ =	shalt  }
0x74: {  	_ =	shalt  }
0x75: {  	_ =	shalt  }
0x76: {  	_ =	shalt  }
0x77: {  	_ =	shalt  }
0x78: {  	_ =	shalt  }
0x79: {  	_ =	shalt  }
0x7a: {  	_ =	shalt  }
0x7b: {  	_ =	shalt  }
0x7c: {  	_ =	shalt  }
0x7d: {  	_ =	shalt  }
0x7e: {  	_ =	shalt  }
0x7f: {  	_ =	shalt  }
0x80: {  	_ =	shalt  }
0x81: {  	_ =	shalt  }
0x82: {  	_ =	shalt  }
0x83: {  	_ =	shalt  }
0x84: {  	_ =	shalt  }
0x85: {  	_ =	shalt  }
0x86: {  	_ =	shalt  }
0x87: {  	_ =	shalt  }
.Lfunc_end0:
.L_simem_size_0:
called_computation.3_lowered:
.L_overlay_start_0:
0x88: {  	s2 =	sld [smem:$0x3FD9]  }
0x89: {  	s3 =	sld [smem:$0x3FFE];
	_ =	sdelay $0x1  }
0x8a: {  	s1 =	srdreg.scid  }
0x8b: {  	s0 =	sand.u32 $0x1, s1  }
0x8c: {  	s17 =	sshll.u32 s0, $0xA;
	s2 =	sadd.s32 s3, s2  }
0x8d: {  	s2 =	sadd.s32 s2, s17  }
0x8e: {  	[smem:$0x3FC6] =	sst s2  }
0x8f: {  	_ = 	snop  }
0x90: {  	s18 =	sld [smem:$0x3FC8];
	(tm) =	ssettm $0x1  }
0x91: {  	s19 =	sld [smem:$0x3FFB];
	_ =	sdelay $0x3  }
0x92: {  	_ =	strace s19  }
0x93: {  	s2 =	sld [smem:$0x3FFC];
	_ =	sdelay $0x3  }
0x94: {  	_ =	strace s2  }
0x95: {  	s2 =	sld [smem:$0x3FFD];
	_ =	sdelay $0x3  }
0x96: {  	_ =	strace s2  }
0x97: {  	_ =	strace $0x8FFFFFFF  }
0x98: {  	s20 =	sld [smem:$0x3FDB];
	_ =	sdelay $0x1  }
0x99: {  	s4 =	simm.s32 $_scs_section_size  }
0x9a: {  	s5 =	simm.s32 $_size__tile_overlayer_lowered;
	s6 =	simm.s32 $_tile_overlayer_lowered  }
0x9b: {  	s7 =	simm.s32 $0x1BFF;
	s21 =	sshll.u32 s6, $0x1;
	s4 =	sadd.s32 s4, s20  }
0x9c: {  	s22 =	simm.s32 $0x0;
	s5 =	sshll.u32 s5, $0x1;
	s6 =	sadd.s32 s21, s4  }
0x9d: {  	[timem:s22], [sflag:s7] =	dma.local [hbm:s6], s5  }
0x9e: {  	_ =	swait.ge [sflag:s7], s5  }
0x9f: {  	s5 =	ssub.s32 $0x0, s5;
	[sflag:s7] =	ssyncset.done $0x0  }
0xa0: {  	[sflag:s7] =	ssyncadd.s32 s5;
	_ =	sdelay $0x1  }
0xa1: {  	s23 =	simm.s32 $0x1B8B  }
0xa2: {  	_ =	swait.ge [sflag:s23], $0x1  }
0xa3: {  	[sflag:s23] =	ssyncset.done $0x0  }
0xa4: {  	[sflag:s23] =	ssyncadd.s32 $0xFFFFFFFF  }
0xa5: {  	s5 =	sld [smem:$0x0]  }
0xa6: {  	s6 =	sand.u32 $0xFFFFFFFE, s1  }
0xa7: {  	p0 =	sne.s32 s1, s6  }
0xa8: {  	s6 =	sshll.u32 @p0 s6, $0xE  }
0xa9: {  	s6 =	sadd.s32 @p0 $0x11B8D, s6;
	s7 =	sshll.u32 @p0 s5, $0x11  }
0xaa: {  	s6 =	sor.u32 @p0 s7, s6  }
0xab: {  	[sflag:s6] =	ssyncadd.remote.s32 @p0 $0x1;
	_ =	sdelay $0x1  }
0xac: {  	s6 =	simm.s32 @p0 $0x1B8D  }
0xad: {  	_ =	swait.eq @p0 [sflag:s6], $0x1  }
0xae: {  	[sflag:s6] =	ssyncadd.s32 @p0 $0xFFFFFFFF  }
0xaf: {  	s7 =	sshll.u32 @!p0 s1, $0xE  }
0xb0: {  	s7 =	sor.u32 @!p0 $0x4000, s7;
	s6 =	simm.s32 @!p0 $0x1B8D  }
0xb1: {  	s5 =	sshll.u32 @!p0 s5, $0x11;
	s7 =	sadd.s32 @!p0 $0x11B8D, s7;
	_ =	swait.eq @!p0 [sflag:s6], $0x1  }
0xb2: {  	s5 =	sor.u32 @!p0 s5, s7;
	[sflag:s6] =	ssyncadd.s32 @!p0 $0xFFFFFFFF  }
0xb3: {  	s25 =	simm.s32 $0x1B8E;
	s24 =	sld [smem:$0x3FFE];
	[sflag:s5] =	ssyncadd.remote.s32 @!p0 $0x1  }
0xb4: {  	s26 =	simm.s32 $execute0_lowered;
	[smem:$0x3FD2] =	sst s25  }
0xb5: {  	s6 =	sshll.u32 s26, $0x1;
	_ =	strace $0x8000004F;
	[dreg:$0x1] =	wrdreg $0xFFFFFFFF  }
0xb6: {  	s28 =	simm.s32 $_size_execute0_lowered;
	s4 =	sadd.s32 s4, s6;
	[dreg:$0x0] =	wrdreg $0x0  }
0xb7: {  	s6 =	sshll.u32 s28, $0x1;
	[dreg:$0x2] =	wrdreg s4  }
0xb8: {  	[dreg:$0x3] =	wrdreg s6  }
0xb9: {  	[dreg:$0x4] =	wrdreg $0xC0  }
0xba: {  	_ =	task [dreg:s22], $0x5FFFF  }
0xbb: {  	[dreg:$0x1] =	wrdreg $0xFFFFFFFF  }
0xbc: {  	[dreg:$0x0] =	wrdreg $0x60  }
0xbd: {  	[dreg:$0x2] =	wrdreg s18  }
0xbe: {  	[dreg:$0x3] =	wrdreg s24  }
0xbf: {  	[dreg:$0x4] =	wrdreg $0x9  }
0xc0: {  	_ =	task.clear_ibuf [dreg:s22], $0x5FFFF;
	_ =	strace $0x9000004F  }
0xc1: {  	s29 =	simm.s32 $0x9;
	_ =	strace $0x80000051  }
0xc2: {  	_ =	swait.ge [sflag:s29], $0x1  }
0xc3: {  	[sflag:s29] =	ssyncadd.s32 $0xFFFFFFFF  }
0xc4: {  	_ =	strace $0x90000051  }
0xc5: {  	_ =	sfence  }
0xc6: {  	s30 =	sld [smem:$0x0];
	_ =	sdelay $0x2  }
0xc7: {  	s31 =	sshll.u32 s1, $0xD;
	s1 =	sshrl.u32 s1, $0x2  }
0xc8: {  	s4 =	sand.u32 $0x4000, s31;
	s1 =	sadd.s32 s1, s30  }
0xc9: {  	s0 =	sor.u32 s4, s0;
	s1 =	sshll.u32 s1, $0x11  }
0xca: {  	s0 =	sor.u32 s1, s0  }
0xcb: {  	s0 =	sadd.s32 $0x8F2B, s0  }
0xcc: {  	[sflag:s0] =	ssyncadd.remote.s32 $0x1  }
0xcd: {  	_ =	sfence.sel $0xFFFF  }
0xce: {  	[dreg:$0x0] =	wrdreg $0xFFFFFFFF;
	(pc) =	sbr.abs _section_cstart, $3  }
0xcf: {  	[dreg:$0x1] =	wrdreg $0xFFFFFFFF  }
0xd0: {  	_ =	task.clear_ibuf [dreg:s22], $0x2FFFF;
	_ =	strace $0x9FFFFFFF  }
0xd1: {  	(tm) =	ssettm $0x7FFFFFFF  }
tec
execute0_lowered:
.L_overlay_start_1:
0x0: {  	(tag) =	ssettag $0x1  }
0x1: {  	s1 =	srdreg.scid  }
0x2: {  	s0 =	stileid.u32;
	s3 =	rddreg [dreg:$0x0]  }
0x3: {  	s5 =	rddreg [dreg:$0x1];
	s15 =	simm.s32 $0x880;
	s16 =	simm.s32 $0x1080  }
0x4: {  	s17 =	simm.s32 $0x1880;
	s19 =	simm.s32 $0x2080;
	s1 =	sand.u32 $0x1, s1  }
0x5: {  	s20 =	simm.s32 $0x2880;
	s2 =	sshll.u32 s0, $0x7;
	s4 =	sshll.u32 s1, $0x6  }
0x6: {  	s21 =	simm.s32 $0x3080;
	s4 =	sor.u32 s4, s2;
	s2 =	simm.s32 $0x0  }
0x7: {  	s22 =	simm.s32 $0x3880;
	s23 =	simm.s32 $0x4880;
	[smem:$0x7FF] =	sst s2  }
0x8: {  	s24 =	simm.s32 $0x5080;
	_ =	strace $0x80000050;
	[dreg:$0x8] =	wrdreg s15  }
0x9: {  	s25 =	simm.s32 $0x5880;
	s26 =	simm.s32 $0x6080;
	[dreg:$0x9] =	wrdreg s16  }
0xa: {  	s10 =	simm.s32 $0x4080;
	s28 =	simm.s32 $0xE880;
	[dreg:$0xa] =	wrdreg s17  }
0xb: {  	s29 =	simm.s32 $0xF080;
	s30 =	simm.s32 $0xF880;
	[dreg:$0xb] =	wrdreg s19  }
0xc: {  	s31 =	simm.s32 $0x1;
	s3 =	sadd.s32 $0x20000, s3;
	[dreg:$0xc] =	wrdreg s20  }
0xd: {  	s1 =	ssub.s32 $0x2, s1;
	s7 =	sadd.s32 $0x100, s3;
	[dreg:$0xd] =	wrdreg s21  }
0xe: {  	s8 =	sadd.s32 $0x200, s3;
	s9 =	sadd.s32 $0x300, s3;
	[dreg:$0xe] =	wrdreg s22  }
0xf: {  	s18 =	sshrl.u32 s1, $0x1;
	s6 =	sshrl.u32 s4, $0x3;
	[dreg:$0xf] =	wrdreg s23  }
0x10: {  	s4 =	sshll.u32 s4, $0x7;
	s1 =	ssub.s32 s1, s18;
	[dreg:$0x10] =	wrdreg s24  }
0x11: {  	s18 =	simm.s32 $0xA080;
	s6 =	sadd.s32 s6, s5;
	[dreg:$0x11] =	wrdreg s25  }
0x12: {  	s4 =	sadd.s32 s4, s5;
	s5 =	simm.s32 $0x3;
	[dreg:$0x12] =	wrdreg s26  }
0x13: {  	s15 =	simm.s32 $0x8880;
	s16 =	simm.s32 $0x9080;
	s17 =	simm.s32 $0x9880  }
0x14: {  	s19 =	simm.s32 $0xA880;
	s20 =	simm.s32 $0xB080;
	s21 =	simm.s32 $0xB880  }
0x15: {  	s22 =	simm.s32 $0xC080;
	s23 =	simm.s32 $0xC880;
	s11 =	sadd.s32 $0x45400, s6  }
0x16: {  	s24 =	simm.s32 $0xD080;
	s12 =	sadd.s32 $0x45600, s4;
	[dreg:$0x3] =	wrdreg s11  }
0x17: {  	s25 =	simm.s32 $0xD880;
	s13 =	sadd.s32 $0x45E00, s4;
	[dreg:$0x4] =	wrdreg s12  }
0x18: {  	s26 =	simm.s32 $0xE080;
	s14 =	sadd.s32 $0x46600, s4;
	[dreg:$0x5] =	wrdreg s13  }
0x19: {  	v2 =	vlaneseq.u32;
	s4 =	sadd.s32 $0x46E00, s4;
	s6 =	simm.s32 $0x80;
	[dreg:$0x6] =	wrdreg s14  }
0x1a: {  	vm0 =	vmmov $0xffff;
	v1 =	vshrl.u32 v2, $0x3;
	[dreg:$0x7] =	wrdreg s4;
	s4 =	smax.u32 s1, $0x1;
	s12 =	simm.s32 $0x7080  }
0x1b: {  	v0 =	vand.u32 $0x7, v2;
	v2 =	vor.u32 $0x8, v2;
	v1 =	vmul.u32 $0x8, v1;
	s13 =	simm.s32 $0x7880;
	s14 =	simm.s32 $0x8080;
	s1 =	simm.s32 $0x2  }
.LBB2_1:
0x1c: {  	s0 =	rddreg [dreg:$0x3]  }
0x1d: {  	[tilespmem:s2], [sflag:$0x3] =	stream.linear.gather [hbm4b:s0+s2], $0x40, $0x38;
	[tilespmem:$0x10080] =	vst v63  }
0x1e: {  	_ =	swait.ge [sflag:s5], $0x40  }
0x1f: {  	[sflag:s5] =	ssyncset.done $0x0  }
0x20: {  	[sflag:s5] =	ssyncadd.s32 $0xFFFFFFC0  }
0x21: {  	v3 =	vld [tilespmem:$0x0];
	_ =	sdelay $0x4  }
0x22: {  	v4 =	vshll.u32 v3, $0x3  }
0x23: {  	v3 =	vand.u32 $0x7, v3;
	v4 =	vand.u32 $0xFFFFFFC0, v4  }
0x24: {  	v3 =	vor.u32 v3, v4  }
0x25: {  	v4 =	vperm.xlane v3, v0;
	_ =	sdelay $0x1  }
0x26: {  	v4 =	vadd.s32 v1, v4;
	_ =	sdelay $0x4  }
0x27: {  	[tilespmem:s6], [sflag:$0x1] =	stream.indirect_vreg.gather [hbm4b:s3+s2], $0x80, v4, vm0, $0xb8;
	[tilespmem:$0x10080] =	vst v63  }
0x28: {  	s0 =	rddreg [dreg:$0x8];
	v3 =	vperm.xlane v3, v2  }
0x29: {  	[tilespmem:s0], [sflag:$0x1] =	stream.indirect_vreg.gather [hbm4b:s7+s2], $0x80, v4, vm0, $0xb8;
	[tilespmem:$0x10080] =	vst v63  }
0x2a: {  	s11 =	rddreg [dreg:$0x9];
	v3 =	vadd.s32 v1, v3  }
0x2b: {  	[tilespmem:s11], [sflag:$0x1] =	stream.indirect_vreg.gather [hbm4b:s8+s2], $0x80, v4, vm0, $0xb8;
	[tilespmem:$0x10080] =	vst v63  }
0x2c: {  	s0 =	rddreg [dreg:$0xa]  }
0x2d: {  	[tilespmem:s0], [sflag:$0x1] =	stream.indirect_vreg.gather [hbm4b:s9+s2], $0x80, v4, vm0, $0xb8;
	[tilespmem:$0x10080] =	vst v63  }
0x2e: {  	s11 =	rddreg [dreg:$0xb]  }
0x2f: {  	[tilespmem:s11], [sflag:$0x1] =	stream.indirect_vreg.gather [hbm4b:s3+s2], $0x80, v3, vm0, $0xb8;
	[tilespmem:$0x10080] =	vst v63  }
0x30: {  	s0 =	rddreg [dreg:$0xc]  }
0x31: {  	[tilespmem:s0], [sflag:$0x1] =	stream.indirect_vreg.gather [hbm4b:s7+s2], $0x80, v3, vm0, $0xb8;
	[tilespmem:$0x10080] =	vst v63  }
0x32: {  	s11 =	rddreg [dreg:$0xd]  }
0x33: {  	[tilespmem:s11], [sflag:$0x1] =	stream.indirect_vreg.gather [hbm4b:s8+s2], $0x80, v3, vm0, $0xb8;
	[tilespmem:$0x10080] =	vst v63  }
0x34: {  	s0 =	rddreg [dreg:$0xe]  }
0x35: {  	[tilespmem:s0], [sflag:$0x1] =	stream.indirect_vreg.gather [hbm4b:s9+s2], $0x80, v3, vm0, $0xb8;
	[tilespmem:$0x10080] =	vst v63  }
0x36: {  	v3 =	vld [tilespmem:$0x10];
	_ =	sdelay $0x4  }
0x37: {  	v61 =	vshll.u32 v3, $0x3  }
0x38: {  	v3 =	vand.u32 $0x7, v3;
	v4 =	vand.u32 $0xFFFFFFC0, v61  }
0x39: {  	v3 =	vor.u32 v3, v4  }
0x3a: {  	v4 =	vperm.xlane v3, v0;
	_ =	sdelay $0x1  }
0x3b: {  	v4 =	vadd.s32 v1, v4;
	_ =	sdelay $0x4  }
0x3c: {  	[tilespmem:s10], [sflag:$0x1] =	stream.indirect_vreg.gather [hbm4b:s3+s2], $0x80, v4, vm0, $0xb8;
	[tilespmem:$0x10080] =	vst v63  }
0x3d: {  	s0 =	rddreg [dreg:$0xf];
	v3 =	vperm.xlane v3, v2  }
0x3e: {  	[tilespmem:s0], [sflag:$0x1] =	stream.indirect_vreg.gather [hbm4b:s7+s2], $0x80, v4, vm0, $0xb8;
	[tilespmem:$0x10080] =	vst v63  }
0x3f: {  	s11 =	rddreg [dreg:$0x10];
	v3 =	vadd.s32 v1, v3  }
0x40: {  	[tilespmem:s11], [sflag:$0x1] =	stream.indirect_vreg.gather [hbm4b:s8+s2], $0x80, v4, vm0, $0xb8;
	[tilespmem:$0x10080] =	vst v63  }
0x41: {  	s0 =	rddreg [dreg:$0x11]  }
0x42: {  	[tilespmem:s0], [sflag:$0x1] =	stream.indirect_vreg.gather [hbm4b:s9+s2], $0x80, v4, vm0, $0xb8;
	[tilespmem:$0x10080] =	vst v63  }
0x43: {  	s11 =	rddreg [dreg:$0x12]  }
0x44: {  	[tilespmem:s11], [sflag:$0x1] =	stream.indirect_vreg.gather [hbm4b:s3+s2], $0x80, v3, vm0, $0xb8;
	[tilespmem:$0x10080] =	vst v63  }
0x45: {  	s11 =	simm.s32 $0x6880  }
0x46: {  	[tilespmem:s11], [sflag:$0x1] =	stream.indirect_vreg.gather [hbm4b:s7+s2], $0x80, v3, vm0, $0xb8;
	[tilespmem:$0x10080] =	vst v63  }
0x47: {  	_ = 	snop  }
0x48: {  	[tilespmem:s12], [sflag:$0x1] =	stream.indirect_vreg.gather [hbm4b:s8+s2], $0x80, v3, vm0, $0xb8;
	[tilespmem:$0x10080] =	vst v63  }
0x49: {  	_ = 	snop  }
0x4a: {  	[tilespmem:s13], [sflag:$0x1] =	stream.indirect_vreg.gather [hbm4b:s9+s2], $0x80, v3, vm0, $0xb8;
	[tilespmem:$0x10080] =	vst v63  }
0x4b: {  	v3 =	vld [tilespmem:$0x20];
	_ =	sdelay $0x4  }
0x4c: {  	v62 =	vshll.u32 v3, $0x3  }
0x4d: {  	v3 =	vand.u32 $0x7, v3;
	v4 =	vand.u32 $0xFFFFFFC0, v62  }
0x4e: {  	v3 =	vor.u32 v3, v4  }
0x4f: {  	v4 =	vperm.xlane v3, v0;
	_ =	sdelay $0x1  }
0x50: {  	v4 =	vadd.s32 v1, v4;
	_ =	sdelay $0x4  }
0x51: {  	[tilespmem:s14], [sflag:$0x1] =	stream.indirect_vreg.gather [hbm4b:s3+s2], $0x80, v4, vm0, $0xb8;
	[tilespmem:$0x10080] =	vst v63  }
0x52: {  	v3 =	vperm.xlane v3, v2  }
0x53: {  	[tilespmem:s15], [sflag:$0x1] =	stream.indirect_vreg.gather [hbm4b:s7+s2], $0x80, v4, vm0, $0xb8;
	[tilespmem:$0x10080] =	vst v63  }
0x54: {  	v3 =	vadd.s32 v1, v3  }
0x55: {  	[tilespmem:s16], [sflag:$0x1] =	stream.indirect_vreg.gather [hbm4b:s8+s2], $0x80, v4, vm0, $0xb8;
	[tilespmem:$0x10080] =	vst v63  }
0x56: {  	_ = 	snop  }
0x57: {  	[tilespmem:s17], [sflag:$0x1] =	stream.indirect_vreg.gather [hbm4b:s9+s2], $0x80, v4, vm0, $0xb8;
	[tilespmem:$0x10080] =	vst v63  }
0x58: {  	_ = 	snop  }
0x59: {  	[tilespmem:s18], [sflag:$0x1] =	stream.indirect_vreg.gather [hbm4b:s3+s2], $0x80, v3, vm0, $0xb8;
	[tilespmem:$0x10080] =	vst v63  }
0x5a: {  	_ = 	snop  }
0x5b: {  	[tilespmem:s19], [sflag:$0x1] =	stream.indirect_vreg.gather [hbm4b:s7+s2], $0x80, v3, vm0, $0xb8;
	[tilespmem:$0x10080] =	vst v63  }
0x5c: {  	_ = 	snop  }
0x5d: {  	[tilespmem:s20], [sflag:$0x1] =	stream.indirect_vreg.gather [hbm4b:s8+s2], $0x80, v3, vm0, $0xb8;
	[tilespmem:$0x10080] =	vst v63  }
0x5e: {  	_ = 	snop  }
0x5f: {  	[tilespmem:s21], [sflag:$0x1] =	stream.indirect_vreg.gather [hbm4b:s9+s2], $0x80, v3, vm0, $0xb8;
	[tilespmem:$0x10080] =	vst v63  }
0x60: {  	v3 =	vld [tilespmem:$0x30];
	_ =	sdelay $0x4  }
0x61: {  	v63 =	vshll.u32 v3, $0x3  }
0x62: {  	v3 =	vand.u32 $0x7, v3;
	v4 =	vand.u32 $0xFFFFFFC0, v63  }
0x63: {  	v3 =	vor.u32 v3, v4  }
0x64: {  	v4 =	vperm.xlane v3, v0;
	_ =	sdelay $0x1  }
0x65: {  	v4 =	vadd.s32 v1, v4;
	_ =	sdelay $0x4  }
0x66: {  	[tilespmem:s22], [sflag:$0x1] =	stream.indirect_vreg.gather [hbm4b:s3+s2], $0x80, v4, vm0, $0xb8;
	[tilespmem:$0x10080] =	vst v63  }
0x67: {  	v3 =	vperm.xlane v3, v2  }
0x68: {  	[tilespmem:s23], [sflag:$0x1] =	stream.indirect_vreg.gather [hbm4b:s7+s2], $0x80, v4, vm0, $0xb8;
	[tilespmem:$0x10080] =	vst v63  }
0x69: {  	v3 =	vadd.s32 v1, v3  }
0x6a: {  	[tilespmem:s24], [sflag:$0x1] =	stream.indirect_vreg.gather [hbm4b:s8+s2], $0x80, v4, vm0, $0xb8;
	[tilespmem:$0x10080] =	vst v63  }
0x6b: {  	_ = 	snop  }
0x6c: {  	[tilespmem:s25], [sflag:$0x1] =	stream.indirect_vreg.gather [hbm4b:s9+s2], $0x80, v4, vm0, $0xb8;
	[tilespmem:$0x10080] =	vst v63  }
0x6d: {  	_ = 	snop  }
0x6e: {  	[tilespmem:s26], [sflag:$0x1] =	stream.indirect_vreg.gather [hbm4b:s3+s2], $0x80, v3, vm0, $0xb8;
	[tilespmem:$0x10080] =	vst v63  }
0x6f: {  	_ = 	snop  }
0x70: {  	[tilespmem:s28], [sflag:$0x1] =	stream.indirect_vreg.gather [hbm4b:s7+s2], $0x80, v3, vm0, $0xb8;
	[tilespmem:$0x10080] =	vst v63  }
0x71: {  	_ = 	snop  }
0x72: {  	[tilespmem:s29], [sflag:$0x1] =	stream.indirect_vreg.gather [hbm4b:s8+s2], $0x80, v3, vm0, $0xb8;
	[tilespmem:$0x10080] =	vst v63  }
0x73: {  	_ = 	snop  }
0x74: {  	[tilespmem:s30], [sflag:$0x1] =	stream.indirect_vreg.gather [hbm4b:s9+s2], $0x80, v3, vm0, $0xb8;
	[tilespmem:$0x10080] =	vst v63  }
0x75: {  	_ =	swait.ge [sflag:s31], $0x4000  }
0x76: {  	[sflag:s31] =	ssyncset.done $0x0  }
0x77: {  	s11 =	rddreg [dreg:$0x4];
	[sflag:s31] =	ssyncadd.s32 $0xFFFFC000  }
0x78: {  	[hbm4b:s11+s2] =	stream.linear.scatter [tilespmem:s6], [sflag:$0x2], $0x4000, $0x38;
	[tilespmem:$0x10080] =	vst v63  }
0x79: {  	_ =	swait.ge [sflag:s31], $0x4000  }
0x7a: {  	[sflag:s31] =	ssyncset.done $0x0  }
0x7b: {  	s11 =	rddreg [dreg:$0x5];
	[sflag:s31] =	ssyncadd.s32 $0xFFFFC000  }
0x7c: {  	[hbm4b:s11+s2] =	stream.linear.scatter [tilespmem:s10], [sflag:$0x2], $0x4000, $0x38;
	[tilespmem:$0x10080] =	vst v63  }
0x7d: {  	_ =	swait.ge [sflag:s31], $0x4000  }
0x7e: {  	[sflag:s31] =	ssyncset.done $0x0  }
0x7f: {  	s11 =	rddreg [dreg:$0x6];
	[sflag:s31] =	ssyncadd.s32 $0xFFFFC000  }
0x80: {  	[hbm4b:s11+s2] =	stream.linear.scatter [tilespmem:s14], [sflag:$0x2], $0x4000, $0x38;
	[tilespmem:$0x10080] =	vst v63  }
0x81: {  	_ =	swait.ge [sflag:s31], $0x4000  }
0x82: {  	[sflag:s31] =	ssyncset.done $0x0  }
0x83: {  	s11 =	rddreg [dreg:$0x7];
	[sflag:s31] =	ssyncadd.s32 $0xFFFFC000  }
0x84: {  	[hbm4b:s11+s2] =	stream.linear.scatter [tilespmem:s22], [sflag:$0x2], $0x4000, $0x38;
	[tilespmem:$0x10080] =	vst v63  }
0x85: {  	_ =	swait.ge [sflag:s1], $0x4000  }
0x86: {  	[sflag:s1] =	ssyncset.done $0x0  }
0x87: {  	[sflag:s1] =	ssyncadd.s32 $0xFFFFC000  }
0x88: {  	_ =	swait.ge [sflag:s1], $0x4000  }
0x89: {  	[sflag:s1] =	ssyncset.done $0x0  }
0x8a: {  	[sflag:s1] =	ssyncadd.s32 $0xFFFFC000  }
0x8b: {  	p0 =	sne.s32 s4, $0x1;
	_ =	swait.ge [sflag:s1], $0x4000  }
.Ltmp0:
0x8c: {  	[sflag:s1] =	ssyncset.done $0x0;
	(pc) =	sbr.rel @p0 .LBB2_1-.Ltmp0, $4  }
0x8d: {  	[sflag:s1] =	ssyncadd.s32 $0xFFFFC000  }
0x8e: {  	_ =	swait.ge [sflag:s1], $0x4000  }
0x8f: {  	[sflag:s1] =	ssyncset.done $0x0  }
0x90: {  	s4 =	sadd.s32 $0xFFFFFFFF, s4;
	[sflag:s1] =	ssyncadd.s32 $0xFFFFC000  }
0x91: {  	_ =	sfence.sel $0x180000  }
0x92: {  	[bflag:$0x0] =	sbarrier.arrive $0xFFFF  }
0x93: {  	_ =	strace $0x90000050  }
0x94: {  	s0 =	stileid.u32;
	[bflag:$0x2] =	sbarrier.arrive $0xFFFF  }
0x95: {  	p0 =	sne.s32 s0, $0x0;
	s0 =	rddreg [dreg:$0x2]  }
0x96: {  	s0 =	sadd.s32 @!p0 $0x100000, s0  }
0x97: {  	[sflag:s0] =	ssyncadd.tile.s32 @!p0 $0x1;
	_ =	shalt  }
.Lfunc_end2:
_tile_overlayer_lowered:
.L_overlay_start_2:
0x98: {  	(tag) =	ssettag $0x2  }
0x99: {  	s0 =	rddreg [dreg:$0x0];
	s2 =	stileid.u32  }
0x9a: {  	s1 =	rddreg [dreg:$0x1];
	p0 =	sne.s32 s2, $0x0  }
0x9b: {  	s3 =	rddreg [dreg:$0x2];
	[bflag:$0x3] =	sbarrier.arrive $0xFFFF;
	s2 =	simm.s32 @!p0 $0x1C03  }
0x9c: {  	[timem:s3], [sflag:s2] =	dma.local @!p0 [hbm:s0], s1  }
0x9d: {  	s0 =	simm.s32 @!p0 $0x3  }
0x9e: {  	_ =	swait.ge @!p0 [sflag:s0], s1  }
0x9f: {  	s1 =	ssub.s32 @!p0 $0x0, s1;
	[sflag:s0] =	ssyncset.done @!p0 $0x0  }
0xa0: {  	[sflag:s0] =	ssyncadd.s32 @!p0 s1  }
0xa1: {  	[bflag:$0x3] =	sbarrier.arrive $0xFFFF  }
0xa2: {  	_ =	shalt  }

</sc_bundles>
